<compile_context>
chip_gen: v7x
topology: tpu7x:2x2x1
jax: 0.10.2.dev20260603
libtpu: 0.0.44.dev20260713+nightly
codegen_flags: <defaults>
</compile_context>

<pallas_src>
import functools

import jax
import jax.numpy as jnp
from jax import lax
from jax.experimental import pallas as pl
from jax.experimental.pallas import tpu as pltpu
from jax.experimental.pallas import tpu_sc as plsc

N_NODES = 10000
N_EDGES = 320000
D_IN = 128

NC = 2
NS = 16
CW = 64
K = 128
NB = 6
EPW = N_EDGES // NS
NCHUNK = -(-EPW // K)
EPW_PAD = NCHUNK * K
N_PAD = N_NODES + 16
RPT = N_NODES // NS


def _make_sc_agg(with_count):
    mesh = plsc.VectorSubcoreMesh(
        core_axis_name="c", subcore_axis_name="s", num_cores=NC, num_subcores=NS
    )
    out_type = [jax.ShapeDtypeStruct((N_NODES, NC * CW), jnp.float32)]
    scratch = [
        pltpu.VMEM((NCHUNK, K), jnp.int32),
        pltpu.VMEM((NCHUNK, K), jnp.int32),
        [pltpu.VMEM((K, CW), jnp.float32) for _ in range(NB)],
        pltpu.VMEM_SHARED((N_PAD, CW), jnp.float32),
        [pltpu.SemaphoreType.DMA for _ in range(NB)],
    ]
    if with_count:
        out_type.append(jax.ShapeDtypeStruct((N_NODES,), jnp.float32))
        scratch.append(pltpu.VMEM((K,), jnp.float32))
        scratch.append(pltpu.VMEM_SHARED((N_PAD,), jnp.float32))

    @functools.partial(
        pl.kernel,
        out_type=out_type,
        mesh=mesh,
        compiler_params=pltpu.CompilerParams(use_tc_tiling_on_sc=False),
        scratch_types=scratch,
    )
    def agg(tbl_hbm, src_hbm, dst_hbm, *rest):
        if with_count:
            (zcnt_hbm, out_hbm, cnt_hbm,
             sidx, didx, rows, acc, gsem, ones, cnt) = rest
        else:
            (out_hbm, sidx, didx, rows, acc, gsem) = rest
        c = lax.axis_index("c")
        s = lax.axis_index("s")
        r0 = s * RPT
        pltpu.async_copy(src_hbm.at[s], sidx, gsem[0])
        pltpu.async_copy(dst_hbm.at[s], didx, gsem[1])

        def zbody(r, carry):
            for u in range(CW // 16):
                rows[0][r, pl.ds(u * 16, 16)] = jnp.zeros((16,), jnp.float32)
            return carry

        lax.fori_loop(0, K, zbody, 0)
        nz = RPT // K
        for t in range(nz):
            pltpu.async_copy(rows[0], acc.at[pl.ds(r0 + t * K, K)], gsem[2])
        pltpu.async_copy(rows[0].at[pl.ds(0, RPT % K)],
                         acc.at[pl.ds(r0 + nz * K, RPT % K)], gsem[3])
        pltpu.make_async_copy(src_hbm.at[s], sidx, gsem[0]).wait()
        pltpu.make_async_copy(dst_hbm.at[s], didx, gsem[1]).wait()
        for t in range(nz):
            pltpu.make_async_copy(rows[0], acc.at[pl.ds(r0 + t * K, K)],
                                  gsem[2]).wait()
        pltpu.make_async_copy(rows[0].at[pl.ds(0, RPT % K)],
                              acc.at[pl.ds(r0 + nz * K, RPT % K)],
                              gsem[3]).wait()
        if with_count:
            @pl.when(s == 0)
            def _():
                pltpu.sync_copy(zcnt_hbm, cnt.at[pl.ds(0, N_NODES)])
            for v in range(K // 16):
                ones[pl.ds(v * 16, 16)] = jnp.ones((16,), jnp.float32)
        plsc.subcore_barrier()

        def gfire(i, b):
            pltpu.async_copy(tbl_hbm.at[c].at[sidx.at[i]], rows[b], gsem[b])

        def gwait(i, b):
            pltpu.make_async_copy(tbl_hbm.at[c].at[sidx.at[i]], rows[b], gsem[b]).wait()

        def scatter(i, b):
            pltpu.sync_copy(rows[b], acc.at[didx.at[i]], add=True)
            if with_count:
                pltpu.sync_copy(ones, cnt.at[didx.at[i]], add=True)

        for b in range(NB):
            gfire(b, b)

        def body(j, carry):
            a = NB * j
            for b in range(NB):
                gwait(a + b, b)
                scatter(a + b, b)
                gfire(a + NB + b, b)
            return carry

        lax.fori_loop(0, (NCHUNK - 1) // NB - 1, body, 0)
        a = NCHUNK - NB - 1
        gwait(a, 0)
        scatter(a, 0)
        gfire(NCHUNK - 1, 0)
        for b in range(1, NB):
            gwait(a + b, b)
            scatter(a + b, b)
        gwait(NCHUNK - 1, 0)
        scatter(NCHUNK - 1, 0)

        plsc.subcore_barrier()
        pltpu.sync_copy(acc.at[pl.ds(r0, RPT)],
                        out_hbm.at[pl.ds(r0, RPT), pl.ds(c * CW, CW)])
        if with_count:
            @pl.when((c == 0) & (s == 0))
            def _():
                pltpu.sync_copy(cnt.at[pl.ds(0, N_NODES)], cnt_hbm)

    return agg


_agg_l1 = _make_sc_agg(True)
_agg_l2 = _make_sc_agg(False)

BLK = 2000

_WSPECS = [
    pl.BlockSpec((D_IN, D_IN), lambda i: (0, 0)),
    pl.BlockSpec((1, D_IN), lambda i: (0, 0)),
    pl.BlockSpec((D_IN, D_IN), lambda i: (0, 0)),
]


def _dense1_body(a_ref, cnt_ref, x_ref, wl, b, wr, h_ref, inv_ref):
    inv = 1.0 / jnp.maximum(cnt_ref[...], 1.0)
    mean = a_ref[...] * inv
    h = (jnp.dot(mean, wl[...], preferred_element_type=jnp.float32)
         + b[...]
         + jnp.dot(x_ref[...], wr[...], preferred_element_type=jnp.float32))
    h = jnp.maximum(h, 0.0)
    h_ref[0] = h[:, :CW]
    h_ref[1] = h[:, CW:]
    inv_ref[...] = inv


def _dense1(acc, cnt2d, x, wlT, b2d, wrT):
    return pl.pallas_call(
        _dense1_body,
        grid=(N_NODES // BLK,),
        in_specs=[
            pl.BlockSpec((BLK, D_IN), lambda i: (i, 0)),
            pl.BlockSpec((BLK, 1), lambda i: (i, 0)),
            pl.BlockSpec((BLK, D_IN), lambda i: (i, 0)),
        ] + _WSPECS,
        out_specs=[
            pl.BlockSpec((2, BLK, CW), lambda i: (0, i, 0)),
            pl.BlockSpec((BLK, 1), lambda i: (i, 0)),
        ],
        out_shape=[
            jax.ShapeDtypeStruct((2, N_NODES, CW), jnp.float32),
            jax.ShapeDtypeStruct((N_NODES, 1), jnp.float32),
        ],
    )(acc, cnt2d, x, wlT, b2d, wrT)


def _dense2_body(a_ref, inv_ref, h_ref, wl, b, wr, o_ref):
    mean = a_ref[...] * inv_ref[...]
    h = jnp.concatenate([h_ref[0], h_ref[1]], axis=1)
    o_ref[...] = (jnp.dot(mean, wl[...], preferred_element_type=jnp.float32)
                  + b[...]
                  + jnp.dot(h, wr[...], preferred_element_type=jnp.float32))


def _dense2(acc, inv, h_tbl, wlT, b2d, wrT):
    return pl.pallas_call(
        _dense2_body,
        grid=(N_NODES // BLK,),
        in_specs=[
            pl.BlockSpec((BLK, D_IN), lambda i: (i, 0)),
            pl.BlockSpec((BLK, 1), lambda i: (i, 0)),
            pl.BlockSpec((2, BLK, CW), lambda i: (0, i, 0)),
        ] + _WSPECS,
        out_specs=pl.BlockSpec((BLK, D_IN), lambda i: (i, 0)),
        out_shape=jax.ShapeDtypeStruct((N_NODES, D_IN), jnp.float32),
    )(acc, inv, h_tbl, wlT, b2d, wrT)


def _pad_idx(v, trash):
    v = v.reshape(NS, EPW)
    npad = EPW_PAD - EPW
    if trash:
        fill = N_NODES + (jnp.arange(npad, dtype=jnp.int32) % 16)
    else:
        fill = jnp.zeros((npad,), jnp.int32)
    pad = jnp.broadcast_to(fill, (NS, npad))
    return jnp.concatenate([v, pad], axis=1).reshape(NS, NCHUNK, K)


def kernel(x, edge_index, Wl1, bl1, Wr1, Wl2, bl2, Wr2):
    src = _pad_idx(edge_index[0].astype(jnp.int32), False)
    dst = _pad_idx(edge_index[1].astype(jnp.int32), True)
    tbl1 = jnp.stack([x[:, :CW], x[:, CW:]])
    zcnt = jnp.zeros((N_NODES,), jnp.float32)

    acc1, cnt = _agg_l1(tbl1, src, dst, zcnt)
    h_tbl, inv = _dense1(acc1, cnt[:, None], x, Wl1.T, bl1[None, :], Wr1.T)
    acc2, = _agg_l2(h_tbl, src, dst)
    out = _dense2(acc2, inv, h_tbl, Wl2.T, bl2[None, :], Wr2.T)
    return out

# --- scband reference (transcript-rebuilt; emitter-appended) ---
"""Pipeline reference for scband-graph-sage-36661840839215 (READ-ONLY COPY).

The authoritative reference and input builder live on the scoring server;
editing this copy changes nothing except your own understanding.
"""

import jax, jax.numpy as jnp
import numpy as np

N_NODES = 10000
N_EDGES = 320000
D_IN = 128
D_HID = 128
D_OUT = 128


def setup_inputs(seed: int = 0) -> dict:
    key = jax.random.key(seed)
    ks = jax.random.split(key, 8)
    x = jax.random.normal(ks[0], (N_NODES, D_IN), dtype=jnp.float32)
    edge_index = jax.random.randint(ks[1], (2, N_EDGES), 0, N_NODES, dtype=jnp.int64 if jax.config.jax_enable_x64 else jnp.int32)
    # Layer 1 params (SAGEConv: lin_l applied to aggregated neighbors w/ bias, lin_r applied to root w/o bias)
    s1 = 1.0 / np.sqrt(D_IN)
    Wl1 = jax.random.uniform(ks[2], (D_HID, D_IN), minval=-s1, maxval=s1, dtype=jnp.float32)
    bl1 = jax.random.uniform(ks[3], (D_HID,), minval=-s1, maxval=s1, dtype=jnp.float32)
    Wr1 = jax.random.uniform(ks[4], (D_HID, D_IN), minval=-s1, maxval=s1, dtype=jnp.float32)
    # Layer 2 params
    s2 = 1.0 / np.sqrt(D_HID)
    Wl2 = jax.random.uniform(ks[5], (D_OUT, D_HID), minval=-s2, maxval=s2, dtype=jnp.float32)
    bl2 = jax.random.uniform(ks[6], (D_OUT,), minval=-s2, maxval=s2, dtype=jnp.float32)
    Wr2 = jax.random.uniform(ks[7], (D_OUT, D_HID), minval=-s2, maxval=s2, dtype=jnp.float32)
    return {"x": x, "edge_index": edge_index, "Wl1": Wl1, "bl1": bl1, "Wr1": Wr1, "Wl2": Wl2, "bl2": bl2, "Wr2": Wr2}


def _sage_conv(x, edge_index, Wl, bl, Wr):
    src = edge_index[0]
    dst = edge_index[1]
    msgs = jnp.take(x, src, axis=0)  # gather source features
    agg = jax.ops.segment_sum(msgs, dst, num_segments=N_NODES)
    cnt = jax.ops.segment_sum(jnp.ones((msgs.shape[0],), dtype=x.dtype), dst, num_segments=N_NODES)
    agg = agg / jnp.clip(cnt, 1.0, None)[:, None]  # mean aggregation
    return agg @ Wl.T + bl + x @ Wr.T


def reference(x, edge_index, Wl1, bl1, Wr1, Wl2, bl2, Wr2):
    # GraphSAGE forward: layer1 -> relu -> dropout(p=0, identity) -> layer2
    h = _sage_conv(x, edge_index, Wl1, bl1, Wr1)
    h = jax.nn.relu(h)
    out = _sage_conv(h, edge_index, Wl2, bl2, Wr2)
    return out

if __name__ == "__main__":
    import jax
    _d = setup_inputs()
    print(jax.jit(kernel)(*tuple(_d.values())))

</pallas_src>

<mosaic_0001>
#map = affine_map<(d0, d1) -> (0, 0, 0)>
#map1 = affine_map<(d0, d1) -> (0, 0)>
module attributes {stable_mosaic.version = 14 : i64} {
  func.func @agg(%arg0: i32, %arg1: i32, %arg2: memref<2x10000x64xf32, #tpu.memory_space<hbm>>, %arg3: memref<16x157x128xi32, #tpu.memory_space<hbm>>, %arg4: memref<16x157x128xi32, #tpu.memory_space<hbm>>, %arg5: memref<10000x128xf32, #tpu.memory_space<hbm>>, %arg6: memref<157x128xi32, #tpu.memory_space<vmem>>, %arg7: memref<157x128xi32, #tpu.memory_space<vmem>>, %arg8: memref<128x64xf32, #tpu.memory_space<vmem>>, %arg9: memref<128x64xf32, #tpu.memory_space<vmem>>, %arg10: memref<128x64xf32, #tpu.memory_space<vmem>>, %arg11: memref<128x64xf32, #tpu.memory_space<vmem>>, %arg12: memref<128x64xf32, #tpu.memory_space<vmem>>, %arg13: memref<128x64xf32, #tpu.memory_space<vmem>>, %arg14: memref<10016x64xf32, #tpu.memory_space<vmem_shared>>, %arg15: memref<!tpu.dma_semaphore, #tpu.memory_space<semaphore_mem>>, %arg16: memref<!tpu.dma_semaphore, #tpu.memory_space<semaphore_mem>>, %arg17: memref<!tpu.dma_semaphore, #tpu.memory_space<semaphore_mem>>, %arg18: memref<!tpu.dma_semaphore, #tpu.memory_space<semaphore_mem>>, %arg19: memref<!tpu.dma_semaphore, #tpu.memory_space<semaphore_mem>>, %arg20: memref<!tpu.dma_semaphore, #tpu.memory_space<semaphore_mem>>) attributes {dimension_semantics = [#tpu.dimension_semantics<core_parallel>, #tpu.dimension_semantics<subcore_parallel>], iteration_bounds = array<i64: 2, 16>, scalar_prefetch = 0 : i64, scratch_operands = 15 : i64, tpu.core_type = #tpu.core_type<sc_vector_subcore>, window_params = [{transform_indices = #map}, {transform_indices = #map}, {transform_indices = #map}, {transform_indices = #map1}]} {
    %mul3A = arith.constant 625 : i32
    %mul3A_0 = arith.muli %arg1, %mul3A : i32
    %dma_start3A = arith.constant 0 : i32
    %dma_start3A_1 = arith.constant 0 : i32
    %dma_start3A_2 = tpu.memref_slice %arg3[%arg1, %dma_start3A, %dma_start3A_1] : memref<16x157x128xi32, #tpu.memory_space<hbm>> -> memref<1x157x128xi32, #tpu.memory_space<hbm>>
    %dma_start3A_3 = tpu.memref_squeeze %dma_start3A_2 : memref<1x157x128xi32, #tpu.memory_space<hbm>> -> memref<157x128xi32, #tpu.memory_space<hbm>>
    %dma_start3A_4 = arith.constant 0 : i32
    %dma_start3A_5 = arith.constant 0 : i32
    %dma_start3A_6 = tpu.memref_slice %arg3[%arg1, %dma_start3A_4, %dma_start3A_5] : memref<16x157x128xi32, #tpu.memory_space<hbm>> -> memref<1x157x128xi32, #tpu.memory_space<hbm>>
    %dma_start3A_7 = tpu.memref_squeeze %dma_start3A_6 : memref<1x157x128xi32, #tpu.memory_space<hbm>> -> memref<157x128xi32, #tpu.memory_space<hbm>>
    tpu.enqueue_dma source(%dma_start3A_7 : memref<157x128xi32, #tpu.memory_space<hbm>>) target(%arg6 : memref<157x128xi32, #tpu.memory_space<vmem>>) target_semaphore(%arg15 : memref<!tpu.dma_semaphore, #tpu.memory_space<semaphore_mem>>)
    %dma_start3A_8 = arith.constant 0 : i32
    %dma_start3A_9 = arith.constant 0 : i32
    %dma_start3A_10 = tpu.memref_slice %arg4[%arg1, %dma_start3A_8, %dma_start3A_9] : memref<16x157x128xi32, #tpu.memory_space<hbm>> -> memref<1x157x128xi32, #tpu.memory_space<hbm>>
    %dma_start3A_11 = tpu.memref_squeeze %dma_start3A_10 : memref<1x157x128xi32, #tpu.memory_space<hbm>> -> memref<157x128xi32, #tpu.memory_space<hbm>>
    %dma_start3A_12 = arith.constant 0 : i32
    %dma_start3A_13 = arith.constant 0 : i32
    %dma_start3A_14 = tpu.memref_slice %arg4[%arg1, %dma_start3A_12, %dma_start3A_13] : memref<16x157x128xi32, #tpu.memory_space<hbm>> -> memref<1x157x128xi32, #tpu.memory_space<hbm>>
    %dma_start3A_15 = tpu.memref_squeeze %dma_start3A_14 : memref<1x157x128xi32, #tpu.memory_space<hbm>> -> memref<157x128xi32, #tpu.memory_space<hbm>>
    tpu.enqueue_dma source(%dma_start3A_15 : memref<157x128xi32, #tpu.memory_space<hbm>>) target(%arg7 : memref<157x128xi32, #tpu.memory_space<vmem>>) target_semaphore(%arg16 : memref<!tpu.dma_semaphore, #tpu.memory_space<semaphore_mem>>)
    %scan3A = arith.constant 0 : i32
    %scan3A_16 = arith.constant 0 : i32
    %scan3A_17 = arith.constant 128 : i32
    %scan3A_18 = arith.addi %scan3A_16, %scan3A_17 : i32
    %scan3A_19 = arith.constant 1 : i32
    scf.for %scan3A_276 = %scan3A_16 to %scan3A_18 step %scan3A_19  : i32 {
      %broadcast_in_dim3A = arith.constant 0.000000e+00 : f32
      %broadcast_in_dim3A_277 = vector.broadcast %broadcast_in_dim3A : f32 to vector<16xf32>
      %swap3A = arith.index_cast %scan3A_276 : i32 to index
      %swap3A_278 = arith.constant 0 : index
      %swap3A_279 = tpu.vector_load %arg8[%swap3A, %swap3A_278] {strides = array<i32>} : memref<128x64xf32, #tpu.memory_space<vmem>>, vector<1x16xf32>,
      %swap3A_280 = vector.shape_cast %swap3A_279 : vector<1x16xf32> to vector<16xf32>
      %swap3A_281 = vector.shape_cast %broadcast_in_dim3A_277 : vector<16xf32> to vector<1x16xf32>
      tpu.vector_store %arg8[%swap3A, %swap3A_278], %swap3A_281 {strides = array<i32>} : memref<128x64xf32, #tpu.memory_space<vmem>>, vector<1x16xf32>,
      %broadcast_in_dim3A_282 = arith.constant 0.000000e+00 : f32
      %broadcast_in_dim3A_283 = vector.broadcast %broadcast_in_dim3A_282 : f32 to vector<16xf32>
      %swap3A_284 = arith.index_cast %scan3A_276 : i32 to index
      %swap3A_285 = arith.constant 16 : index
      %swap3A_286 = tpu.vector_load %arg8[%swap3A_284, %swap3A_285] {strides = array<i32>} : memref<128x64xf32, #tpu.memory_space<vmem>>, vector<1x16xf32>,
      %swap3A_287 = vector.shape_cast %swap3A_286 : vector<1x16xf32> to vector<16xf32>
      %swap3A_288 = vector.shape_cast %broadcast_in_dim3A_283 : vector<16xf32> to vector<1x16xf32>
      tpu.vector_store %arg8[%swap3A_284, %swap3A_285], %swap3A_288 {strides = array<i32>} : memref<128x64xf32, #tpu.memory_space<vmem>>, vector<1x16xf32>,
      %broadcast_in_dim3A_289 = arith.constant 0.000000e+00 : f32
      %broadcast_in_dim3A_290 = vector.broadcast %broadcast_in_dim3A_289 : f32 to vector<16xf32>
      %swap3A_291 = arith.index_cast %scan3A_276 : i32 to index
      %swap3A_292 = arith.constant 32 : index
      %swap3A_293 = tpu.vector_load %arg8[%swap3A_291, %swap3A_292] {strides = array<i32>} : memref<128x64xf32, #tpu.memory_space<vmem>>, vector<1x16xf32>,
      %swap3A_294 = vector.shape_cast %swap3A_293 : vector<1x16xf32> to vector<16xf32>
      %swap3A_295 = vector.shape_cast %broadcast_in_dim3A_290 : vector<16xf32> to vector<1x16xf32>
      tpu.vector_store %arg8[%swap3A_291, %swap3A_292], %swap3A_295 {strides = array<i32>} : memref<128x64xf32, #tpu.memory_space<vmem>>, vector<1x16xf32>,
      %broadcast_in_dim3A_296 = arith.constant 0.000000e+00 : f32
      %broadcast_in_dim3A_297 = vector.broadcast %broadcast_in_dim3A_296 : f32 to vector<16xf32>
      %swap3A_298 = arith.index_cast %scan3A_276 : i32 to index
      %swap3A_299 = arith.constant 48 : index
      %swap3A_300 = tpu.vector_load %arg8[%swap3A_298, %swap3A_299] {strides = array<i32>} : memref<128x64xf32, #tpu.memory_space<vmem>>, vector<1x16xf32>,
      %swap3A_301 = vector.shape_cast %swap3A_300 : vector<1x16xf32> to vector<16xf32>
      %swap3A_302 = vector.shape_cast %broadcast_in_dim3A_297 : vector<16xf32> to vector<1x16xf32>
      tpu.vector_store %arg8[%swap3A_298, %swap3A_299], %swap3A_302 {strides = array<i32>} : memref<128x64xf32, #tpu.memory_space<vmem>>, vector<1x16xf32>,
    }
    %scan3A_20 = arith.constant 128 : i32
    %add3A = arith.constant 0 : i32
    %add3A_21 = arith.addi %mul3A_0, %add3A : i32
    %dma_start3A_22 = arith.constant 0 : i32
    %dma_start3A_23 = tpu.memref_slice %arg14[%add3A_21, %dma_start3A_22] : memref<10016x64xf32, #tpu.memory_space<vmem_shared>> -> memref<128x64xf32, #tpu.memory_space<vmem_shared>>
    %dma_start3A_24 = arith.constant 0 : i32
    %dma_start3A_25 = tpu.memref_slice %arg14[%add3A_21, %dma_start3A_24] : memref<10016x64xf32, #tpu.memory_space<vmem_shared>> -> memref<128x64xf32, #tpu.memory_space<vmem_shared>>
    tpu.enqueue_dma source(%arg8 : memref<128x64xf32, #tpu.memory_space<vmem>>) target(%dma_start3A_25 : memref<128x64xf32, #tpu.memory_space<vmem_shared>>) target_semaphore(%arg17 : memref<!tpu.dma_semaphore, #tpu.memory_space<semaphore_mem>>)
    %add3A_26 = arith.constant 128 : i32
    %add3A_27 = arith.addi %mul3A_0, %add3A_26 : i32
    %dma_start3A_28 = arith.constant 0 : i32
    %dma_start3A_29 = tpu.memref_slice %arg14[%add3A_27, %dma_start3A_28] : memref<10016x64xf32, #tpu.memory_space<vmem_shared>> -> memref<128x64xf32, #tpu.memory_space<vmem_shared>>
    %dma_start3A_30 = arith.constant 0 : i32
    %dma_start3A_31 = tpu.memref_slice %arg14[%add3A_27, %dma_start3A_30] : memref<10016x64xf32, #tpu.memory_space<vmem_shared>> -> memref<128x64xf32, #tpu.memory_space<vmem_shared>>
    tpu.enqueue_dma source(%arg8 : memref<128x64xf32, #tpu.memory_space<vmem>>) target(%dma_start3A_31 : memref<128x64xf32, #tpu.memory_space<vmem_shared>>) target_semaphore(%arg17 : memref<!tpu.dma_semaphore, #tpu.memory_space<semaphore_mem>>)
    %add3A_32 = arith.constant 256 : i32
    %add3A_33 = arith.addi %mul3A_0, %add3A_32 : i32
    %dma_start3A_34 = arith.constant 0 : i32
    %dma_start3A_35 = tpu.memref_slice %arg14[%add3A_33, %dma_start3A_34] : memref<10016x64xf32, #tpu.memory_space<vmem_shared>> -> memref<128x64xf32, #tpu.memory_space<vmem_shared>>
    %dma_start3A_36 = arith.constant 0 : i32
    %dma_start3A_37 = tpu.memref_slice %arg14[%add3A_33, %dma_start3A_36] : memref<10016x64xf32, #tpu.memory_space<vmem_shared>> -> memref<128x64xf32, #tpu.memory_space<vmem_shared>>
    tpu.enqueue_dma source(%arg8 : memref<128x64xf32, #tpu.memory_space<vmem>>) target(%dma_start3A_37 : memref<128x64xf32, #tpu.memory_space<vmem_shared>>) target_semaphore(%arg17 : memref<!tpu.dma_semaphore, #tpu.memory_space<semaphore_mem>>)
    %add3A_38 = arith.constant 384 : i32
    %add3A_39 = arith.addi %mul3A_0, %add3A_38 : i32
    %dma_start3A_40 = arith.constant 0 : i32
    %dma_start3A_41 = tpu.memref_slice %arg14[%add3A_39, %dma_start3A_40] : memref<10016x64xf32, #tpu.memory_space<vmem_shared>> -> memref<128x64xf32, #tpu.memory_space<vmem_shared>>
    %dma_start3A_42 = arith.constant 0 : i32
    %dma_start3A_43 = tpu.memref_slice %arg14[%add3A_39, %dma_start3A_42] : memref<10016x64xf32, #tpu.memory_space<vmem_shared>> -> memref<128x64xf32, #tpu.memory_space<vmem_shared>>
    tpu.enqueue_dma source(%arg8 : memref<128x64xf32, #tpu.memory_space<vmem>>) target(%dma_start3A_43 : memref<128x64xf32, #tpu.memory_space<vmem_shared>>) target_semaphore(%arg17 : memref<!tpu.dma_semaphore, #tpu.memory_space<semaphore_mem>>)
    %add3A_44 = arith.constant 512 : i32
    %add3A_45 = arith.addi %mul3A_0, %add3A_44 : i32
    %dma_start3A_46 = arith.constant 0 : i32
    %dma_start3A_47 = arith.constant 0 : i32
    %dma_start3A_48 = tpu.memref_slice %arg8[%dma_start3A_46, %dma_start3A_47] : memref<128x64xf32, #tpu.memory_space<vmem>> -> memref<113x64xf32, #tpu.memory_space<vmem>>
    %dma_start3A_49 = arith.constant 0 : i32
    %dma_start3A_50 = tpu.memref_slice %arg14[%add3A_45, %dma_start3A_49] : memref<10016x64xf32, #tpu.memory_space<vmem_shared>> -> memref<113x64xf32, #tpu.memory_space<vmem_shared>>
    %dma_start3A_51 = arith.constant 0 : i32
    %dma_start3A_52 = tpu.memref_slice %arg14[%add3A_45, %dma_start3A_51] : memref<10016x64xf32, #tpu.memory_space<vmem_shared>> -> memref<113x64xf32, #tpu.memory_space<vmem_shared>>
    %dma_start3A_53 = arith.constant 0 : i32
    %dma_start3A_54 = arith.constant 0 : i32
    %dma_start3A_55 = tpu.memref_slice %arg8[%dma_start3A_53, %dma_start3A_54] : memref<128x64xf32, #tpu.memory_space<vmem>> -> memref<113x64xf32, #tpu.memory_space<vmem>>
    tpu.enqueue_dma source(%dma_start3A_55 : memref<113x64xf32, #tpu.memory_space<vmem>>) target(%dma_start3A_52 : memref<113x64xf32, #tpu.memory_space<vmem_shared>>) target_semaphore(%arg18 : memref<!tpu.dma_semaphore, #tpu.memory_space<semaphore_mem>>)
    %dma_wait3A = arith.constant 0 : i32
    %dma_wait3A_56 = arith.constant 0 : i32
    %dma_wait3A_57 = tpu.memref_slice %arg3[%arg1, %dma_wait3A, %dma_wait3A_56] : memref<16x157x128xi32, #tpu.memory_space<hbm>> -> memref<1x157x128xi32, #tpu.memory_space<hbm>>
    %dma_wait3A_58 = tpu.memref_squeeze %dma_wait3A_57 : memref<1x157x128xi32, #tpu.memory_space<hbm>> -> memref<157x128xi32, #tpu.memory_space<hbm>>
    %dma_wait3A_59 = arith.constant 0 : i32
    %dma_wait3A_60 = arith.constant 0 : i32
    %dma_wait3A_61 = tpu.memref_slice %arg3[%arg1, %dma_wait3A_59, %dma_wait3A_60] : memref<16x157x128xi32, #tpu.memory_space<hbm>> -> memref<1x157x128xi32, #tpu.memory_space<hbm>>
    %dma_wait3A_62 = tpu.memref_squeeze %dma_wait3A_61 : memref<1x157x128xi32, #tpu.memory_space<hbm>> -> memref<157x128xi32, #tpu.memory_space<hbm>>
    tpu.wait_dma2 semaphore(%arg15 : memref<!tpu.dma_semaphore, #tpu.memory_space<semaphore_mem>>) src(%dma_wait3A_62 : memref<157x128xi32, #tpu.memory_space<hbm>>) dst(%arg6 : memref<157x128xi32, #tpu.memory_space<vmem>>)
    %dma_wait3A_63 = arith.constant 0 : i32
    %dma_wait3A_64 = arith.constant 0 : i32
    %dma_wait3A_65 = tpu.memref_slice %arg4[%arg1, %dma_wait3A_63, %dma_wait3A_64] : memref<16x157x128xi32, #tpu.memory_space<hbm>> -> memref<1x157x128xi32, #tpu.memory_space<hbm>>
    %dma_wait3A_66 = tpu.memref_squeeze %dma_wait3A_65 : memref<1x157x128xi32, #tpu.memory_space<hbm>> -> memref<157x128xi32, #tpu.memory_space<hbm>>
    %dma_wait3A_67 = arith.constant 0 : i32
    %dma_wait3A_68 = arith.constant 0 : i32
    %dma_wait3A_69 = tpu.memref_slice %arg4[%arg1, %dma_wait3A_67, %dma_wait3A_68] : memref<16x157x128xi32, #tpu.memory_space<hbm>> -> memref<1x157x128xi32, #tpu.memory_space<hbm>>
    %dma_wait3A_70 = tpu.memref_squeeze %dma_wait3A_69 : memref<1x157x128xi32, #tpu.memory_space<hbm>> -> memref<157x128xi32, #tpu.memory_space<hbm>>
    tpu.wait_dma2 semaphore(%arg16 : memref<!tpu.dma_semaphore, #tpu.memory_space<semaphore_mem>>) src(%dma_wait3A_70 : memref<157x128xi32, #tpu.memory_space<hbm>>) dst(%arg7 : memref<157x128xi32, #tpu.memory_space<vmem>>)
    %add3A_71 = arith.constant 0 : i32
    %add3A_72 = arith.addi %mul3A_0, %add3A_71 : i32
    %dma_wait3A_73 = arith.constant 0 : i32
    %dma_wait3A_74 = tpu.memref_slice %arg14[%add3A_72, %dma_wait3A_73] : memref<10016x64xf32, #tpu.memory_space<vmem_shared>> -> memref<128x64xf32, #tpu.memory_space<vmem_shared>>
    %dma_wait3A_75 = arith.constant 0 : i32
    %dma_wait3A_76 = tpu.memref_slice %arg14[%add3A_72, %dma_wait3A_75] : memref<10016x64xf32, #tpu.memory_space<vmem_shared>> -> memref<128x64xf32, #tpu.memory_space<vmem_shared>>
    tpu.wait_dma2 semaphore(%arg17 : memref<!tpu.dma_semaphore, #tpu.memory_space<semaphore_mem>>) src(%arg8 : memref<128x64xf32, #tpu.memory_space<vmem>>) dst(%dma_wait3A_76 : memref<128x64xf32, #tpu.memory_space<vmem_shared>>)
    %add3A_77 = arith.constant 128 : i32
    %add3A_78 = arith.addi %mul3A_0, %add3A_77 : i32
    %dma_wait3A_79 = arith.constant 0 : i32
    %dma_wait3A_80 = tpu.memref_slice %arg14[%add3A_78, %dma_wait3A_79] : memref<10016x64xf32, #tpu.memory_space<vmem_shared>> -> memref<128x64xf32, #tpu.memory_space<vmem_shared>>
    %dma_wait3A_81 = arith.constant 0 : i32
    %dma_wait3A_82 = tpu.memref_slice %arg14[%add3A_78, %dma_wait3A_81] : memref<10016x64xf32, #tpu.memory_space<vmem_shared>> -> memref<128x64xf32, #tpu.memory_space<vmem_shared>>
    tpu.wait_dma2 semaphore(%arg17 : memref<!tpu.dma_semaphore, #tpu.memory_space<semaphore_mem>>) src(%arg8 : memref<128x64xf32, #tpu.memory_space<vmem>>) dst(%dma_wait3A_82 : memref<128x64xf32, #tpu.memory_space<vmem_shared>>)
    %add3A_83 = arith.constant 256 : i32
    %add3A_84 = arith.addi %mul3A_0, %add3A_83 : i32
    %dma_wait3A_85 = arith.constant 0 : i32
    %dma_wait3A_86 = tpu.memref_slice %arg14[%add3A_84, %dma_wait3A_85] : memref<10016x64xf32, #tpu.memory_space<vmem_shared>> -> memref<128x64xf32, #tpu.memory_space<vmem_shared>>
    %dma_wait3A_87 = arith.constant 0 : i32
    %dma_wait3A_88 = tpu.memref_slice %arg14[%add3A_84, %dma_wait3A_87] : memref<10016x64xf32, #tpu.memory_space<vmem_shared>> -> memref<128x64xf32, #tpu.memory_space<vmem_shared>>
    tpu.wait_dma2 semaphore(%arg17 : memref<!tpu.dma_semaphore, #tpu.memory_space<semaphore_mem>>) src(%arg8 : memref<128x64xf32, #tpu.memory_space<vmem>>) dst(%dma_wait3A_88 : memref<128x64xf32, #tpu.memory_space<vmem_shared>>)
    %add3A_89 = arith.constant 384 : i32
    %add3A_90 = arith.addi %mul3A_0, %add3A_89 : i32
    %dma_wait3A_91 = arith.constant 0 : i32
    %dma_wait3A_92 = tpu.memref_slice %arg14[%add3A_90, %dma_wait3A_91] : memref<10016x64xf32, #tpu.memory_space<vmem_shared>> -> memref<128x64xf32, #tpu.memory_space<vmem_shared>>
    %dma_wait3A_93 = arith.constant 0 : i32
    %dma_wait3A_94 = tpu.memref_slice %arg14[%add3A_90, %dma_wait3A_93] : memref<10016x64xf32, #tpu.memory_space<vmem_shared>> -> memref<128x64xf32, #tpu.memory_space<vmem_shared>>
    tpu.wait_dma2 semaphore(%arg17 : memref<!tpu.dma_semaphore, #tpu.memory_space<semaphore_mem>>) src(%arg8 : memref<128x64xf32, #tpu.memory_space<vmem>>) dst(%dma_wait3A_94 : memref<128x64xf32, #tpu.memory_space<vmem_shared>>)
    %add3A_95 = arith.constant 512 : i32
    %add3A_96 = arith.addi %mul3A_0, %add3A_95 : i32
    %dma_wait3A_97 = arith.constant 0 : i32
    %dma_wait3A_98 = arith.constant 0 : i32
    %dma_wait3A_99 = tpu.memref_slice %arg8[%dma_wait3A_97, %dma_wait3A_98] : memref<128x64xf32, #tpu.memory_space<vmem>> -> memref<113x64xf32, #tpu.memory_space<vmem>>
    %dma_wait3A_100 = arith.constant 0 : i32
    %dma_wait3A_101 = tpu.memref_slice %arg14[%add3A_96, %dma_wait3A_100] : memref<10016x64xf32, #tpu.memory_space<vmem_shared>> -> memref<113x64xf32, #tpu.memory_space<vmem_shared>>
    %dma_wait3A_102 = arith.constant 0 : i32
    %dma_wait3A_103 = tpu.memref_slice %arg14[%add3A_96, %dma_wait3A_102] : memref<10016x64xf32, #tpu.memory_space<vmem_shared>> -> memref<113x64xf32, #tpu.memory_space<vmem_shared>>
    %dma_wait3A_104 = arith.constant 0 : i32
    %dma_wait3A_105 = arith.constant 0 : i32
    %dma_wait3A_106 = tpu.memref_slice %arg8[%dma_wait3A_104, %dma_wait3A_105] : memref<128x64xf32, #tpu.memory_space<vmem>> -> memref<113x64xf32, #tpu.memory_space<vmem>>
    tpu.wait_dma2 semaphore(%arg18 : memref<!tpu.dma_semaphore, #tpu.memory_space<semaphore_mem>>) src(%dma_wait3A_106 : memref<113x64xf32, #tpu.memory_space<vmem>>) dst(%dma_wait3A_103 : memref<113x64xf32, #tpu.memory_space<vmem_shared>>)
    %barrier3A = arith.constant 0 : index
    tpu.barrier barrier_id(%barrier3A)
    %dma_start3A_107 = arith.constant 0 : i32
    %dma_start3A_108 = arith.constant 0 : i32
    %dma_start3A_109 = tpu.memref_slice %arg6[%dma_start3A_107, %dma_start3A_108] : memref<157x128xi32, #tpu.memory_space<vmem>> -> memref<1x128xi32, #tpu.memory_space<vmem>>
    %dma_start3A_110 = tpu.memref_squeeze %dma_start3A_109 : memref<1x128xi32, #tpu.memory_space<vmem>> -> memref<128xi32, #tpu.memory_space<vmem>>
    %dma_start3A_111 = arith.constant 0 : i32
    %dma_start3A_112 = arith.constant 0 : i32
    %dma_start3A_113 = tpu.memref_slice %arg2[%arg0, %dma_start3A_111, %dma_start3A_112] : memref<2x10000x64xf32, #tpu.memory_space<hbm>> -> memref<1x10000x64xf32, #tpu.memory_space<hbm>>
    %dma_start3A_114 = tpu.memref_squeeze %dma_start3A_113 : memref<1x10000x64xf32, #tpu.memory_space<hbm>> -> memref<10000x64xf32, #tpu.memory_space<hbm>>
    %dma_start3A_115 = arith.constant 0 : i32
    %dma_start3A_116 = arith.constant 0 : i32
    %dma_start3A_117 = tpu.memref_slice %dma_start3A_114[%dma_start3A_115, %dma_start3A_116] : memref<10000x64xf32, #tpu.memory_space<hbm>> -> memref<10000x64xf32, #tpu.memory_space<hbm>>
    tpu.enqueue_indirect_dma source(%dma_start3A_117 : memref<10000x64xf32, #tpu.memory_space<hbm>>) target(%arg8 : memref<128x64xf32, #tpu.memory_space<vmem>>) offsets(%dma_start3A_110 : memref<128xi32, #tpu.memory_space<vmem>>) semaphore(%arg15 : memref<!tpu.dma_semaphore, #tpu.memory_space<semaphore_mem>>)
    %dma_start3A_118 = arith.constant 1 : i32
    %dma_start3A_119 = arith.constant 0 : i32
    %dma_start3A_120 = tpu.memref_slice %arg6[%dma_start3A_118, %dma_start3A_119] : memref<157x128xi32, #tpu.memory_space<vmem>> -> memref<1x128xi32, #tpu.memory_space<vmem>>
    %dma_start3A_121 = tpu.memref_squeeze %dma_start3A_120 : memref<1x128xi32, #tpu.memory_space<vmem>> -> memref<128xi32, #tpu.memory_space<vmem>>
    %dma_start3A_122 = arith.constant 0 : i32
    %dma_start3A_123 = arith.constant 0 : i32
    %dma_start3A_124 = tpu.memref_slice %arg2[%arg0, %dma_start3A_122, %dma_start3A_123] : memref<2x10000x64xf32, #tpu.memory_space<hbm>> -> memref<1x10000x64xf32, #tpu.memory_space<hbm>>
    %dma_start3A_125 = tpu.memref_squeeze %dma_start3A_124 : memref<1x10000x64xf32, #tpu.memory_space<hbm>> -> memref<10000x64xf32, #tpu.memory_space<hbm>>
    %dma_start3A_126 = arith.constant 0 : i32
    %dma_start3A_127 = arith.constant 0 : i32
    %dma_start3A_128 = tpu.memref_slice %dma_start3A_125[%dma_start3A_126, %dma_start3A_127] : memref<10000x64xf32, #tpu.memory_space<hbm>> -> memref<10000x64xf32, #tpu.memory_space<hbm>>
    tpu.enqueue_indirect_dma source(%dma_start3A_128 : memref<10000x64xf32, #tpu.memory_space<hbm>>) target(%arg9 : memref<128x64xf32, #tpu.memory_space<vmem>>) offsets(%dma_start3A_121 : memref<128xi32, #tpu.memory_space<vmem>>) semaphore(%arg16 : memref<!tpu.dma_semaphore, #tpu.memory_space<semaphore_mem>>)
    %dma_start3A_129 = arith.constant 2 : i32
    %dma_start3A_130 = arith.constant 0 : i32
    %dma_start3A_131 = tpu.memref_slice %arg6[%dma_start3A_129, %dma_start3A_130] : memref<157x128xi32, #tpu.memory_space<vmem>> -> memref<1x128xi32, #tpu.memory_space<vmem>>
    %dma_start3A_132 = tpu.memref_squeeze %dma_start3A_131 : memref<1x128xi32, #tpu.memory_space<vmem>> -> memref<128xi32, #tpu.memory_space<vmem>>
    %dma_start3A_133 = arith.constant 0 : i32
    %dma_start3A_134 = arith.constant 0 : i32
    %dma_start3A_135 = tpu.memref_slice %arg2[%arg0, %dma_start3A_133, %dma_start3A_134] : memref<2x10000x64xf32, #tpu.memory_space<hbm>> -> memref<1x10000x64xf32, #tpu.memory_space<hbm>>
    %dma_start3A_136 = tpu.memref_squeeze %dma_start3A_135 : memref<1x10000x64xf32, #tpu.memory_space<hbm>> -> memref<10000x64xf32, #tpu.memory_space<hbm>>
    %dma_start3A_137 = arith.constant 0 : i32
    %dma_start3A_138 = arith.constant 0 : i32
    %dma_start3A_139 = tpu.memref_slice %dma_start3A_136[%dma_start3A_137, %dma_start3A_138] : memref<10000x64xf32, #tpu.memory_space<hbm>> -> memref<10000x64xf32, #tpu.memory_space<hbm>>
    tpu.enqueue_indirect_dma source(%dma_start3A_139 : memref<10000x64xf32, #tpu.memory_space<hbm>>) target(%arg10 : memref<128x64xf32, #tpu.memory_space<vmem>>) offsets(%dma_start3A_132 : memref<128xi32, #tpu.memory_space<vmem>>) semaphore(%arg17 : memref<!tpu.dma_semaphore, #tpu.memory_space<semaphore_mem>>)
    %dma_start3A_140 = arith.constant 3 : i32
    %dma_start3A_141 = arith.constant 0 : i32
    %dma_start3A_142 = tpu.memref_slice %arg6[%dma_start3A_140, %dma_start3A_141] : memref<157x128xi32, #tpu.memory_space<vmem>> -> memref<1x128xi32, #tpu.memory_space<vmem>>
    %dma_start3A_143 = tpu.memref_squeeze %dma_start3A_142 : memref<1x128xi32, #tpu.memory_space<vmem>> -> memref<128xi32, #tpu.memory_space<vmem>>
    %dma_start3A_144 = arith.constant 0 : i32
    %dma_start3A_145 = arith.constant 0 : i32
    %dma_start3A_146 = tpu.memref_slice %arg2[%arg0, %dma_start3A_144, %dma_start3A_145] : memref<2x10000x64xf32, #tpu.memory_space<hbm>> -> memref<1x10000x64xf32, #tpu.memory_space<hbm>>
    %dma_start3A_147 = tpu.memref_squeeze %dma_start3A_146 : memref<1x10000x64xf32, #tpu.memory_space<hbm>> -> memref<10000x64xf32, #tpu.memory_space<hbm>>
    %dma_start3A_148 = arith.constant 0 : i32
    %dma_start3A_149 = arith.constant 0 : i32
    %dma_start3A_150 = tpu.memref_slice %dma_start3A_147[%dma_start3A_148, %dma_start3A_149] : memref<10000x64xf32, #tpu.memory_space<hbm>> -> memref<10000x64xf32, #tpu.memory_space<hbm>>
    tpu.enqueue_indirect_dma source(%dma_start3A_150 : memref<10000x64xf32, #tpu.memory_space<hbm>>) target(%arg11 : memref<128x64xf32, #tpu.memory_space<vmem>>) offsets(%dma_start3A_143 : memref<128xi32, #tpu.memory_space<vmem>>) semaphore(%arg18 : memref<!tpu.dma_semaphore, #tpu.memory_space<semaphore_mem>>)
    %dma_start3A_151 = arith.constant 4 : i32
    %dma_start3A_152 = arith.constant 0 : i32
    %dma_start3A_153 = tpu.memref_slice %arg6[%dma_start3A_151, %dma_start3A_152] : memref<157x128xi32, #tpu.memory_space<vmem>> -> memref<1x128xi32, #tpu.memory_space<vmem>>
    %dma_start3A_154 = tpu.memref_squeeze %dma_start3A_153 : memref<1x128xi32, #tpu.memory_space<vmem>> -> memref<128xi32, #tpu.memory_space<vmem>>
    %dma_start3A_155 = arith.constant 0 : i32
    %dma_start3A_156 = arith.constant 0 : i32
    %dma_start3A_157 = tpu.memref_slice %arg2[%arg0, %dma_start3A_155, %dma_start3A_156] : memref<2x10000x64xf32, #tpu.memory_space<hbm>> -> memref<1x10000x64xf32, #tpu.memory_space<hbm>>
    %dma_start3A_158 = tpu.memref_squeeze %dma_start3A_157 : memref<1x10000x64xf32, #tpu.memory_space<hbm>> -> memref<10000x64xf32, #tpu.memory_space<hbm>>
    %dma_start3A_159 = arith.constant 0 : i32
    %dma_start3A_160 = arith.constant 0 : i32
    %dma_start3A_161 = tpu.memref_slice %dma_start3A_158[%dma_start3A_159, %dma_start3A_160] : memref<10000x64xf32, #tpu.memory_space<hbm>> -> memref<10000x64xf32, #tpu.memory_space<hbm>>
    tpu.enqueue_indirect_dma source(%dma_start3A_161 : memref<10000x64xf32, #tpu.memory_space<hbm>>) target(%arg12 : memref<128x64xf32, #tpu.memory_space<vmem>>) offsets(%dma_start3A_154 : memref<128xi32, #tpu.memory_space<vmem>>) semaphore(%arg19 : memref<!tpu.dma_semaphore, #tpu.memory_space<semaphore_mem>>)
    %dma_start3A_162 = arith.constant 5 : i32
    %dma_start3A_163 = arith.constant 0 : i32
    %dma_start3A_164 = tpu.memref_slice %arg6[%dma_start3A_162, %dma_start3A_163] : memref<157x128xi32, #tpu.memory_space<vmem>> -> memref<1x128xi32, #tpu.memory_space<vmem>>
    %dma_start3A_165 = tpu.memref_squeeze %dma_start3A_164 : memref<1x128xi32, #tpu.memory_space<vmem>> -> memref<128xi32, #tpu.memory_space<vmem>>
    %dma_start3A_166 = arith.constant 0 : i32
    %dma_start3A_167 = arith.constant 0 : i32
    %dma_start3A_168 = tpu.memref_slice %arg2[%arg0, %dma_start3A_166, %dma_start3A_167] : memref<2x10000x64xf32, #tpu.memory_space<hbm>> -> memref<1x10000x64xf32, #tpu.memory_space<hbm>>
    %dma_start3A_169 = tpu.memref_squeeze %dma_start3A_168 : memref<1x10000x64xf32, #tpu.memory_space<hbm>> -> memref<10000x64xf32, #tpu.memory_space<hbm>>
    %dma_start3A_170 = arith.constant 0 : i32
    %dma_start3A_171 = arith.constant 0 : i32
    %dma_start3A_172 = tpu.memref_slice %dma_start3A_169[%dma_start3A_170, %dma_start3A_171] : memref<10000x64xf32, #tpu.memory_space<hbm>> -> memref<10000x64xf32, #tpu.memory_space<hbm>>
    tpu.enqueue_indirect_dma source(%dma_start3A_172 : memref<10000x64xf32, #tpu.memory_space<hbm>>) target(%arg13 : memref<128x64xf32, #tpu.memory_space<vmem>>) offsets(%dma_start3A_165 : memref<128xi32, #tpu.memory_space<vmem>>) semaphore(%arg20 : memref<!tpu.dma_semaphore, #tpu.memory_space<semaphore_mem>>)
    %scan3A_173 = arith.constant 0 : i32
    %scan3A_174 = arith.constant 0 : i32
    %scan3A_175 = arith.constant 25 : i32
    %scan3A_176 = arith.addi %scan3A_174, %scan3A_175 : i32
    %scan3A_177 = arith.constant 1 : i32
    scf.for %scan3A_276 = %scan3A_174 to %scan3A_176 step %scan3A_177  : i32 {
      %mul3A_277 = arith.constant 6 : i32
      %mul3A_278 = arith.muli %mul3A_277, %scan3A_276 : i32
      %add3A_279 = arith.constant 0 : i32
      %add3A_280 = arith.addi %mul3A_278, %add3A_279 : i32
      %dma_wait3A_281 = arith.constant 0 : i32
      %dma_wait3A_282 = tpu.memref_slice %arg6[%add3A_280, %dma_wait3A_281] : memref<157x128xi32, #tpu.memory_space<vmem>> -> memref<1x128xi32, #tpu.memory_space<vmem>>
      %dma_wait3A_283 = tpu.memref_squeeze %dma_wait3A_282 : memref<1x128xi32, #tpu.memory_space<vmem>> -> memref<128xi32, #tpu.memory_space<vmem>>
      %dma_wait3A_284 = arith.constant 0 : i32
      %dma_wait3A_285 = arith.constant 0 : i32
      %dma_wait3A_286 = tpu.memref_slice %arg2[%arg0, %dma_wait3A_284, %dma_wait3A_285] : memref<2x10000x64xf32, #tpu.memory_space<hbm>> -> memref<1x10000x64xf32, #tpu.memory_space<hbm>>
      %dma_wait3A_287 = tpu.memref_squeeze %dma_wait3A_286 : memref<1x10000x64xf32, #tpu.memory_space<hbm>> -> memref<10000x64xf32, #tpu.memory_space<hbm>>
      %dma_wait3A_288 = arith.constant 0 : i32
      %dma_wait3A_289 = arith.constant 0 : i32
      %dma_wait3A_290 = tpu.memref_slice %dma_wait3A_287[%dma_wait3A_288, %dma_wait3A_289] : memref<10000x64xf32, #tpu.memory_space<hbm>> -> memref<10000x64xf32, #tpu.memory_space<hbm>>
      tpu.wait_indirect_dma semaphore(%arg15 : memref<!tpu.dma_semaphore, #tpu.memory_space<semaphore_mem>>) src(%dma_wait3A_290 : memref<10000x64xf32, #tpu.memory_space<hbm>>) dst(%arg8 : memref<128x64xf32, #tpu.memory_space<vmem>>)
      %add3A_291 = arith.constant 0 : i32
      %add3A_292 = arith.addi %mul3A_278, %add3A_291 : i32
      "tpu.region"() ({
        %run_scoped3A_447 = tpu.sem_alloc : memref<!tpu.dma_semaphore, #tpu.memory_space<semaphore_mem>>
        %dma_start3A_448 = arith.constant 0 : i32
        %dma_start3A_449 = tpu.memref_slice %arg7[%add3A_292, %dma_start3A_448] : memref<157x128xi32, #tpu.memory_space<vmem>> -> memref<1x128xi32, #tpu.memory_space<vmem>>
        %dma_start3A_450 = tpu.memref_squeeze %dma_start3A_449 : memref<1x128xi32, #tpu.memory_space<vmem>> -> memref<128xi32, #tpu.memory_space<vmem>>
        %dma_start3A_451 = arith.constant 0 : i32
        %dma_start3A_452 = arith.constant 0 : i32
        %dma_start3A_453 = tpu.memref_slice %arg14[%dma_start3A_451, %dma_start3A_452] : memref<10016x64xf32, #tpu.memory_space<vmem_shared>> -> memref<10016x64xf32, #tpu.memory_space<vmem_shared>>
        tpu.enqueue_indirect_dma source(%arg8 : memref<128x64xf32, #tpu.memory_space<vmem>>) target(%dma_start3A_453 : memref<10016x64xf32, #tpu.memory_space<vmem_shared>>) offsets(%dma_start3A_450 : memref<128xi32, #tpu.memory_space<vmem>>) semaphore(%run_scoped3A_447 : memref<!tpu.dma_semaphore, #tpu.memory_space<semaphore_mem>>) {add = true}
        %dma_wait3A_454 = arith.constant 0 : i32
        %dma_wait3A_455 = tpu.memref_slice %arg7[%add3A_292, %dma_wait3A_454] : memref<157x128xi32, #tpu.memory_space<vmem>> -> memref<1x128xi32, #tpu.memory_space<vmem>>
        %dma_wait3A_456 = tpu.memref_squeeze %dma_wait3A_455 : memref<1x128xi32, #tpu.memory_space<vmem>> -> memref<128xi32, #tpu.memory_space<vmem>>
        %dma_wait3A_457 = arith.constant 0 : i32
        %dma_wait3A_458 = arith.constant 0 : i32
        %dma_wait3A_459 = tpu.memref_slice %arg14[%dma_wait3A_457, %dma_wait3A_458] : memref<10016x64xf32, #tpu.memory_space<vmem_shared>> -> memref<10016x64xf32, #tpu.memory_space<vmem_shared>>
        tpu.wait_indirect_dma semaphore(%run_scoped3A_447 : memref<!tpu.dma_semaphore, #tpu.memory_space<semaphore_mem>>) src(%arg8 : memref<128x64xf32, #tpu.memory_space<vmem>>) dst(%dma_wait3A_459 : memref<10016x64xf32, #tpu.memory_space<vmem_shared>>)
        tpu.yield
      }) : () -> ()
      %add3A_293 = arith.constant 6 : i32
      %add3A_294 = arith.addi %mul3A_278, %add3A_293 : i32
      %add3A_295 = arith.constant 0 : i32
      %add3A_296 = arith.addi %add3A_294, %add3A_295 : i32
      %dma_start3A_297 = arith.constant 0 : i32
      %dma_start3A_298 = tpu.memref_slice %arg6[%add3A_296, %dma_start3A_297] : memref<157x128xi32, #tpu.memory_space<vmem>> -> memref<1x128xi32, #tpu.memory_space<vmem>>
      %dma_start3A_299 = tpu.memref_squeeze %dma_start3A_298 : memref<1x128xi32, #tpu.memory_space<vmem>> -> memref<128xi32, #tpu.memory_space<vmem>>
      %dma_start3A_300 = arith.constant 0 : i32
      %dma_start3A_301 = arith.constant 0 : i32
      %dma_start3A_302 = tpu.memref_slice %arg2[%arg0, %dma_start3A_300, %dma_start3A_301] : memref<2x10000x64xf32, #tpu.memory_space<hbm>> -> memref<1x10000x64xf32, #tpu.memory_space<hbm>>
      %dma_start3A_303 = tpu.memref_squeeze %dma_start3A_302 : memref<1x10000x64xf32, #tpu.memory_space<hbm>> -> memref<10000x64xf32, #tpu.memory_space<hbm>>
      %dma_start3A_304 = arith.constant 0 : i32
      %dma_start3A_305 = arith.constant 0 : i32
      %dma_start3A_306 = tpu.memref_slice %dma_start3A_303[%dma_start3A_304, %dma_start3A_305] : memref<10000x64xf32, #tpu.memory_space<hbm>> -> memref<10000x64xf32, #tpu.memory_space<hbm>>
      tpu.enqueue_indirect_dma source(%dma_start3A_306 : memref<10000x64xf32, #tpu.memory_space<hbm>>) target(%arg8 : memref<128x64xf32, #tpu.memory_space<vmem>>) offsets(%dma_start3A_299 : memref<128xi32, #tpu.memory_space<vmem>>) semaphore(%arg15 : memref<!tpu.dma_semaphore, #tpu.memory_space<semaphore_mem>>)
      %add3A_307 = arith.constant 1 : i32
      %add3A_308 = arith.addi %mul3A_278, %add3A_307 : i32
      %dma_wait3A_309 = arith.constant 0 : i32
      %dma_wait3A_310 = tpu.memref_slice %arg6[%add3A_308, %dma_wait3A_309] : memref<157x128xi32, #tpu.memory_space<vmem>> -> memref<1x128xi32, #tpu.memory_space<vmem>>
      %dma_wait3A_311 = tpu.memref_squeeze %dma_wait3A_310 : memref<1x128xi32, #tpu.memory_space<vmem>> -> memref<128xi32, #tpu.memory_space<vmem>>
      %dma_wait3A_312 = arith.constant 0 : i32
      %dma_wait3A_313 = arith.constant 0 : i32
      %dma_wait3A_314 = tpu.memref_slice %arg2[%arg0, %dma_wait3A_312, %dma_wait3A_313] : memref<2x10000x64xf32, #tpu.memory_space<hbm>> -> memref<1x10000x64xf32, #tpu.memory_space<hbm>>
      %dma_wait3A_315 = tpu.memref_squeeze %dma_wait3A_314 : memref<1x10000x64xf32, #tpu.memory_space<hbm>> -> memref<10000x64xf32, #tpu.memory_space<hbm>>
      %dma_wait3A_316 = arith.constant 0 : i32
      %dma_wait3A_317 = arith.constant 0 : i32
      %dma_wait3A_318 = tpu.memref_slice %dma_wait3A_315[%dma_wait3A_316, %dma_wait3A_317] : memref<10000x64xf32, #tpu.memory_space<hbm>> -> memref<10000x64xf32, #tpu.memory_space<hbm>>
      tpu.wait_indirect_dma semaphore(%arg16 : memref<!tpu.dma_semaphore, #tpu.memory_space<semaphore_mem>>) src(%dma_wait3A_318 : memref<10000x64xf32, #tpu.memory_space<hbm>>) dst(%arg9 : memref<128x64xf32, #tpu.memory_space<vmem>>)
      %add3A_319 = arith.constant 1 : i32
      %add3A_320 = arith.addi %mul3A_278, %add3A_319 : i32
      "tpu.region"() ({
        %run_scoped3A_447 = tpu.sem_alloc : memref<!tpu.dma_semaphore, #tpu.memory_space<semaphore_mem>>
        %dma_start3A_448 = arith.constant 0 : i32
        %dma_start3A_449 = tpu.memref_slice %arg7[%add3A_320, %dma_start3A_448] : memref<157x128xi32, #tpu.memory_space<vmem>> -> memref<1x128xi32, #tpu.memory_space<vmem>>
        %dma_start3A_450 = tpu.memref_squeeze %dma_start3A_449 : memref<1x128xi32, #tpu.memory_space<vmem>> -> memref<128xi32, #tpu.memory_space<vmem>>
        %dma_start3A_451 = arith.constant 0 : i32
        %dma_start3A_452 = arith.constant 0 : i32
        %dma_start3A_453 = tpu.memref_slice %arg14[%dma_start3A_451, %dma_start3A_452] : memref<10016x64xf32, #tpu.memory_space<vmem_shared>> -> memref<10016x64xf32, #tpu.memory_space<vmem_shared>>
        tpu.enqueue_indirect_dma source(%arg9 : memref<128x64xf32, #tpu.memory_space<vmem>>) target(%dma_start3A_453 : memref<10016x64xf32, #tpu.memory_space<vmem_shared>>) offsets(%dma_start3A_450 : memref<128xi32, #tpu.memory_space<vmem>>) semaphore(%run_scoped3A_447 : memref<!tpu.dma_semaphore, #tpu.memory_space<semaphore_mem>>) {add = true}
        %dma_wait3A_454 = arith.constant 0 : i32
        %dma_wait3A_455 = tpu.memref_slice %arg7[%add3A_320, %dma_wait3A_454] : memref<157x128xi32, #tpu.memory_space<vmem>> -> memref<1x128xi32, #tpu.memory_space<vmem>>
        %dma_wait3A_456 = tpu.memref_squeeze %dma_wait3A_455 : memref<1x128xi32, #tpu.memory_space<vmem>> -> memref<128xi32, #tpu.memory_space<vmem>>
        %dma_wait3A_457 = arith.constant 0 : i32
        %dma_wait3A_458 = arith.constant 0 : i32
        %dma_wait3A_459 = tpu.memref_slice %arg14[%dma_wait3A_457, %dma_wait3A_458] : memref<10016x64xf32, #tpu.memory_space<vmem_shared>> -> memref<10016x64xf32, #tpu.memory_space<vmem_shared>>
        tpu.wait_indirect_dma semaphore(%run_scoped3A_447 : memref<!tpu.dma_semaphore, #tpu.memory_space<semaphore_mem>>) src(%arg9 : memref<128x64xf32, #tpu.memory_space<vmem>>) dst(%dma_wait3A_459 : memref<10016x64xf32, #tpu.memory_space<vmem_shared>>)
        tpu.yield
      }) : () -> ()
      %add3A_321 = arith.constant 6 : i32
      %add3A_322 = arith.addi %mul3A_278, %add3A_321 : i32
      %add3A_323 = arith.constant 1 : i32
      %add3A_324 = arith.addi %add3A_322, %add3A_323 : i32
      %dma_start3A_325 = arith.constant 0 : i32
      %dma_start3A_326 = tpu.memref_slice %arg6[%add3A_324, %dma_start3A_325] : memref<157x128xi32, #tpu.memory_space<vmem>> -> memref<1x128xi32, #tpu.memory_space<vmem>>
      %dma_start3A_327 = tpu.memref_squeeze %dma_start3A_326 : memref<1x128xi32, #tpu.memory_space<vmem>> -> memref<128xi32, #tpu.memory_space<vmem>>
      %dma_start3A_328 = arith.constant 0 : i32
      %dma_start3A_329 = arith.constant 0 : i32
      %dma_start3A_330 = tpu.memref_slice %arg2[%arg0, %dma_start3A_328, %dma_start3A_329] : memref<2x10000x64xf32, #tpu.memory_space<hbm>> -> memref<1x10000x64xf32, #tpu.memory_space<hbm>>
      %dma_start3A_331 = tpu.memref_squeeze %dma_start3A_330 : memref<1x10000x64xf32, #tpu.memory_space<hbm>> -> memref<10000x64xf32, #tpu.memory_space<hbm>>
      %dma_start3A_332 = arith.constant 0 : i32
      %dma_start3A_333 = arith.constant 0 : i32
      %dma_start3A_334 = tpu.memref_slice %dma_start3A_331[%dma_start3A_332, %dma_start3A_333] : memref<10000x64xf32, #tpu.memory_space<hbm>> -> memref<10000x64xf32, #tpu.memory_space<hbm>>
      tpu.enqueue_indirect_dma source(%dma_start3A_334 : memref<10000x64xf32, #tpu.memory_space<hbm>>) target(%arg9 : memref<128x64xf32, #tpu.memory_space<vmem>>) offsets(%dma_start3A_327 : memref<128xi32, #tpu.memory_space<vmem>>) semaphore(%arg16 : memref<!tpu.dma_semaphore, #tpu.memory_space<semaphore_mem>>)
      %add3A_335 = arith.constant 2 : i32
      %add3A_336 = arith.addi %mul3A_278, %add3A_335 : i32
      %dma_wait3A_337 = arith.constant 0 : i32
      %dma_wait3A_338 = tpu.memref_slice %arg6[%add3A_336, %dma_wait3A_337] : memref<157x128xi32, #tpu.memory_space<vmem>> -> memref<1x128xi32, #tpu.memory_space<vmem>>
      %dma_wait3A_339 = tpu.memref_squeeze %dma_wait3A_338 : memref<1x128xi32, #tpu.memory_space<vmem>> -> memref<128xi32, #tpu.memory_space<vmem>>
      %dma_wait3A_340 = arith.constant 0 : i32
      %dma_wait3A_341 = arith.constant 0 : i32
      %dma_wait3A_342 = tpu.memref_slice %arg2[%arg0, %dma_wait3A_340, %dma_wait3A_341] : memref<2x10000x64xf32, #tpu.memory_space<hbm>> -> memref<1x10000x64xf32, #tpu.memory_space<hbm>>
      %dma_wait3A_343 = tpu.memref_squeeze %dma_wait3A_342 : memref<1x10000x64xf32, #tpu.memory_space<hbm>> -> memref<10000x64xf32, #tpu.memory_space<hbm>>
      %dma_wait3A_344 = arith.constant 0 : i32
      %dma_wait3A_345 = arith.constant 0 : i32
      %dma_wait3A_346 = tpu.memref_slice %dma_wait3A_343[%dma_wait3A_344, %dma_wait3A_345] : memref<10000x64xf32, #tpu.memory_space<hbm>> -> memref<10000x64xf32, #tpu.memory_space<hbm>>
      tpu.wait_indirect_dma semaphore(%arg17 : memref<!tpu.dma_semaphore, #tpu.memory_space<semaphore_mem>>) src(%dma_wait3A_346 : memref<10000x64xf32, #tpu.memory_space<hbm>>) dst(%arg10 : memref<128x64xf32, #tpu.memory_space<vmem>>)
      %add3A_347 = arith.constant 2 : i32
      %add3A_348 = arith.addi %mul3A_278, %add3A_347 : i32
      "tpu.region"() ({
        %run_scoped3A_447 = tpu.sem_alloc : memref<!tpu.dma_semaphore, #tpu.memory_space<semaphore_mem>>
        %dma_start3A_448 = arith.constant 0 : i32
        %dma_start3A_449 = tpu.memref_slice %arg7[%add3A_348, %dma_start3A_448] : memref<157x128xi32, #tpu.memory_space<vmem>> -> memref<1x128xi32, #tpu.memory_space<vmem>>
        %dma_start3A_450 = tpu.memref_squeeze %dma_start3A_449 : memref<1x128xi32, #tpu.memory_space<vmem>> -> memref<128xi32, #tpu.memory_space<vmem>>
        %dma_start3A_451 = arith.constant 0 : i32
        %dma_start3A_452 = arith.constant 0 : i32
        %dma_start3A_453 = tpu.memref_slice %arg14[%dma_start3A_451, %dma_start3A_452] : memref<10016x64xf32, #tpu.memory_space<vmem_shared>> -> memref<10016x64xf32, #tpu.memory_space<vmem_shared>>
        tpu.enqueue_indirect_dma source(%arg10 : memref<128x64xf32, #tpu.memory_space<vmem>>) target(%dma_start3A_453 : memref<10016x64xf32, #tpu.memory_space<vmem_shared>>) offsets(%dma_start3A_450 : memref<128xi32, #tpu.memory_space<vmem>>) semaphore(%run_scoped3A_447 : memref<!tpu.dma_semaphore, #tpu.memory_space<semaphore_mem>>) {add = true}
        %dma_wait3A_454 = arith.constant 0 : i32
        %dma_wait3A_455 = tpu.memref_slice %arg7[%add3A_348, %dma_wait3A_454] : memref<157x128xi32, #tpu.memory_space<vmem>> -> memref<1x128xi32, #tpu.memory_space<vmem>>
        %dma_wait3A_456 = tpu.memref_squeeze %dma_wait3A_455 : memref<1x128xi32, #tpu.memory_space<vmem>> -> memref<128xi32, #tpu.memory_space<vmem>>
        %dma_wait3A_457 = arith.constant 0 : i32
        %dma_wait3A_458 = arith.constant 0 : i32
        %dma_wait3A_459 = tpu.memref_slice %arg14[%dma_wait3A_457, %dma_wait3A_458] : memref<10016x64xf32, #tpu.memory_space<vmem_shared>> -> memref<10016x64xf32, #tpu.memory_space<vmem_shared>>
        tpu.wait_indirect_dma semaphore(%run_scoped3A_447 : memref<!tpu.dma_semaphore, #tpu.memory_space<semaphore_mem>>) src(%arg10 : memref<128x64xf32, #tpu.memory_space<vmem>>) dst(%dma_wait3A_459 : memref<10016x64xf32, #tpu.memory_space<vmem_shared>>)
        tpu.yield
      }) : () -> ()
      %add3A_349 = arith.constant 6 : i32
      %add3A_350 = arith.addi %mul3A_278, %add3A_349 : i32
      %add3A_351 = arith.constant 2 : i32
      %add3A_352 = arith.addi %add3A_350, %add3A_351 : i32
      %dma_start3A_353 = arith.constant 0 : i32
      %dma_start3A_354 = tpu.memref_slice %arg6[%add3A_352, %dma_start3A_353] : memref<157x128xi32, #tpu.memory_space<vmem>> -> memref<1x128xi32, #tpu.memory_space<vmem>>
      %dma_start3A_355 = tpu.memref_squeeze %dma_start3A_354 : memref<1x128xi32, #tpu.memory_space<vmem>> -> memref<128xi32, #tpu.memory_space<vmem>>
      %dma_start3A_356 = arith.constant 0 : i32
      %dma_start3A_357 = arith.constant 0 : i32
      %dma_start3A_358 = tpu.memref_slice %arg2[%arg0, %dma_start3A_356, %dma_start3A_357] : memref<2x10000x64xf32, #tpu.memory_space<hbm>> -> memref<1x10000x64xf32, #tpu.memory_space<hbm>>
      %dma_start3A_359 = tpu.memref_squeeze %dma_start3A_358 : memref<1x10000x64xf32, #tpu.memory_space<hbm>> -> memref<10000x64xf32, #tpu.memory_space<hbm>>
      %dma_start3A_360 = arith.constant 0 : i32
      %dma_start3A_361 = arith.constant 0 : i32
      %dma_start3A_362 = tpu.memref_slice %dma_start3A_359[%dma_start3A_360, %dma_start3A_361] : memref<10000x64xf32, #tpu.memory_space<hbm>> -> memref<10000x64xf32, #tpu.memory_space<hbm>>
      tpu.enqueue_indirect_dma source(%dma_start3A_362 : memref<10000x64xf32, #tpu.memory_space<hbm>>) target(%arg10 : memref<128x64xf32, #tpu.memory_space<vmem>>) offsets(%dma_start3A_355 : memref<128xi32, #tpu.memory_space<vmem>>) semaphore(%arg17 : memref<!tpu.dma_semaphore, #tpu.memory_space<semaphore_mem>>)
      %add3A_363 = arith.constant 3 : i32
      %add3A_364 = arith.addi %mul3A_278, %add3A_363 : i32
      %dma_wait3A_365 = arith.constant 0 : i32
      %dma_wait3A_366 = tpu.memref_slice %arg6[%add3A_364, %dma_wait3A_365] : memref<157x128xi32, #tpu.memory_space<vmem>> -> memref<1x128xi32, #tpu.memory_space<vmem>>
      %dma_wait3A_367 = tpu.memref_squeeze %dma_wait3A_366 : memref<1x128xi32, #tpu.memory_space<vmem>> -> memref<128xi32, #tpu.memory_space<vmem>>
      %dma_wait3A_368 = arith.constant 0 : i32
      %dma_wait3A_369 = arith.constant 0 : i32
      %dma_wait3A_370 = tpu.memref_slice %arg2[%arg0, %dma_wait3A_368, %dma_wait3A_369] : memref<2x10000x64xf32, #tpu.memory_space<hbm>> -> memref<1x10000x64xf32, #tpu.memory_space<hbm>>
      %dma_wait3A_371 = tpu.memref_squeeze %dma_wait3A_370 : memref<1x10000x64xf32, #tpu.memory_space<hbm>> -> memref<10000x64xf32, #tpu.memory_space<hbm>>
      %dma_wait3A_372 = arith.constant 0 : i32
      %dma_wait3A_373 = arith.constant 0 : i32
      %dma_wait3A_374 = tpu.memref_slice %dma_wait3A_371[%dma_wait3A_372, %dma_wait3A_373] : memref<10000x64xf32, #tpu.memory_space<hbm>> -> memref<10000x64xf32, #tpu.memory_space<hbm>>
      tpu.wait_indirect_dma semaphore(%arg18 : memref<!tpu.dma_semaphore, #tpu.memory_space<semaphore_mem>>) src(%dma_wait3A_374 : memref<10000x64xf32, #tpu.memory_space<hbm>>) dst(%arg11 : memref<128x64xf32, #tpu.memory_space<vmem>>)
      %add3A_375 = arith.constant 3 : i32
      %add3A_376 = arith.addi %mul3A_278, %add3A_375 : i32
      "tpu.region"() ({
        %run_scoped3A_447 = tpu.sem_alloc : memref<!tpu.dma_semaphore, #tpu.memory_space<semaphore_mem>>
        %dma_start3A_448 = arith.constant 0 : i32
        %dma_start3A_449 = tpu.memref_slice %arg7[%add3A_376, %dma_start3A_448] : memref<157x128xi32, #tpu.memory_space<vmem>> -> memref<1x128xi32, #tpu.memory_space<vmem>>
        %dma_start3A_450 = tpu.memref_squeeze %dma_start3A_449 : memref<1x128xi32, #tpu.memory_space<vmem>> -> memref<128xi32, #tpu.memory_space<vmem>>
        %dma_start3A_451 = arith.constant 0 : i32
        %dma_start3A_452 = arith.constant 0 : i32
        %dma_start3A_453 = tpu.memref_slice %arg14[%dma_start3A_451, %dma_start3A_452] : memref<10016x64xf32, #tpu.memory_space<vmem_shared>> -> memref<10016x64xf32, #tpu.memory_space<vmem_shared>>
        tpu.enqueue_indirect_dma source(%arg11 : memref<128x64xf32, #tpu.memory_space<vmem>>) target(%dma_start3A_453 : memref<10016x64xf32, #tpu.memory_space<vmem_shared>>) offsets(%dma_start3A_450 : memref<128xi32, #tpu.memory_space<vmem>>) semaphore(%run_scoped3A_447 : memref<!tpu.dma_semaphore, #tpu.memory_space<semaphore_mem>>) {add = true}
        %dma_wait3A_454 = arith.constant 0 : i32
        %dma_wait3A_455 = tpu.memref_slice %arg7[%add3A_376, %dma_wait3A_454] : memref<157x128xi32, #tpu.memory_space<vmem>> -> memref<1x128xi32, #tpu.memory_space<vmem>>
        %dma_wait3A_456 = tpu.memref_squeeze %dma_wait3A_455 : memref<1x128xi32, #tpu.memory_space<vmem>> -> memref<128xi32, #tpu.memory_space<vmem>>
        %dma_wait3A_457 = arith.constant 0 : i32
        %dma_wait3A_458 = arith.constant 0 : i32
        %dma_wait3A_459 = tpu.memref_slice %arg14[%dma_wait3A_457, %dma_wait3A_458] : memref<10016x64xf32, #tpu.memory_space<vmem_shared>> -> memref<10016x64xf32, #tpu.memory_space<vmem_shared>>
        tpu.wait_indirect_dma semaphore(%run_scoped3A_447 : memref<!tpu.dma_semaphore, #tpu.memory_space<semaphore_mem>>) src(%arg11 : memref<128x64xf32, #tpu.memory_space<vmem>>) dst(%dma_wait3A_459 : memref<10016x64xf32, #tpu.memory_space<vmem_shared>>)
        tpu.yield
      }) : () -> ()
      %add3A_377 = arith.constant 6 : i32
      %add3A_378 = arith.addi %mul3A_278, %add3A_377 : i32
      %add3A_379 = arith.constant 3 : i32
      %add3A_380 = arith.addi %add3A_378, %add3A_379 : i32
      %dma_start3A_381 = arith.constant 0 : i32
      %dma_start3A_382 = tpu.memref_slice %arg6[%add3A_380, %dma_start3A_381] : memref<157x128xi32, #tpu.memory_space<vmem>> -> memref<1x128xi32, #tpu.memory_space<vmem>>
      %dma_start3A_383 = tpu.memref_squeeze %dma_start3A_382 : memref<1x128xi32, #tpu.memory_space<vmem>> -> memref<128xi32, #tpu.memory_space<vmem>>
      %dma_start3A_384 = arith.constant 0 : i32
      %dma_start3A_385 = arith.constant 0 : i32
      %dma_start3A_386 = tpu.memref_slice %arg2[%arg0, %dma_start3A_384, %dma_start3A_385] : memref<2x10000x64xf32, #tpu.memory_space<hbm>> -> memref<1x10000x64xf32, #tpu.memory_space<hbm>>
      %dma_start3A_387 = tpu.memref_squeeze %dma_start3A_386 : memref<1x10000x64xf32, #tpu.memory_space<hbm>> -> memref<10000x64xf32, #tpu.memory_space<hbm>>
      %dma_start3A_388 = arith.constant 0 : i32
      %dma_start3A_389 = arith.constant 0 : i32
      %dma_start3A_390 = tpu.memref_slice %dma_start3A_387[%dma_start3A_388, %dma_start3A_389] : memref<10000x64xf32, #tpu.memory_space<hbm>> -> memref<10000x64xf32, #tpu.memory_space<hbm>>
      tpu.enqueue_indirect_dma source(%dma_start3A_390 : memref<10000x64xf32, #tpu.memory_space<hbm>>) target(%arg11 : memref<128x64xf32, #tpu.memory_space<vmem>>) offsets(%dma_start3A_383 : memref<128xi32, #tpu.memory_space<vmem>>) semaphore(%arg18 : memref<!tpu.dma_semaphore, #tpu.memory_space<semaphore_mem>>)
      %add3A_391 = arith.constant 4 : i32
      %add3A_392 = arith.addi %mul3A_278, %add3A_391 : i32
      %dma_wait3A_393 = arith.constant 0 : i32
      %dma_wait3A_394 = tpu.memref_slice %arg6[%add3A_392, %dma_wait3A_393] : memref<157x128xi32, #tpu.memory_space<vmem>> -> memref<1x128xi32, #tpu.memory_space<vmem>>
      %dma_wait3A_395 = tpu.memref_squeeze %dma_wait3A_394 : memref<1x128xi32, #tpu.memory_space<vmem>> -> memref<128xi32, #tpu.memory_space<vmem>>
      %dma_wait3A_396 = arith.constant 0 : i32
      %dma_wait3A_397 = arith.constant 0 : i32
      %dma_wait3A_398 = tpu.memref_slice %arg2[%arg0, %dma_wait3A_396, %dma_wait3A_397] : memref<2x10000x64xf32, #tpu.memory_space<hbm>> -> memref<1x10000x64xf32, #tpu.memory_space<hbm>>
      %dma_wait3A_399 = tpu.memref_squeeze %dma_wait3A_398 : memref<1x10000x64xf32, #tpu.memory_space<hbm>> -> memref<10000x64xf32, #tpu.memory_space<hbm>>
      %dma_wait3A_400 = arith.constant 0 : i32
      %dma_wait3A_401 = arith.constant 0 : i32
      %dma_wait3A_402 = tpu.memref_slice %dma_wait3A_399[%dma_wait3A_400, %dma_wait3A_401] : memref<10000x64xf32, #tpu.memory_space<hbm>> -> memref<10000x64xf32, #tpu.memory_space<hbm>>
      tpu.wait_indirect_dma semaphore(%arg19 : memref<!tpu.dma_semaphore, #tpu.memory_space<semaphore_mem>>) src(%dma_wait3A_402 : memref<10000x64xf32, #tpu.memory_space<hbm>>) dst(%arg12 : memref<128x64xf32, #tpu.memory_space<vmem>>)
      %add3A_403 = arith.constant 4 : i32
      %add3A_404 = arith.addi %mul3A_278, %add3A_403 : i32
      "tpu.region"() ({
        %run_scoped3A_447 = tpu.sem_alloc : memref<!tpu.dma_semaphore, #tpu.memory_space<semaphore_mem>>
        %dma_start3A_448 = arith.constant 0 : i32
        %dma_start3A_449 = tpu.memref_slice %arg7[%add3A_404, %dma_start3A_448] : memref<157x128xi32, #tpu.memory_space<vmem>> -> memref<1x128xi32, #tpu.memory_space<vmem>>
        %dma_start3A_450 = tpu.memref_squeeze %dma_start3A_449 : memref<1x128xi32, #tpu.memory_space<vmem>> -> memref<128xi32, #tpu.memory_space<vmem>>
        %dma_start3A_451 = arith.constant 0 : i32
        %dma_start3A_452 = arith.constant 0 : i32
        %dma_start3A_453 = tpu.memref_slice %arg14[%dma_start3A_451, %dma_start3A_452] : memref<10016x64xf32, #tpu.memory_space<vmem_shared>> -> memref<10016x64xf32, #tpu.memory_space<vmem_shared>>
        tpu.enqueue_indirect_dma source(%arg12 : memref<128x64xf32, #tpu.memory_space<vmem>>) target(%dma_start3A_453 : memref<10016x64xf32, #tpu.memory_space<vmem_shared>>) offsets(%dma_start3A_450 : memref<128xi32, #tpu.memory_space<vmem>>) semaphore(%run_scoped3A_447 : memref<!tpu.dma_semaphore, #tpu.memory_space<semaphore_mem>>) {add = true}
        %dma_wait3A_454 = arith.constant 0 : i32
        %dma_wait3A_455 = tpu.memref_slice %arg7[%add3A_404, %dma_wait3A_454] : memref<157x128xi32, #tpu.memory_space<vmem>> -> memref<1x128xi32, #tpu.memory_space<vmem>>
        %dma_wait3A_456 = tpu.memref_squeeze %dma_wait3A_455 : memref<1x128xi32, #tpu.memory_space<vmem>> -> memref<128xi32, #tpu.memory_space<vmem>>
        %dma_wait3A_457 = arith.constant 0 : i32
        %dma_wait3A_458 = arith.constant 0 : i32
        %dma_wait3A_459 = tpu.memref_slice %arg14[%dma_wait3A_457, %dma_wait3A_458] : memref<10016x64xf32, #tpu.memory_space<vmem_shared>> -> memref<10016x64xf32, #tpu.memory_space<vmem_shared>>
        tpu.wait_indirect_dma semaphore(%run_scoped3A_447 : memref<!tpu.dma_semaphore, #tpu.memory_space<semaphore_mem>>) src(%arg12 : memref<128x64xf32, #tpu.memory_space<vmem>>) dst(%dma_wait3A_459 : memref<10016x64xf32, #tpu.memory_space<vmem_shared>>)
        tpu.yield
      }) : () -> ()
      %add3A_405 = arith.constant 6 : i32
      %add3A_406 = arith.addi %mul3A_278, %add3A_405 : i32
      %add3A_407 = arith.constant 4 : i32
      %add3A_408 = arith.addi %add3A_406, %add3A_407 : i32
      %dma_start3A_409 = arith.constant 0 : i32
      %dma_start3A_410 = tpu.memref_slice %arg6[%add3A_408, %dma_start3A_409] : memref<157x128xi32, #tpu.memory_space<vmem>> -> memref<1x128xi32, #tpu.memory_space<vmem>>
      %dma_start3A_411 = tpu.memref_squeeze %dma_start3A_410 : memref<1x128xi32, #tpu.memory_space<vmem>> -> memref<128xi32, #tpu.memory_space<vmem>>
      %dma_start3A_412 = arith.constant 0 : i32
      %dma_start3A_413 = arith.constant 0 : i32
      %dma_start3A_414 = tpu.memref_slice %arg2[%arg0, %dma_start3A_412, %dma_start3A_413] : memref<2x10000x64xf32, #tpu.memory_space<hbm>> -> memref<1x10000x64xf32, #tpu.memory_space<hbm>>
      %dma_start3A_415 = tpu.memref_squeeze %dma_start3A_414 : memref<1x10000x64xf32, #tpu.memory_space<hbm>> -> memref<10000x64xf32, #tpu.memory_space<hbm>>
      %dma_start3A_416 = arith.constant 0 : i32
      %dma_start3A_417 = arith.constant 0 : i32
      %dma_start3A_418 = tpu.memref_slice %dma_start3A_415[%dma_start3A_416, %dma_start3A_417] : memref<10000x64xf32, #tpu.memory_space<hbm>> -> memref<10000x64xf32, #tpu.memory_space<hbm>>
      tpu.enqueue_indirect_dma source(%dma_start3A_418 : memref<10000x64xf32, #tpu.memory_space<hbm>>) target(%arg12 : memref<128x64xf32, #tpu.memory_space<vmem>>) offsets(%dma_start3A_411 : memref<128xi32, #tpu.memory_space<vmem>>) semaphore(%arg19 : memref<!tpu.dma_semaphore, #tpu.memory_space<semaphore_mem>>)
      %add3A_419 = arith.constant 5 : i32
      %add3A_420 = arith.addi %mul3A_278, %add3A_419 : i32
      %dma_wait3A_421 = arith.constant 0 : i32
      %dma_wait3A_422 = tpu.memref_slice %arg6[%add3A_420, %dma_wait3A_421] : memref<157x128xi32, #tpu.memory_space<vmem>> -> memref<1x128xi32, #tpu.memory_space<vmem>>
      %dma_wait3A_423 = tpu.memref_squeeze %dma_wait3A_422 : memref<1x128xi32, #tpu.memory_space<vmem>> -> memref<128xi32, #tpu.memory_space<vmem>>
      %dma_wait3A_424 = arith.constant 0 : i32
      %dma_wait3A_425 = arith.constant 0 : i32
      %dma_wait3A_426 = tpu.memref_slice %arg2[%arg0, %dma_wait3A_424, %dma_wait3A_425] : memref<2x10000x64xf32, #tpu.memory_space<hbm>> -> memref<1x10000x64xf32, #tpu.memory_space<hbm>>
      %dma_wait3A_427 = tpu.memref_squeeze %dma_wait3A_426 : memref<1x10000x64xf32, #tpu.memory_space<hbm>> -> memref<10000x64xf32, #tpu.memory_space<hbm>>
      %dma_wait3A_428 = arith.constant 0 : i32
      %dma_wait3A_429 = arith.constant 0 : i32
      %dma_wait3A_430 = tpu.memref_slice %dma_wait3A_427[%dma_wait3A_428, %dma_wait3A_429] : memref<10000x64xf32, #tpu.memory_space<hbm>> -> memref<10000x64xf32, #tpu.memory_space<hbm>>
      tpu.wait_indirect_dma semaphore(%arg20 : memref<!tpu.dma_semaphore, #tpu.memory_space<semaphore_mem>>) src(%dma_wait3A_430 : memref<10000x64xf32, #tpu.memory_space<hbm>>) dst(%arg13 : memref<128x64xf32, #tpu.memory_space<vmem>>)
      %add3A_431 = arith.constant 5 : i32
      %add3A_432 = arith.addi %mul3A_278, %add3A_431 : i32
      "tpu.region"() ({
        %run_scoped3A_447 = tpu.sem_alloc : memref<!tpu.dma_semaphore, #tpu.memory_space<semaphore_mem>>
        %dma_start3A_448 = arith.constant 0 : i32
        %dma_start3A_449 = tpu.memref_slice %arg7[%add3A_432, %dma_start3A_448] : memref<157x128xi32, #tpu.memory_space<vmem>> -> memref<1x128xi32, #tpu.memory_space<vmem>>
        %dma_start3A_450 = tpu.memref_squeeze %dma_start3A_449 : memref<1x128xi32, #tpu.memory_space<vmem>> -> memref<128xi32, #tpu.memory_space<vmem>>
        %dma_start3A_451 = arith.constant 0 : i32
        %dma_start3A_452 = arith.constant 0 : i32
        %dma_start3A_453 = tpu.memref_slice %arg14[%dma_start3A_451, %dma_start3A_452] : memref<10016x64xf32, #tpu.memory_space<vmem_shared>> -> memref<10016x64xf32, #tpu.memory_space<vmem_shared>>
        tpu.enqueue_indirect_dma source(%arg13 : memref<128x64xf32, #tpu.memory_space<vmem>>) target(%dma_start3A_453 : memref<10016x64xf32, #tpu.memory_space<vmem_shared>>) offsets(%dma_start3A_450 : memref<128xi32, #tpu.memory_space<vmem>>) semaphore(%run_scoped3A_447 : memref<!tpu.dma_semaphore, #tpu.memory_space<semaphore_mem>>) {add = true}
        %dma_wait3A_454 = arith.constant 0 : i32
        %dma_wait3A_455 = tpu.memref_slice %arg7[%add3A_432, %dma_wait3A_454] : memref<157x128xi32, #tpu.memory_space<vmem>> -> memref<1x128xi32, #tpu.memory_space<vmem>>
        %dma_wait3A_456 = tpu.memref_squeeze %dma_wait3A_455 : memref<1x128xi32, #tpu.memory_space<vmem>> -> memref<128xi32, #tpu.memory_space<vmem>>
        %dma_wait3A_457 = arith.constant 0 : i32
        %dma_wait3A_458 = arith.constant 0 : i32
        %dma_wait3A_459 = tpu.memref_slice %arg14[%dma_wait3A_457, %dma_wait3A_458] : memref<10016x64xf32, #tpu.memory_space<vmem_shared>> -> memref<10016x64xf32, #tpu.memory_space<vmem_shared>>
        tpu.wait_indirect_dma semaphore(%run_scoped3A_447 : memref<!tpu.dma_semaphore, #tpu.memory_space<semaphore_mem>>) src(%arg13 : memref<128x64xf32, #tpu.memory_space<vmem>>) dst(%dma_wait3A_459 : memref<10016x64xf32, #tpu.memory_space<vmem_shared>>)
        tpu.yield
      }) : () -> ()
      %add3A_433 = arith.constant 6 : i32
      %add3A_434 = arith.addi %mul3A_278, %add3A_433 : i32
      %add3A_435 = arith.constant 5 : i32
      %add3A_436 = arith.addi %add3A_434, %add3A_435 : i32
      %dma_start3A_437 = arith.constant 0 : i32
      %dma_start3A_438 = tpu.memref_slice %arg6[%add3A_436, %dma_start3A_437] : memref<157x128xi32, #tpu.memory_space<vmem>> -> memref<1x128xi32, #tpu.memory_space<vmem>>
      %dma_start3A_439 = tpu.memref_squeeze %dma_start3A_438 : memref<1x128xi32, #tpu.memory_space<vmem>> -> memref<128xi32, #tpu.memory_space<vmem>>
      %dma_start3A_440 = arith.constant 0 : i32
      %dma_start3A_441 = arith.constant 0 : i32
      %dma_start3A_442 = tpu.memref_slice %arg2[%arg0, %dma_start3A_440, %dma_start3A_441] : memref<2x10000x64xf32, #tpu.memory_space<hbm>> -> memref<1x10000x64xf32, #tpu.memory_space<hbm>>
      %dma_start3A_443 = tpu.memref_squeeze %dma_start3A_442 : memref<1x10000x64xf32, #tpu.memory_space<hbm>> -> memref<10000x64xf32, #tpu.memory_space<hbm>>
      %dma_start3A_444 = arith.constant 0 : i32
      %dma_start3A_445 = arith.constant 0 : i32
      %dma_start3A_446 = tpu.memref_slice %dma_start3A_443[%dma_start3A_444, %dma_start3A_445] : memref<10000x64xf32, #tpu.memory_space<hbm>> -> memref<10000x64xf32, #tpu.memory_space<hbm>>
      tpu.enqueue_indirect_dma source(%dma_start3A_446 : memref<10000x64xf32, #tpu.memory_space<hbm>>) target(%arg13 : memref<128x64xf32, #tpu.memory_space<vmem>>) offsets(%dma_start3A_439 : memref<128xi32, #tpu.memory_space<vmem>>) semaphore(%arg20 : memref<!tpu.dma_semaphore, #tpu.memory_space<semaphore_mem>>)
    }
    %scan3A_178 = arith.constant 25 : i32
    %dma_wait3A_179 = arith.constant 150 : i32
    %dma_wait3A_180 = arith.constant 0 : i32
    %dma_wait3A_181 = tpu.memref_slice %arg6[%dma_wait3A_179, %dma_wait3A_180] : memref<157x128xi32, #tpu.memory_space<vmem>> -> memref<1x128xi32, #tpu.memory_space<vmem>>
    %dma_wait3A_182 = tpu.memref_squeeze %dma_wait3A_181 : memref<1x128xi32, #tpu.memory_space<vmem>> -> memref<128xi32, #tpu.memory_space<vmem>>
    %dma_wait3A_183 = arith.constant 0 : i32
    %dma_wait3A_184 = arith.constant 0 : i32
    %dma_wait3A_185 = tpu.memref_slice %arg2[%arg0, %dma_wait3A_183, %dma_wait3A_184] : memref<2x10000x64xf32, #tpu.memory_space<hbm>> -> memref<1x10000x64xf32, #tpu.memory_space<hbm>>
    %dma_wait3A_186 = tpu.memref_squeeze %dma_wait3A_185 : memref<1x10000x64xf32, #tpu.memory_space<hbm>> -> memref<10000x64xf32, #tpu.memory_space<hbm>>
    %dma_wait3A_187 = arith.constant 0 : i32
    %dma_wait3A_188 = arith.constant 0 : i32
    %dma_wait3A_189 = tpu.memref_slice %dma_wait3A_186[%dma_wait3A_187, %dma_wait3A_188] : memref<10000x64xf32, #tpu.memory_space<hbm>> -> memref<10000x64xf32, #tpu.memory_space<hbm>>
    tpu.wait_indirect_dma semaphore(%arg15 : memref<!tpu.dma_semaphore, #tpu.memory_space<semaphore_mem>>) src(%dma_wait3A_189 : memref<10000x64xf32, #tpu.memory_space<hbm>>) dst(%arg8 : memref<128x64xf32, #tpu.memory_space<vmem>>)
    %run_scoped3A = arith.constant 150 : i32
    "tpu.region"() ({
      %run_scoped3A_276 = tpu.sem_alloc : memref<!tpu.dma_semaphore, #tpu.memory_space<semaphore_mem>>
      %dma_start3A_277 = arith.constant 0 : i32
      %dma_start3A_278 = tpu.memref_slice %arg7[%run_scoped3A, %dma_start3A_277] : memref<157x128xi32, #tpu.memory_space<vmem>> -> memref<1x128xi32, #tpu.memory_space<vmem>>
      %dma_start3A_279 = tpu.memref_squeeze %dma_start3A_278 : memref<1x128xi32, #tpu.memory_space<vmem>> -> memref<128xi32, #tpu.memory_space<vmem>>
      %dma_start3A_280 = arith.constant 0 : i32
      %dma_start3A_281 = arith.constant 0 : i32
      %dma_start3A_282 = tpu.memref_slice %arg14[%dma_start3A_280, %dma_start3A_281] : memref<10016x64xf32, #tpu.memory_space<vmem_shared>> -> memref<10016x64xf32, #tpu.memory_space<vmem_shared>>
      tpu.enqueue_indirect_dma source(%arg8 : memref<128x64xf32, #tpu.memory_space<vmem>>) target(%dma_start3A_282 : memref<10016x64xf32, #tpu.memory_space<vmem_shared>>) offsets(%dma_start3A_279 : memref<128xi32, #tpu.memory_space<vmem>>) semaphore(%run_scoped3A_276 : memref<!tpu.dma_semaphore, #tpu.memory_space<semaphore_mem>>) {add = true}
      %dma_wait3A_283 = arith.constant 0 : i32
      %dma_wait3A_284 = tpu.memref_slice %arg7[%run_scoped3A, %dma_wait3A_283] : memref<157x128xi32, #tpu.memory_space<vmem>> -> memref<1x128xi32, #tpu.memory_space<vmem>>
      %dma_wait3A_285 = tpu.memref_squeeze %dma_wait3A_284 : memref<1x128xi32, #tpu.memory_space<vmem>> -> memref<128xi32, #tpu.memory_space<vmem>>
      %dma_wait3A_286 = arith.constant 0 : i32
      %dma_wait3A_287 = arith.constant 0 : i32
      %dma_wait3A_288 = tpu.memref_slice %arg14[%dma_wait3A_286, %dma_wait3A_287] : memref<10016x64xf32, #tpu.memory_space<vmem_shared>> -> memref<10016x64xf32, #tpu.memory_space<vmem_shared>>
      tpu.wait_indirect_dma semaphore(%run_scoped3A_276 : memref<!tpu.dma_semaphore, #tpu.memory_space<semaphore_mem>>) src(%arg8 : memref<128x64xf32, #tpu.memory_space<vmem>>) dst(%dma_wait3A_288 : memref<10016x64xf32, #tpu.memory_space<vmem_shared>>)
      tpu.yield
    }) : () -> ()
    %dma_start3A_190 = arith.constant 156 : i32
    %dma_start3A_191 = arith.constant 0 : i32
    %dma_start3A_192 = tpu.memref_slice %arg6[%dma_start3A_190, %dma_start3A_191] : memref<157x128xi32, #tpu.memory_space<vmem>> -> memref<1x128xi32, #tpu.memory_space<vmem>>
    %dma_start3A_193 = tpu.memref_squeeze %dma_start3A_192 : memref<1x128xi32, #tpu.memory_space<vmem>> -> memref<128xi32, #tpu.memory_space<vmem>>
    %dma_start3A_194 = arith.constant 0 : i32
    %dma_start3A_195 = arith.constant 0 : i32
    %dma_start3A_196 = tpu.memref_slice %arg2[%arg0, %dma_start3A_194, %dma_start3A_195] : memref<2x10000x64xf32, #tpu.memory_space<hbm>> -> memref<1x10000x64xf32, #tpu.memory_space<hbm>>
    %dma_start3A_197 = tpu.memref_squeeze %dma_start3A_196 : memref<1x10000x64xf32, #tpu.memory_space<hbm>> -> memref<10000x64xf32, #tpu.memory_space<hbm>>
    %dma_start3A_198 = arith.constant 0 : i32
    %dma_start3A_199 = arith.constant 0 : i32
    %dma_start3A_200 = tpu.memref_slice %dma_start3A_197[%dma_start3A_198, %dma_start3A_199] : memref<10000x64xf32, #tpu.memory_space<hbm>> -> memref<10000x64xf32, #tpu.memory_space<hbm>>
    tpu.enqueue_indirect_dma source(%dma_start3A_200 : memref<10000x64xf32, #tpu.memory_space<hbm>>) target(%arg8 : memref<128x64xf32, #tpu.memory_space<vmem>>) offsets(%dma_start3A_193 : memref<128xi32, #tpu.memory_space<vmem>>) semaphore(%arg15 : memref<!tpu.dma_semaphore, #tpu.memory_space<semaphore_mem>>)
    %dma_wait3A_201 = arith.constant 151 : i32
    %dma_wait3A_202 = arith.constant 0 : i32
    %dma_wait3A_203 = tpu.memref_slice %arg6[%dma_wait3A_201, %dma_wait3A_202] : memref<157x128xi32, #tpu.memory_space<vmem>> -> memref<1x128xi32, #tpu.memory_space<vmem>>
    %dma_wait3A_204 = tpu.memref_squeeze %dma_wait3A_203 : memref<1x128xi32, #tpu.memory_space<vmem>> -> memref<128xi32, #tpu.memory_space<vmem>>
    %dma_wait3A_205 = arith.constant 0 : i32
    %dma_wait3A_206 = arith.constant 0 : i32
    %dma_wait3A_207 = tpu.memref_slice %arg2[%arg0, %dma_wait3A_205, %dma_wait3A_206] : memref<2x10000x64xf32, #tpu.memory_space<hbm>> -> memref<1x10000x64xf32, #tpu.memory_space<hbm>>
    %dma_wait3A_208 = tpu.memref_squeeze %dma_wait3A_207 : memref<1x10000x64xf32, #tpu.memory_space<hbm>> -> memref<10000x64xf32, #tpu.memory_space<hbm>>
    %dma_wait3A_209 = arith.constant 0 : i32
    %dma_wait3A_210 = arith.constant 0 : i32
    %dma_wait3A_211 = tpu.memref_slice %dma_wait3A_208[%dma_wait3A_209, %dma_wait3A_210] : memref<10000x64xf32, #tpu.memory_space<hbm>> -> memref<10000x64xf32, #tpu.memory_space<hbm>>
    tpu.wait_indirect_dma semaphore(%arg16 : memref<!tpu.dma_semaphore, #tpu.memory_space<semaphore_mem>>) src(%dma_wait3A_211 : memref<10000x64xf32, #tpu.memory_space<hbm>>) dst(%arg9 : memref<128x64xf32, #tpu.memory_space<vmem>>)
    %run_scoped3A_212 = arith.constant 151 : i32
    "tpu.region"() ({
      %run_scoped3A_276 = tpu.sem_alloc : memref<!tpu.dma_semaphore, #tpu.memory_space<semaphore_mem>>
      %dma_start3A_277 = arith.constant 0 : i32
      %dma_start3A_278 = tpu.memref_slice %arg7[%run_scoped3A_212, %dma_start3A_277] : memref<157x128xi32, #tpu.memory_space<vmem>> -> memref<1x128xi32, #tpu.memory_space<vmem>>
      %dma_start3A_279 = tpu.memref_squeeze %dma_start3A_278 : memref<1x128xi32, #tpu.memory_space<vmem>> -> memref<128xi32, #tpu.memory_space<vmem>>
      %dma_start3A_280 = arith.constant 0 : i32
      %dma_start3A_281 = arith.constant 0 : i32
      %dma_start3A_282 = tpu.memref_slice %arg14[%dma_start3A_280, %dma_start3A_281] : memref<10016x64xf32, #tpu.memory_space<vmem_shared>> -> memref<10016x64xf32, #tpu.memory_space<vmem_shared>>
      tpu.enqueue_indirect_dma source(%arg9 : memref<128x64xf32, #tpu.memory_space<vmem>>) target(%dma_start3A_282 : memref<10016x64xf32, #tpu.memory_space<vmem_shared>>) offsets(%dma_start3A_279 : memref<128xi32, #tpu.memory_space<vmem>>) semaphore(%run_scoped3A_276 : memref<!tpu.dma_semaphore, #tpu.memory_space<semaphore_mem>>) {add = true}
      %dma_wait3A_283 = arith.constant 0 : i32
      %dma_wait3A_284 = tpu.memref_slice %arg7[%run_scoped3A_212, %dma_wait3A_283] : memref<157x128xi32, #tpu.memory_space<vmem>> -> memref<1x128xi32, #tpu.memory_space<vmem>>
      %dma_wait3A_285 = tpu.memref_squeeze %dma_wait3A_284 : memref<1x128xi32, #tpu.memory_space<vmem>> -> memref<128xi32, #tpu.memory_space<vmem>>
      %dma_wait3A_286 = arith.constant 0 : i32
      %dma_wait3A_287 = arith.constant 0 : i32
      %dma_wait3A_288 = tpu.memref_slice %arg14[%dma_wait3A_286, %dma_wait3A_287] : memref<10016x64xf32, #tpu.memory_space<vmem_shared>> -> memref<10016x64xf32, #tpu.memory_space<vmem_shared>>
      tpu.wait_indirect_dma semaphore(%run_scoped3A_276 : memref<!tpu.dma_semaphore, #tpu.memory_space<semaphore_mem>>) src(%arg9 : memref<128x64xf32, #tpu.memory_space<vmem>>) dst(%dma_wait3A_288 : memref<10016x64xf32, #tpu.memory_space<vmem_shared>>)
      tpu.yield
    }) : () -> ()
    %dma_wait3A_213 = arith.constant 152 : i32
    %dma_wait3A_214 = arith.constant 0 : i32
    %dma_wait3A_215 = tpu.memref_slice %arg6[%dma_wait3A_213, %dma_wait3A_214] : memref<157x128xi32, #tpu.memory_space<vmem>> -> memref<1x128xi32, #tpu.memory_space<vmem>>
    %dma_wait3A_216 = tpu.memref_squeeze %dma_wait3A_215 : memref<1x128xi32, #tpu.memory_space<vmem>> -> memref<128xi32, #tpu.memory_space<vmem>>
    %dma_wait3A_217 = arith.constant 0 : i32
    %dma_wait3A_218 = arith.constant 0 : i32
    %dma_wait3A_219 = tpu.memref_slice %arg2[%arg0, %dma_wait3A_217, %dma_wait3A_218] : memref<2x10000x64xf32, #tpu.memory_space<hbm>> -> memref<1x10000x64xf32, #tpu.memory_space<hbm>>
    %dma_wait3A_220 = tpu.memref_squeeze %dma_wait3A_219 : memref<1x10000x64xf32, #tpu.memory_space<hbm>> -> memref<10000x64xf32, #tpu.memory_space<hbm>>
    %dma_wait3A_221 = arith.constant 0 : i32
    %dma_wait3A_222 = arith.constant 0 : i32
    %dma_wait3A_223 = tpu.memref_slice %dma_wait3A_220[%dma_wait3A_221, %dma_wait3A_222] : memref<10000x64xf32, #tpu.memory_space<hbm>> -> memref<10000x64xf32, #tpu.memory_space<hbm>>
    tpu.wait_indirect_dma semaphore(%arg17 : memref<!tpu.dma_semaphore, #tpu.memory_space<semaphore_mem>>) src(%dma_wait3A_223 : memref<10000x64xf32, #tpu.memory_space<hbm>>) dst(%arg10 : memref<128x64xf32, #tpu.memory_space<vmem>>)
    %run_scoped3A_224 = arith.constant 152 : i32
    "tpu.region"() ({
      %run_scoped3A_276 = tpu.sem_alloc : memref<!tpu.dma_semaphore, #tpu.memory_space<semaphore_mem>>
      %dma_start3A_277 = arith.constant 0 : i32
      %dma_start3A_278 = tpu.memref_slice %arg7[%run_scoped3A_224, %dma_start3A_277] : memref<157x128xi32, #tpu.memory_space<vmem>> -> memref<1x128xi32, #tpu.memory_space<vmem>>
      %dma_start3A_279 = tpu.memref_squeeze %dma_start3A_278 : memref<1x128xi32, #tpu.memory_space<vmem>> -> memref<128xi32, #tpu.memory_space<vmem>>
      %dma_start3A_280 = arith.constant 0 : i32
      %dma_start3A_281 = arith.constant 0 : i32
      %dma_start3A_282 = tpu.memref_slice %arg14[%dma_start3A_280, %dma_start3A_281] : memref<10016x64xf32, #tpu.memory_space<vmem_shared>> -> memref<10016x64xf32, #tpu.memory_space<vmem_shared>>
      tpu.enqueue_indirect_dma source(%arg10 : memref<128x64xf32, #tpu.memory_space<vmem>>) target(%dma_start3A_282 : memref<10016x64xf32, #tpu.memory_space<vmem_shared>>) offsets(%dma_start3A_279 : memref<128xi32, #tpu.memory_space<vmem>>) semaphore(%run_scoped3A_276 : memref<!tpu.dma_semaphore, #tpu.memory_space<semaphore_mem>>) {add = true}
      %dma_wait3A_283 = arith.constant 0 : i32
      %dma_wait3A_284 = tpu.memref_slice %arg7[%run_scoped3A_224, %dma_wait3A_283] : memref<157x128xi32, #tpu.memory_space<vmem>> -> memref<1x128xi32, #tpu.memory_space<vmem>>
      %dma_wait3A_285 = tpu.memref_squeeze %dma_wait3A_284 : memref<1x128xi32, #tpu.memory_space<vmem>> -> memref<128xi32, #tpu.memory_space<vmem>>
      %dma_wait3A_286 = arith.constant 0 : i32
      %dma_wait3A_287 = arith.constant 0 : i32
      %dma_wait3A_288 = tpu.memref_slice %arg14[%dma_wait3A_286, %dma_wait3A_287] : memref<10016x64xf32, #tpu.memory_space<vmem_shared>> -> memref<10016x64xf32, #tpu.memory_space<vmem_shared>>
      tpu.wait_indirect_dma semaphore(%run_scoped3A_276 : memref<!tpu.dma_semaphore, #tpu.memory_space<semaphore_mem>>) src(%arg10 : memref<128x64xf32, #tpu.memory_space<vmem>>) dst(%dma_wait3A_288 : memref<10016x64xf32, #tpu.memory_space<vmem_shared>>)
      tpu.yield
    }) : () -> ()
    %dma_wait3A_225 = arith.constant 153 : i32
    %dma_wait3A_226 = arith.constant 0 : i32
    %dma_wait3A_227 = tpu.memref_slice %arg6[%dma_wait3A_225, %dma_wait3A_226] : memref<157x128xi32, #tpu.memory_space<vmem>> -> memref<1x128xi32, #tpu.memory_space<vmem>>
    %dma_wait3A_228 = tpu.memref_squeeze %dma_wait3A_227 : memref<1x128xi32, #tpu.memory_space<vmem>> -> memref<128xi32, #tpu.memory_space<vmem>>
    %dma_wait3A_229 = arith.constant 0 : i32
    %dma_wait3A_230 = arith.constant 0 : i32
    %dma_wait3A_231 = tpu.memref_slice %arg2[%arg0, %dma_wait3A_229, %dma_wait3A_230] : memref<2x10000x64xf32, #tpu.memory_space<hbm>> -> memref<1x10000x64xf32, #tpu.memory_space<hbm>>
    %dma_wait3A_232 = tpu.memref_squeeze %dma_wait3A_231 : memref<1x10000x64xf32, #tpu.memory_space<hbm>> -> memref<10000x64xf32, #tpu.memory_space<hbm>>
    %dma_wait3A_233 = arith.constant 0 : i32
    %dma_wait3A_234 = arith.constant 0 : i32
    %dma_wait3A_235 = tpu.memref_slice %dma_wait3A_232[%dma_wait3A_233, %dma_wait3A_234] : memref<10000x64xf32, #tpu.memory_space<hbm>> -> memref<10000x64xf32, #tpu.memory_space<hbm>>
    tpu.wait_indirect_dma semaphore(%arg18 : memref<!tpu.dma_semaphore, #tpu.memory_space<semaphore_mem>>) src(%dma_wait3A_235 : memref<10000x64xf32, #tpu.memory_space<hbm>>) dst(%arg11 : memref<128x64xf32, #tpu.memory_space<vmem>>)
    %run_scoped3A_236 = arith.constant 153 : i32
    "tpu.region"() ({
      %run_scoped3A_276 = tpu.sem_alloc : memref<!tpu.dma_semaphore, #tpu.memory_space<semaphore_mem>>
      %dma_start3A_277 = arith.constant 0 : i32
      %dma_start3A_278 = tpu.memref_slice %arg7[%run_scoped3A_236, %dma_start3A_277] : memref<157x128xi32, #tpu.memory_space<vmem>> -> memref<1x128xi32, #tpu.memory_space<vmem>>
      %dma_start3A_279 = tpu.memref_squeeze %dma_start3A_278 : memref<1x128xi32, #tpu.memory_space<vmem>> -> memref<128xi32, #tpu.memory_space<vmem>>
      %dma_start3A_280 = arith.constant 0 : i32
      %dma_start3A_281 = arith.constant 0 : i32
      %dma_start3A_282 = tpu.memref_slice %arg14[%dma_start3A_280, %dma_start3A_281] : memref<10016x64xf32, #tpu.memory_space<vmem_shared>> -> memref<10016x64xf32, #tpu.memory_space<vmem_shared>>
      tpu.enqueue_indirect_dma source(%arg11 : memref<128x64xf32, #tpu.memory_space<vmem>>) target(%dma_start3A_282 : memref<10016x64xf32, #tpu.memory_space<vmem_shared>>) offsets(%dma_start3A_279 : memref<128xi32, #tpu.memory_space<vmem>>) semaphore(%run_scoped3A_276 : memref<!tpu.dma_semaphore, #tpu.memory_space<semaphore_mem>>) {add = true}
      %dma_wait3A_283 = arith.constant 0 : i32
      %dma_wait3A_284 = tpu.memref_slice %arg7[%run_scoped3A_236, %dma_wait3A_283] : memref<157x128xi32, #tpu.memory_space<vmem>> -> memref<1x128xi32, #tpu.memory_space<vmem>>
      %dma_wait3A_285 = tpu.memref_squeeze %dma_wait3A_284 : memref<1x128xi32, #tpu.memory_space<vmem>> -> memref<128xi32, #tpu.memory_space<vmem>>
      %dma_wait3A_286 = arith.constant 0 : i32
      %dma_wait3A_287 = arith.constant 0 : i32
      %dma_wait3A_288 = tpu.memref_slice %arg14[%dma_wait3A_286, %dma_wait3A_287] : memref<10016x64xf32, #tpu.memory_space<vmem_shared>> -> memref<10016x64xf32, #tpu.memory_space<vmem_shared>>
      tpu.wait_indirect_dma semaphore(%run_scoped3A_276 : memref<!tpu.dma_semaphore, #tpu.memory_space<semaphore_mem>>) src(%arg11 : memref<128x64xf32, #tpu.memory_space<vmem>>) dst(%dma_wait3A_288 : memref<10016x64xf32, #tpu.memory_space<vmem_shared>>)
      tpu.yield
    }) : () -> ()
    %dma_wait3A_237 = arith.constant 154 : i32
    %dma_wait3A_238 = arith.constant 0 : i32
    %dma_wait3A_239 = tpu.memref_slice %arg6[%dma_wait3A_237, %dma_wait3A_238] : memref<157x128xi32, #tpu.memory_space<vmem>> -> memref<1x128xi32, #tpu.memory_space<vmem>>
    %dma_wait3A_240 = tpu.memref_squeeze %dma_wait3A_239 : memref<1x128xi32, #tpu.memory_space<vmem>> -> memref<128xi32, #tpu.memory_space<vmem>>
    %dma_wait3A_241 = arith.constant 0 : i32
    %dma_wait3A_242 = arith.constant 0 : i32
    %dma_wait3A_243 = tpu.memref_slice %arg2[%arg0, %dma_wait3A_241, %dma_wait3A_242] : memref<2x10000x64xf32, #tpu.memory_space<hbm>> -> memref<1x10000x64xf32, #tpu.memory_space<hbm>>
    %dma_wait3A_244 = tpu.memref_squeeze %dma_wait3A_243 : memref<1x10000x64xf32, #tpu.memory_space<hbm>> -> memref<10000x64xf32, #tpu.memory_space<hbm>>
    %dma_wait3A_245 = arith.constant 0 : i32
    %dma_wait3A_246 = arith.constant 0 : i32
    %dma_wait3A_247 = tpu.memref_slice %dma_wait3A_244[%dma_wait3A_245, %dma_wait3A_246] : memref<10000x64xf32, #tpu.memory_space<hbm>> -> memref<10000x64xf32, #tpu.memory_space<hbm>>
    tpu.wait_indirect_dma semaphore(%arg19 : memref<!tpu.dma_semaphore, #tpu.memory_space<semaphore_mem>>) src(%dma_wait3A_247 : memref<10000x64xf32, #tpu.memory_space<hbm>>) dst(%arg12 : memref<128x64xf32, #tpu.memory_space<vmem>>)
    %run_scoped3A_248 = arith.constant 154 : i32
    "tpu.region"() ({
      %run_scoped3A_276 = tpu.sem_alloc : memref<!tpu.dma_semaphore, #tpu.memory_space<semaphore_mem>>
      %dma_start3A_277 = arith.constant 0 : i32
      %dma_start3A_278 = tpu.memref_slice %arg7[%run_scoped3A_248, %dma_start3A_277] : memref<157x128xi32, #tpu.memory_space<vmem>> -> memref<1x128xi32, #tpu.memory_space<vmem>>
      %dma_start3A_279 = tpu.memref_squeeze %dma_start3A_278 : memref<1x128xi32, #tpu.memory_space<vmem>> -> memref<128xi32, #tpu.memory_space<vmem>>
      %dma_start3A_280 = arith.constant 0 : i32
      %dma_start3A_281 = arith.constant 0 : i32
      %dma_start3A_282 = tpu.memref_slice %arg14[%dma_start3A_280, %dma_start3A_281] : memref<10016x64xf32, #tpu.memory_space<vmem_shared>> -> memref<10016x64xf32, #tpu.memory_space<vmem_shared>>
      tpu.enqueue_indirect_dma source(%arg12 : memref<128x64xf32, #tpu.memory_space<vmem>>) target(%dma_start3A_282 : memref<10016x64xf32, #tpu.memory_space<vmem_shared>>) offsets(%dma_start3A_279 : memref<128xi32, #tpu.memory_space<vmem>>) semaphore(%run_scoped3A_276 : memref<!tpu.dma_semaphore, #tpu.memory_space<semaphore_mem>>) {add = true}
      %dma_wait3A_283 = arith.constant 0 : i32
      %dma_wait3A_284 = tpu.memref_slice %arg7[%run_scoped3A_248, %dma_wait3A_283] : memref<157x128xi32, #tpu.memory_space<vmem>> -> memref<1x128xi32, #tpu.memory_space<vmem>>
      %dma_wait3A_285 = tpu.memref_squeeze %dma_wait3A_284 : memref<1x128xi32, #tpu.memory_space<vmem>> -> memref<128xi32, #tpu.memory_space<vmem>>
      %dma_wait3A_286 = arith.constant 0 : i32
      %dma_wait3A_287 = arith.constant 0 : i32
      %dma_wait3A_288 = tpu.memref_slice %arg14[%dma_wait3A_286, %dma_wait3A_287] : memref<10016x64xf32, #tpu.memory_space<vmem_shared>> -> memref<10016x64xf32, #tpu.memory_space<vmem_shared>>
      tpu.wait_indirect_dma semaphore(%run_scoped3A_276 : memref<!tpu.dma_semaphore, #tpu.memory_space<semaphore_mem>>) src(%arg12 : memref<128x64xf32, #tpu.memory_space<vmem>>) dst(%dma_wait3A_288 : memref<10016x64xf32, #tpu.memory_space<vmem_shared>>)
      tpu.yield
    }) : () -> ()
    %dma_wait3A_249 = arith.constant 155 : i32
    %dma_wait3A_250 = arith.constant 0 : i32
    %dma_wait3A_251 = tpu.memref_slice %arg6[%dma_wait3A_249, %dma_wait3A_250] : memref<157x128xi32, #tpu.memory_space<vmem>> -> memref<1x128xi32, #tpu.memory_space<vmem>>
    %dma_wait3A_252 = tpu.memref_squeeze %dma_wait3A_251 : memref<1x128xi32, #tpu.memory_space<vmem>> -> memref<128xi32, #tpu.memory_space<vmem>>
    %dma_wait3A_253 = arith.constant 0 : i32
    %dma_wait3A_254 = arith.constant 0 : i32
    %dma_wait3A_255 = tpu.memref_slice %arg2[%arg0, %dma_wait3A_253, %dma_wait3A_254] : memref<2x10000x64xf32, #tpu.memory_space<hbm>> -> memref<1x10000x64xf32, #tpu.memory_space<hbm>>
    %dma_wait3A_256 = tpu.memref_squeeze %dma_wait3A_255 : memref<1x10000x64xf32, #tpu.memory_space<hbm>> -> memref<10000x64xf32, #tpu.memory_space<hbm>>
    %dma_wait3A_257 = arith.constant 0 : i32
    %dma_wait3A_258 = arith.constant 0 : i32
    %dma_wait3A_259 = tpu.memref_slice %dma_wait3A_256[%dma_wait3A_257, %dma_wait3A_258] : memref<10000x64xf32, #tpu.memory_space<hbm>> -> memref<10000x64xf32, #tpu.memory_space<hbm>>
    tpu.wait_indirect_dma semaphore(%arg20 : memref<!tpu.dma_semaphore, #tpu.memory_space<semaphore_mem>>) src(%dma_wait3A_259 : memref<10000x64xf32, #tpu.memory_space<hbm>>) dst(%arg13 : memref<128x64xf32, #tpu.memory_space<vmem>>)
    %run_scoped3A_260 = arith.constant 155 : i32
    "tpu.region"() ({
      %run_scoped3A_276 = tpu.sem_alloc : memref<!tpu.dma_semaphore, #tpu.memory_space<semaphore_mem>>
      %dma_start3A_277 = arith.constant 0 : i32
      %dma_start3A_278 = tpu.memref_slice %arg7[%run_scoped3A_260, %dma_start3A_277] : memref<157x128xi32, #tpu.memory_space<vmem>> -> memref<1x128xi32, #tpu.memory_space<vmem>>
      %dma_start3A_279 = tpu.memref_squeeze %dma_start3A_278 : memref<1x128xi32, #tpu.memory_space<vmem>> -> memref<128xi32, #tpu.memory_space<vmem>>
      %dma_start3A_280 = arith.constant 0 : i32
      %dma_start3A_281 = arith.constant 0 : i32
      %dma_start3A_282 = tpu.memref_slice %arg14[%dma_start3A_280, %dma_start3A_281] : memref<10016x64xf32, #tpu.memory_space<vmem_shared>> -> memref<10016x64xf32, #tpu.memory_space<vmem_shared>>
      tpu.enqueue_indirect_dma source(%arg13 : memref<128x64xf32, #tpu.memory_space<vmem>>) target(%dma_start3A_282 : memref<10016x64xf32, #tpu.memory_space<vmem_shared>>) offsets(%dma_start3A_279 : memref<128xi32, #tpu.memory_space<vmem>>) semaphore(%run_scoped3A_276 : memref<!tpu.dma_semaphore, #tpu.memory_space<semaphore_mem>>) {add = true}
      %dma_wait3A_283 = arith.constant 0 : i32
      %dma_wait3A_284 = tpu.memref_slice %arg7[%run_scoped3A_260, %dma_wait3A_283] : memref<157x128xi32, #tpu.memory_space<vmem>> -> memref<1x128xi32, #tpu.memory_space<vmem>>
      %dma_wait3A_285 = tpu.memref_squeeze %dma_wait3A_284 : memref<1x128xi32, #tpu.memory_space<vmem>> -> memref<128xi32, #tpu.memory_space<vmem>>
      %dma_wait3A_286 = arith.constant 0 : i32
      %dma_wait3A_287 = arith.constant 0 : i32
      %dma_wait3A_288 = tpu.memref_slice %arg14[%dma_wait3A_286, %dma_wait3A_287] : memref<10016x64xf32, #tpu.memory_space<vmem_shared>> -> memref<10016x64xf32, #tpu.memory_space<vmem_shared>>
      tpu.wait_indirect_dma semaphore(%run_scoped3A_276 : memref<!tpu.dma_semaphore, #tpu.memory_space<semaphore_mem>>) src(%arg13 : memref<128x64xf32, #tpu.memory_space<vmem>>) dst(%dma_wait3A_288 : memref<10016x64xf32, #tpu.memory_space<vmem_shared>>)
      tpu.yield
    }) : () -> ()
    %dma_wait3A_261 = arith.constant 156 : i32
    %dma_wait3A_262 = arith.constant 0 : i32
    %dma_wait3A_263 = tpu.memref_slice %arg6[%dma_wait3A_261, %dma_wait3A_262] : memref<157x128xi32, #tpu.memory_space<vmem>> -> memref<1x128xi32, #tpu.memory_space<vmem>>
    %dma_wait3A_264 = tpu.memref_squeeze %dma_wait3A_263 : memref<1x128xi32, #tpu.memory_space<vmem>> -> memref<128xi32, #tpu.memory_space<vmem>>
    %dma_wait3A_265 = arith.constant 0 : i32
    %dma_wait3A_266 = arith.constant 0 : i32
    %dma_wait3A_267 = tpu.memref_slice %arg2[%arg0, %dma_wait3A_265, %dma_wait3A_266] : memref<2x10000x64xf32, #tpu.memory_space<hbm>> -> memref<1x10000x64xf32, #tpu.memory_space<hbm>>
    %dma_wait3A_268 = tpu.memref_squeeze %dma_wait3A_267 : memref<1x10000x64xf32, #tpu.memory_space<hbm>> -> memref<10000x64xf32, #tpu.memory_space<hbm>>
    %dma_wait3A_269 = arith.constant 0 : i32
    %dma_wait3A_270 = arith.constant 0 : i32
    %dma_wait3A_271 = tpu.memref_slice %dma_wait3A_268[%dma_wait3A_269, %dma_wait3A_270] : memref<10000x64xf32, #tpu.memory_space<hbm>> -> memref<10000x64xf32, #tpu.memory_space<hbm>>
    tpu.wait_indirect_dma semaphore(%arg15 : memref<!tpu.dma_semaphore, #tpu.memory_space<semaphore_mem>>) src(%dma_wait3A_271 : memref<10000x64xf32, #tpu.memory_space<hbm>>) dst(%arg8 : memref<128x64xf32, #tpu.memory_space<vmem>>)
    %run_scoped3A_272 = arith.constant 156 : i32
    "tpu.region"() ({
      %run_scoped3A_276 = tpu.sem_alloc : memref<!tpu.dma_semaphore, #tpu.memory_space<semaphore_mem>>
      %dma_start3A_277 = arith.constant 0 : i32
      %dma_start3A_278 = tpu.memref_slice %arg7[%run_scoped3A_272, %dma_start3A_277] : memref<157x128xi32, #tpu.memory_space<vmem>> -> memref<1x128xi32, #tpu.memory_space<vmem>>
      %dma_start3A_279 = tpu.memref_squeeze %dma_start3A_278 : memref<1x128xi32, #tpu.memory_space<vmem>> -> memref<128xi32, #tpu.memory_space<vmem>>
      %dma_start3A_280 = arith.constant 0 : i32
      %dma_start3A_281 = arith.constant 0 : i32
      %dma_start3A_282 = tpu.memref_slice %arg14[%dma_start3A_280, %dma_start3A_281] : memref<10016x64xf32, #tpu.memory_space<vmem_shared>> -> memref<10016x64xf32, #tpu.memory_space<vmem_shared>>
      tpu.enqueue_indirect_dma source(%arg8 : memref<128x64xf32, #tpu.memory_space<vmem>>) target(%dma_start3A_282 : memref<10016x64xf32, #tpu.memory_space<vmem_shared>>) offsets(%dma_start3A_279 : memref<128xi32, #tpu.memory_space<vmem>>) semaphore(%run_scoped3A_276 : memref<!tpu.dma_semaphore, #tpu.memory_space<semaphore_mem>>) {add = true}
      %dma_wait3A_283 = arith.constant 0 : i32
      %dma_wait3A_284 = tpu.memref_slice %arg7[%run_scoped3A_272, %dma_wait3A_283] : memref<157x128xi32, #tpu.memory_space<vmem>> -> memref<1x128xi32, #tpu.memory_space<vmem>>
      %dma_wait3A_285 = tpu.memref_squeeze %dma_wait3A_284 : memref<1x128xi32, #tpu.memory_space<vmem>> -> memref<128xi32, #tpu.memory_space<vmem>>
      %dma_wait3A_286 = arith.constant 0 : i32
      %dma_wait3A_287 = arith.constant 0 : i32
      %dma_wait3A_288 = tpu.memref_slice %arg14[%dma_wait3A_286, %dma_wait3A_287] : memref<10016x64xf32, #tpu.memory_space<vmem_shared>> -> memref<10016x64xf32, #tpu.memory_space<vmem_shared>>
      tpu.wait_indirect_dma semaphore(%run_scoped3A_276 : memref<!tpu.dma_semaphore, #tpu.memory_space<semaphore_mem>>) src(%arg8 : memref<128x64xf32, #tpu.memory_space<vmem>>) dst(%dma_wait3A_288 : memref<10016x64xf32, #tpu.memory_space<vmem_shared>>)
      tpu.yield
    }) : () -> ()
    %barrier3A_273 = arith.constant 0 : index
    tpu.barrier barrier_id(%barrier3A_273)
    %mul3A_274 = arith.constant 64 : i32
    %mul3A_275 = arith.muli %arg0, %mul3A_274 : i32
    "tpu.region"() ({
      %run_scoped3A_276 = tpu.sem_alloc : memref<!tpu.dma_semaphore, #tpu.memory_space<semaphore_mem>>
      %dma_start3A_277 = tpu.memref_slice %arg5[%mul3A_0, %mul3A_275] : memref<10000x128xf32, #tpu.memory_space<hbm>> -> memref<625x64xf32, #tpu.memory_space<hbm>>
      %dma_start3A_278 = arith.constant 0 : i32
      %dma_start3A_279 = tpu.memref_slice %arg14[%mul3A_0, %dma_start3A_278] : memref<10016x64xf32, #tpu.memory_space<vmem_shared>> -> memref<625x64xf32, #tpu.memory_space<vmem_shared>>
      tpu.enqueue_dma source(%dma_start3A_279 : memref<625x64xf32, #tpu.memory_space<vmem_shared>>) target(%dma_start3A_277 : memref<625x64xf32, #tpu.memory_space<hbm>>) target_semaphore(%run_scoped3A_276 : memref<!tpu.dma_semaphore, #tpu.memory_space<semaphore_mem>>)
      %dma_wait3A_280 = tpu.memref_slice %arg5[%mul3A_0, %mul3A_275] : memref<10000x128xf32, #tpu.memory_space<hbm>> -> memref<625x64xf32, #tpu.memory_space<hbm>>
      %dma_wait3A_281 = arith.constant 0 : i32
      %dma_wait3A_282 = tpu.memref_slice %arg14[%mul3A_0, %dma_wait3A_281] : memref<10016x64xf32, #tpu.memory_space<vmem_shared>> -> memref<625x64xf32, #tpu.memory_space<vmem_shared>>
      tpu.wait_dma2 semaphore(%run_scoped3A_276 : memref<!tpu.dma_semaphore, #tpu.memory_space<semaphore_mem>>) src(%dma_wait3A_282 : memref<625x64xf32, #tpu.memory_space<vmem_shared>>) dst(%dma_wait3A_280 : memref<625x64xf32, #tpu.memory_space<hbm>>)
      tpu.yield
    }) : () -> ()
    return
  }
}

#map = affine_map<(d0, d1) -> (0, 0, 0)>
#map1 = affine_map<(d0, d1) -> (0)>
#map2 = affine_map<(d0, d1) -> (0, 0)>
module attributes {stable_mosaic.version = 14 : i64} {
  func.func @agg(%arg0: i32, %arg1: i32, %arg2: memref<2x10000x64xf32, #tpu.memory_space<hbm>>, %arg3: memref<16x157x128xi32, #tpu.memory_space<hbm>>, %arg4: memref<16x157x128xi32, #tpu.memory_space<hbm>>, %arg5: memref<10000xf32, #tpu.memory_space<hbm>>, %arg6: memref<10000x128xf32, #tpu.memory_space<hbm>>, %arg7: memref<10000xf32, #tpu.memory_space<hbm>>, %arg8: memref<157x128xi32, #tpu.memory_space<vmem>>, %arg9: memref<157x128xi32, #tpu.memory_space<vmem>>, %arg10: memref<128x64xf32, #tpu.memory_space<vmem>>, %arg11: memref<128x64xf32, #tpu.memory_space<vmem>>, %arg12: memref<128x64xf32, #tpu.memory_space<vmem>>, %arg13: memref<128x64xf32, #tpu.memory_space<vmem>>, %arg14: memref<128x64xf32, #tpu.memory_space<vmem>>, %arg15: memref<128x64xf32, #tpu.memory_space<vmem>>, %arg16: memref<10016x64xf32, #tpu.memory_space<vmem_shared>>, %arg17: memref<!tpu.dma_semaphore, #tpu.memory_space<semaphore_mem>>, %arg18: memref<!tpu.dma_semaphore, #tpu.memory_space<semaphore_mem>>, %arg19: memref<!tpu.dma_semaphore, #tpu.memory_space<semaphore_mem>>, %arg20: memref<!tpu.dma_semaphore, #tpu.memory_space<semaphore_mem>>, %arg21: memref<!tpu.dma_semaphore, #tpu.memory_space<semaphore_mem>>, %arg22: memref<!tpu.dma_semaphore, #tpu.memory_space<semaphore_mem>>, %arg23: memref<128xf32, #tpu.memory_space<vmem>>, %arg24: memref<10016xf32, #tpu.memory_space<vmem_shared>>) attributes {dimension_semantics = [#tpu.dimension_semantics<core_parallel>, #tpu.dimension_semantics<subcore_parallel>], iteration_bounds = array<i64: 2, 16>, scalar_prefetch = 0 : i64, scratch_operands = 17 : i64, tpu.core_type = #tpu.core_type<sc_vector_subcore>, window_params = [{transform_indices = #map}, {transform_indices = #map}, {transform_indices = #map}, {transform_indices = #map1}, {transform_indices = #map2}, {transform_indices = #map1}]} {
    %mul3A = arith.constant 625 : i32
    %mul3A_0 = arith.muli %arg1, %mul3A : i32
    %dma_start3A = arith.constant 0 : i32
    %dma_start3A_1 = arith.constant 0 : i32
    %dma_start3A_2 = tpu.memref_slice %arg3[%arg1, %dma_start3A, %dma_start3A_1] : memref<16x157x128xi32, #tpu.memory_space<hbm>> -> memref<1x157x128xi32, #tpu.memory_space<hbm>>
    %dma_start3A_3 = tpu.memref_squeeze %dma_start3A_2 : memref<1x157x128xi32, #tpu.memory_space<hbm>> -> memref<157x128xi32, #tpu.memory_space<hbm>>
    %dma_start3A_4 = arith.constant 0 : i32
    %dma_start3A_5 = arith.constant 0 : i32
    %dma_start3A_6 = tpu.memref_slice %arg3[%arg1, %dma_start3A_4, %dma_start3A_5] : memref<16x157x128xi32, #tpu.memory_space<hbm>> -> memref<1x157x128xi32, #tpu.memory_space<hbm>>
    %dma_start3A_7 = tpu.memref_squeeze %dma_start3A_6 : memref<1x157x128xi32, #tpu.memory_space<hbm>> -> memref<157x128xi32, #tpu.memory_space<hbm>>
    tpu.enqueue_dma source(%dma_start3A_7 : memref<157x128xi32, #tpu.memory_space<hbm>>) target(%arg8 : memref<157x128xi32, #tpu.memory_space<vmem>>) target_semaphore(%arg17 : memref<!tpu.dma_semaphore, #tpu.memory_space<semaphore_mem>>)
    %dma_start3A_8 = arith.constant 0 : i32
    %dma_start3A_9 = arith.constant 0 : i32
    %dma_start3A_10 = tpu.memref_slice %arg4[%arg1, %dma_start3A_8, %dma_start3A_9] : memref<16x157x128xi32, #tpu.memory_space<hbm>> -> memref<1x157x128xi32, #tpu.memory_space<hbm>>
    %dma_start3A_11 = tpu.memref_squeeze %dma_start3A_10 : memref<1x157x128xi32, #tpu.memory_space<hbm>> -> memref<157x128xi32, #tpu.memory_space<hbm>>
    %dma_start3A_12 = arith.constant 0 : i32
    %dma_start3A_13 = arith.constant 0 : i32
    %dma_start3A_14 = tpu.memref_slice %arg4[%arg1, %dma_start3A_12, %dma_start3A_13] : memref<16x157x128xi32, #tpu.memory_space<hbm>> -> memref<1x157x128xi32, #tpu.memory_space<hbm>>
    %dma_start3A_15 = tpu.memref_squeeze %dma_start3A_14 : memref<1x157x128xi32, #tpu.memory_space<hbm>> -> memref<157x128xi32, #tpu.memory_space<hbm>>
    tpu.enqueue_dma source(%dma_start3A_15 : memref<157x128xi32, #tpu.memory_space<hbm>>) target(%arg9 : memref<157x128xi32, #tpu.memory_space<vmem>>) target_semaphore(%arg18 : memref<!tpu.dma_semaphore, #tpu.memory_space<semaphore_mem>>)
    %scan3A = arith.constant 0 : i32
    %scan3A_16 = arith.constant 0 : i32
    %scan3A_17 = arith.constant 128 : i32
    %scan3A_18 = arith.addi %scan3A_16, %scan3A_17 : i32
    %scan3A_19 = arith.constant 1 : i32
    scf.for %scan3A_338 = %scan3A_16 to %scan3A_18 step %scan3A_19  : i32 {
      %broadcast_in_dim3A_339 = arith.constant 0.000000e+00 : f32
      %broadcast_in_dim3A_340 = vector.broadcast %broadcast_in_dim3A_339 : f32 to vector<16xf32>
      %swap3A_341 = arith.index_cast %scan3A_338 : i32 to index
      %swap3A_342 = arith.constant 0 : index
      %swap3A_343 = tpu.vector_load %arg10[%swap3A_341, %swap3A_342] {strides = array<i32>} : memref<128x64xf32, #tpu.memory_space<vmem>>, vector<1x16xf32>,
      %swap3A_344 = vector.shape_cast %swap3A_343 : vector<1x16xf32> to vector<16xf32>
      %swap3A_345 = vector.shape_cast %broadcast_in_dim3A_340 : vector<16xf32> to vector<1x16xf32>
      tpu.vector_store %arg10[%swap3A_341, %swap3A_342], %swap3A_345 {strides = array<i32>} : memref<128x64xf32, #tpu.memory_space<vmem>>, vector<1x16xf32>,
      %broadcast_in_dim3A_346 = arith.constant 0.000000e+00 : f32
      %broadcast_in_dim3A_347 = vector.broadcast %broadcast_in_dim3A_346 : f32 to vector<16xf32>
      %swap3A_348 = arith.index_cast %scan3A_338 : i32 to index
      %swap3A_349 = arith.constant 16 : index
      %swap3A_350 = tpu.vector_load %arg10[%swap3A_348, %swap3A_349] {strides = array<i32>} : memref<128x64xf32, #tpu.memory_space<vmem>>, vector<1x16xf32>,
      %swap3A_351 = vector.shape_cast %swap3A_350 : vector<1x16xf32> to vector<16xf32>
      %swap3A_352 = vector.shape_cast %broadcast_in_dim3A_347 : vector<16xf32> to vector<1x16xf32>
      tpu.vector_store %arg10[%swap3A_348, %swap3A_349], %swap3A_352 {strides = array<i32>} : memref<128x64xf32, #tpu.memory_space<vmem>>, vector<1x16xf32>,
      %broadcast_in_dim3A_353 = arith.constant 0.000000e+00 : f32
      %broadcast_in_dim3A_354 = vector.broadcast %broadcast_in_dim3A_353 : f32 to vector<16xf32>
      %swap3A_355 = arith.index_cast %scan3A_338 : i32 to index
      %swap3A_356 = arith.constant 32 : index
      %swap3A_357 = tpu.vector_load %arg10[%swap3A_355, %swap3A_356] {strides = array<i32>} : memref<128x64xf32, #tpu.memory_space<vmem>>, vector<1x16xf32>,
      %swap3A_358 = vector.shape_cast %swap3A_357 : vector<1x16xf32> to vector<16xf32>
      %swap3A_359 = vector.shape_cast %broadcast_in_dim3A_354 : vector<16xf32> to vector<1x16xf32>
      tpu.vector_store %arg10[%swap3A_355, %swap3A_356], %swap3A_359 {strides = array<i32>} : memref<128x64xf32, #tpu.memory_space<vmem>>, vector<1x16xf32>,
      %broadcast_in_dim3A_360 = arith.constant 0.000000e+00 : f32
      %broadcast_in_dim3A_361 = vector.broadcast %broadcast_in_dim3A_360 : f32 to vector<16xf32>
      %swap3A_362 = arith.index_cast %scan3A_338 : i32 to index
      %swap3A_363 = arith.constant 48 : index
      %swap3A_364 = tpu.vector_load %arg10[%swap3A_362, %swap3A_363] {strides = array<i32>} : memref<128x64xf32, #tpu.memory_space<vmem>>, vector<1x16xf32>,
      %swap3A_365 = vector.shape_cast %swap3A_364 : vector<1x16xf32> to vector<16xf32>
      %swap3A_366 = vector.shape_cast %broadcast_in_dim3A_361 : vector<16xf32> to vector<1x16xf32>
      tpu.vector_store %arg10[%swap3A_362, %swap3A_363], %swap3A_366 {strides = array<i32>} : memref<128x64xf32, #tpu.memory_space<vmem>>, vector<1x16xf32>,
    }
    %scan3A_20 = arith.constant 128 : i32
    %add3A = arith.constant 0 : i32
    %add3A_21 = arith.addi %mul3A_0, %add3A : i32
    %dma_start3A_22 = arith.constant 0 : i32
    %dma_start3A_23 = tpu.memref_slice %arg16[%add3A_21, %dma_start3A_22] : memref<10016x64xf32, #tpu.memory_space<vmem_shared>> -> memref<128x64xf32, #tpu.memory_space<vmem_shared>>
    %dma_start3A_24 = arith.constant 0 : i32
    %dma_start3A_25 = tpu.memref_slice %arg16[%add3A_21, %dma_start3A_24] : memref<10016x64xf32, #tpu.memory_space<vmem_shared>> -> memref<128x64xf32, #tpu.memory_space<vmem_shared>>
    tpu.enqueue_dma source(%arg10 : memref<128x64xf32, #tpu.memory_space<vmem>>) target(%dma_start3A_25 : memref<128x64xf32, #tpu.memory_space<vmem_shared>>) target_semaphore(%arg19 : memref<!tpu.dma_semaphore, #tpu.memory_space<semaphore_mem>>)
    %add3A_26 = arith.constant 128 : i32
    %add3A_27 = arith.addi %mul3A_0, %add3A_26 : i32
    %dma_start3A_28 = arith.constant 0 : i32
    %dma_start3A_29 = tpu.memref_slice %arg16[%add3A_27, %dma_start3A_28] : memref<10016x64xf32, #tpu.memory_space<vmem_shared>> -> memref<128x64xf32, #tpu.memory_space<vmem_shared>>
    %dma_start3A_30 = arith.constant 0 : i32
    %dma_start3A_31 = tpu.memref_slice %arg16[%add3A_27, %dma_start3A_30] : memref<10016x64xf32, #tpu.memory_space<vmem_shared>> -> memref<128x64xf32, #tpu.memory_space<vmem_shared>>
    tpu.enqueue_dma source(%arg10 : memref<128x64xf32, #tpu.memory_space<vmem>>) target(%dma_start3A_31 : memref<128x64xf32, #tpu.memory_space<vmem_shared>>) target_semaphore(%arg19 : memref<!tpu.dma_semaphore, #tpu.memory_space<semaphore_mem>>)
    %add3A_32 = arith.constant 256 : i32
    %add3A_33 = arith.addi %mul3A_0, %add3A_32 : i32
    %dma_start3A_34 = arith.constant 0 : i32
    %dma_start3A_35 = tpu.memref_slice %arg16[%add3A_33, %dma_start3A_34] : memref<10016x64xf32, #tpu.memory_space<vmem_shared>> -> memref<128x64xf32, #tpu.memory_space<vmem_shared>>
    %dma_start3A_36 = arith.constant 0 : i32
    %dma_start3A_37 = tpu.memref_slice %arg16[%add3A_33, %dma_start3A_36] : memref<10016x64xf32, #tpu.memory_space<vmem_shared>> -> memref<128x64xf32, #tpu.memory_space<vmem_shared>>
    tpu.enqueue_dma source(%arg10 : memref<128x64xf32, #tpu.memory_space<vmem>>) target(%dma_start3A_37 : memref<128x64xf32, #tpu.memory_space<vmem_shared>>) target_semaphore(%arg19 : memref<!tpu.dma_semaphore, #tpu.memory_space<semaphore_mem>>)
    %add3A_38 = arith.constant 384 : i32
    %add3A_39 = arith.addi %mul3A_0, %add3A_38 : i32
    %dma_start3A_40 = arith.constant 0 : i32
    %dma_start3A_41 = tpu.memref_slice %arg16[%add3A_39, %dma_start3A_40] : memref<10016x64xf32, #tpu.memory_space<vmem_shared>> -> memref<128x64xf32, #tpu.memory_space<vmem_shared>>
    %dma_start3A_42 = arith.constant 0 : i32
    %dma_start3A_43 = tpu.memref_slice %arg16[%add3A_39, %dma_start3A_42] : memref<10016x64xf32, #tpu.memory_space<vmem_shared>> -> memref<128x64xf32, #tpu.memory_space<vmem_shared>>
    tpu.enqueue_dma source(%arg10 : memref<128x64xf32, #tpu.memory_space<vmem>>) target(%dma_start3A_43 : memref<128x64xf32, #tpu.memory_space<vmem_shared>>) target_semaphore(%arg19 : memref<!tpu.dma_semaphore, #tpu.memory_space<semaphore_mem>>)
    %add3A_44 = arith.constant 512 : i32
    %add3A_45 = arith.addi %mul3A_0, %add3A_44 : i32
    %dma_start3A_46 = arith.constant 0 : i32
    %dma_start3A_47 = arith.constant 0 : i32
    %dma_start3A_48 = tpu.memref_slice %arg10[%dma_start3A_46, %dma_start3A_47] : memref<128x64xf32, #tpu.memory_space<vmem>> -> memref<113x64xf32, #tpu.memory_space<vmem>>
    %dma_start3A_49 = arith.constant 0 : i32
    %dma_start3A_50 = tpu.memref_slice %arg16[%add3A_45, %dma_start3A_49] : memref<10016x64xf32, #tpu.memory_space<vmem_shared>> -> memref<113x64xf32, #tpu.memory_space<vmem_shared>>
    %dma_start3A_51 = arith.constant 0 : i32
    %dma_start3A_52 = tpu.memref_slice %arg16[%add3A_45, %dma_start3A_51] : memref<10016x64xf32, #tpu.memory_space<vmem_shared>> -> memref<113x64xf32, #tpu.memory_space<vmem_shared>>
    %dma_start3A_53 = arith.constant 0 : i32
    %dma_start3A_54 = arith.constant 0 : i32
    %dma_start3A_55 = tpu.memref_slice %arg10[%dma_start3A_53, %dma_start3A_54] : memref<128x64xf32, #tpu.memory_space<vmem>> -> memref<113x64xf32, #tpu.memory_space<vmem>>
    tpu.enqueue_dma source(%dma_start3A_55 : memref<113x64xf32, #tpu.memory_space<vmem>>) target(%dma_start3A_52 : memref<113x64xf32, #tpu.memory_space<vmem_shared>>) target_semaphore(%arg20 : memref<!tpu.dma_semaphore, #tpu.memory_space<semaphore_mem>>)
    %dma_wait3A = arith.constant 0 : i32
    %dma_wait3A_56 = arith.constant 0 : i32
    %dma_wait3A_57 = tpu.memref_slice %arg3[%arg1, %dma_wait3A, %dma_wait3A_56] : memref<16x157x128xi32, #tpu.memory_space<hbm>> -> memref<1x157x128xi32, #tpu.memory_space<hbm>>
    %dma_wait3A_58 = tpu.memref_squeeze %dma_wait3A_57 : memref<1x157x128xi32, #tpu.memory_space<hbm>> -> memref<157x128xi32, #tpu.memory_space<hbm>>
    %dma_wait3A_59 = arith.constant 0 : i32
    %dma_wait3A_60 = arith.constant 0 : i32
    %dma_wait3A_61 = tpu.memref_slice %arg3[%arg1, %dma_wait3A_59, %dma_wait3A_60] : memref<16x157x128xi32, #tpu.memory_space<hbm>> -> memref<1x157x128xi32, #tpu.memory_space<hbm>>
    %dma_wait3A_62 = tpu.memref_squeeze %dma_wait3A_61 : memref<1x157x128xi32, #tpu.memory_space<hbm>> -> memref<157x128xi32, #tpu.memory_space<hbm>>
    tpu.wait_dma2 semaphore(%arg17 : memref<!tpu.dma_semaphore, #tpu.memory_space<semaphore_mem>>) src(%dma_wait3A_62 : memref<157x128xi32, #tpu.memory_space<hbm>>) dst(%arg8 : memref<157x128xi32, #tpu.memory_space<vmem>>)
    %dma_wait3A_63 = arith.constant 0 : i32
    %dma_wait3A_64 = arith.constant 0 : i32
    %dma_wait3A_65 = tpu.memref_slice %arg4[%arg1, %dma_wait3A_63, %dma_wait3A_64] : memref<16x157x128xi32, #tpu.memory_space<hbm>> -> memref<1x157x128xi32, #tpu.memory_space<hbm>>
    %dma_wait3A_66 = tpu.memref_squeeze %dma_wait3A_65 : memref<1x157x128xi32, #tpu.memory_space<hbm>> -> memref<157x128xi32, #tpu.memory_space<hbm>>
    %dma_wait3A_67 = arith.constant 0 : i32
    %dma_wait3A_68 = arith.constant 0 : i32
    %dma_wait3A_69 = tpu.memref_slice %arg4[%arg1, %dma_wait3A_67, %dma_wait3A_68] : memref<16x157x128xi32, #tpu.memory_space<hbm>> -> memref<1x157x128xi32, #tpu.memory_space<hbm>>
    %dma_wait3A_70 = tpu.memref_squeeze %dma_wait3A_69 : memref<1x157x128xi32, #tpu.memory_space<hbm>> -> memref<157x128xi32, #tpu.memory_space<hbm>>
    tpu.wait_dma2 semaphore(%arg18 : memref<!tpu.dma_semaphore, #tpu.memory_space<semaphore_mem>>) src(%dma_wait3A_70 : memref<157x128xi32, #tpu.memory_space<hbm>>) dst(%arg9 : memref<157x128xi32, #tpu.memory_space<vmem>>)
    %add3A_71 = arith.constant 0 : i32
    %add3A_72 = arith.addi %mul3A_0, %add3A_71 : i32
    %dma_wait3A_73 = arith.constant 0 : i32
    %dma_wait3A_74 = tpu.memref_slice %arg16[%add3A_72, %dma_wait3A_73] : memref<10016x64xf32, #tpu.memory_space<vmem_shared>> -> memref<128x64xf32, #tpu.memory_space<vmem_shared>>
    %dma_wait3A_75 = arith.constant 0 : i32
    %dma_wait3A_76 = tpu.memref_slice %arg16[%add3A_72, %dma_wait3A_75] : memref<10016x64xf32, #tpu.memory_space<vmem_shared>> -> memref<128x64xf32, #tpu.memory_space<vmem_shared>>
    tpu.wait_dma2 semaphore(%arg19 : memref<!tpu.dma_semaphore, #tpu.memory_space<semaphore_mem>>) src(%arg10 : memref<128x64xf32, #tpu.memory_space<vmem>>) dst(%dma_wait3A_76 : memref<128x64xf32, #tpu.memory_space<vmem_shared>>)
    %add3A_77 = arith.constant 128 : i32
    %add3A_78 = arith.addi %mul3A_0, %add3A_77 : i32
    %dma_wait3A_79 = arith.constant 0 : i32
    %dma_wait3A_80 = tpu.memref_slice %arg16[%add3A_78, %dma_wait3A_79] : memref<10016x64xf32, #tpu.memory_space<vmem_shared>> -> memref<128x64xf32, #tpu.memory_space<vmem_shared>>
    %dma_wait3A_81 = arith.constant 0 : i32
    %dma_wait3A_82 = tpu.memref_slice %arg16[%add3A_78, %dma_wait3A_81] : memref<10016x64xf32, #tpu.memory_space<vmem_shared>> -> memref<128x64xf32, #tpu.memory_space<vmem_shared>>
    tpu.wait_dma2 semaphore(%arg19 : memref<!tpu.dma_semaphore, #tpu.memory_space<semaphore_mem>>) src(%arg10 : memref<128x64xf32, #tpu.memory_space<vmem>>) dst(%dma_wait3A_82 : memref<128x64xf32, #tpu.memory_space<vmem_shared>>)
    %add3A_83 = arith.constant 256 : i32
    %add3A_84 = arith.addi %mul3A_0, %add3A_83 : i32
    %dma_wait3A_85 = arith.constant 0 : i32
    %dma_wait3A_86 = tpu.memref_slice %arg16[%add3A_84, %dma_wait3A_85] : memref<10016x64xf32, #tpu.memory_space<vmem_shared>> -> memref<128x64xf32, #tpu.memory_space<vmem_shared>>
    %dma_wait3A_87 = arith.constant 0 : i32
    %dma_wait3A_88 = tpu.memref_slice %arg16[%add3A_84, %dma_wait3A_87] : memref<10016x64xf32, #tpu.memory_space<vmem_shared>> -> memref<128x64xf32, #tpu.memory_space<vmem_shared>>
    tpu.wait_dma2 semaphore(%arg19 : memref<!tpu.dma_semaphore, #tpu.memory_space<semaphore_mem>>) src(%arg10 : memref<128x64xf32, #tpu.memory_space<vmem>>) dst(%dma_wait3A_88 : memref<128x64xf32, #tpu.memory_space<vmem_shared>>)
    %add3A_89 = arith.constant 384 : i32
    %add3A_90 = arith.addi %mul3A_0, %add3A_89 : i32
    %dma_wait3A_91 = arith.constant 0 : i32
    %dma_wait3A_92 = tpu.memref_slice %arg16[%add3A_90, %dma_wait3A_91] : memref<10016x64xf32, #tpu.memory_space<vmem_shared>> -> memref<128x64xf32, #tpu.memory_space<vmem_shared>>
    %dma_wait3A_93 = arith.constant 0 : i32
    %dma_wait3A_94 = tpu.memref_slice %arg16[%add3A_90, %dma_wait3A_93] : memref<10016x64xf32, #tpu.memory_space<vmem_shared>> -> memref<128x64xf32, #tpu.memory_space<vmem_shared>>
    tpu.wait_dma2 semaphore(%arg19 : memref<!tpu.dma_semaphore, #tpu.memory_space<semaphore_mem>>) src(%arg10 : memref<128x64xf32, #tpu.memory_space<vmem>>) dst(%dma_wait3A_94 : memref<128x64xf32, #tpu.memory_space<vmem_shared>>)
    %add3A_95 = arith.constant 512 : i32
    %add3A_96 = arith.addi %mul3A_0, %add3A_95 : i32
    %dma_wait3A_97 = arith.constant 0 : i32
    %dma_wait3A_98 = arith.constant 0 : i32
    %dma_wait3A_99 = tpu.memref_slice %arg10[%dma_wait3A_97, %dma_wait3A_98] : memref<128x64xf32, #tpu.memory_space<vmem>> -> memref<113x64xf32, #tpu.memory_space<vmem>>
    %dma_wait3A_100 = arith.constant 0 : i32
    %dma_wait3A_101 = tpu.memref_slice %arg16[%add3A_96, %dma_wait3A_100] : memref<10016x64xf32, #tpu.memory_space<vmem_shared>> -> memref<113x64xf32, #tpu.memory_space<vmem_shared>>
    %dma_wait3A_102 = arith.constant 0 : i32
    %dma_wait3A_103 = tpu.memref_slice %arg16[%add3A_96, %dma_wait3A_102] : memref<10016x64xf32, #tpu.memory_space<vmem_shared>> -> memref<113x64xf32, #tpu.memory_space<vmem_shared>>
    %dma_wait3A_104 = arith.constant 0 : i32
    %dma_wait3A_105 = arith.constant 0 : i32
    %dma_wait3A_106 = tpu.memref_slice %arg10[%dma_wait3A_104, %dma_wait3A_105] : memref<128x64xf32, #tpu.memory_space<vmem>> -> memref<113x64xf32, #tpu.memory_space<vmem>>
    tpu.wait_dma2 semaphore(%arg20 : memref<!tpu.dma_semaphore, #tpu.memory_space<semaphore_mem>>) src(%dma_wait3A_106 : memref<113x64xf32, #tpu.memory_space<vmem>>) dst(%dma_wait3A_103 : memref<113x64xf32, #tpu.memory_space<vmem_shared>>)
    %eq3A = arith.constant 0 : i32
    %eq3A_107 = arith.cmpi eq, %arg1, %eq3A : i32
    %convert_element_type3A = arith.extui %eq3A_107 : i1 to i32
    %cond3A = arith.constant 0 : i32
    %cond3A_108 = arith.cmpi ne, %convert_element_type3A, %cond3A : i32
    scf.if %cond3A_108 {
      "tpu.region"() ({
        %run_scoped3A_338 = tpu.sem_alloc : memref<!tpu.dma_semaphore, #tpu.memory_space<semaphore_mem>>
        %dma_start3A_339 = arith.constant 0 : i32
        %dma_start3A_340 = tpu.memref_slice %arg24[%dma_start3A_339] : memref<10016xf32, #tpu.memory_space<vmem_shared>> -> memref<10000xf32, #tpu.memory_space<vmem_shared>>
        tpu.enqueue_dma source(%arg5 : memref<10000xf32, #tpu.memory_space<hbm>>) target(%dma_start3A_340 : memref<10000xf32, #tpu.memory_space<vmem_shared>>) target_semaphore(%run_scoped3A_338 : memref<!tpu.dma_semaphore, #tpu.memory_space<semaphore_mem>>)
        %dma_wait3A_341 = arith.constant 0 : i32
        %dma_wait3A_342 = tpu.memref_slice %arg24[%dma_wait3A_341] : memref<10016xf32, #tpu.memory_space<vmem_shared>> -> memref<10000xf32, #tpu.memory_space<vmem_shared>>
        tpu.wait_dma2 semaphore(%run_scoped3A_338 : memref<!tpu.dma_semaphore, #tpu.memory_space<semaphore_mem>>) src(%arg5 : memref<10000xf32, #tpu.memory_space<hbm>>) dst(%dma_wait3A_342 : memref<10000xf32, #tpu.memory_space<vmem_shared>>)
        tpu.yield
      }) : () -> ()
    } else {
    }
    %broadcast_in_dim3A = arith.constant 1.000000e+00 : f32
    %broadcast_in_dim3A_109 = vector.broadcast %broadcast_in_dim3A : f32 to vector<16xf32>
    %swap3A = arith.constant 0 : index
    %swap3A_110 = tpu.vector_load %arg23[%swap3A] {strides = array<i32>} : memref<128xf32, #tpu.memory_space<vmem>>, vector<16xf32>,
    %swap3A_111 = vector.shape_cast %swap3A_110 : vector<16xf32> to vector<16xf32>
    %swap3A_112 = vector.shape_cast %broadcast_in_dim3A_109 : vector<16xf32> to vector<16xf32>
    tpu.vector_store %arg23[%swap3A], %swap3A_112 {strides = array<i32>} : memref<128xf32, #tpu.memory_space<vmem>>, vector<16xf32>,
    %broadcast_in_dim3A_113 = arith.constant 1.000000e+00 : f32
    %broadcast_in_dim3A_114 = vector.broadcast %broadcast_in_dim3A_113 : f32 to vector<16xf32>
    %swap3A_115 = arith.constant 16 : index
    %swap3A_116 = tpu.vector_load %arg23[%swap3A_115] {strides = array<i32>} : memref<128xf32, #tpu.memory_space<vmem>>, vector<16xf32>,
    %swap3A_117 = vector.shape_cast %swap3A_116 : vector<16xf32> to vector<16xf32>
    %swap3A_118 = vector.shape_cast %broadcast_in_dim3A_114 : vector<16xf32> to vector<16xf32>
    tpu.vector_store %arg23[%swap3A_115], %swap3A_118 {strides = array<i32>} : memref<128xf32, #tpu.memory_space<vmem>>, vector<16xf32>,
    %broadcast_in_dim3A_119 = arith.constant 1.000000e+00 : f32
    %broadcast_in_dim3A_120 = vector.broadcast %broadcast_in_dim3A_119 : f32 to vector<16xf32>
    %swap3A_121 = arith.constant 32 : index
    %swap3A_122 = tpu.vector_load %arg23[%swap3A_121] {strides = array<i32>} : memref<128xf32, #tpu.memory_space<vmem>>, vector<16xf32>,
    %swap3A_123 = vector.shape_cast %swap3A_122 : vector<16xf32> to vector<16xf32>
    %swap3A_124 = vector.shape_cast %broadcast_in_dim3A_120 : vector<16xf32> to vector<16xf32>
    tpu.vector_store %arg23[%swap3A_121], %swap3A_124 {strides = array<i32>} : memref<128xf32, #tpu.memory_space<vmem>>, vector<16xf32>,
    %broadcast_in_dim3A_125 = arith.constant 1.000000e+00 : f32
    %broadcast_in_dim3A_126 = vector.broadcast %broadcast_in_dim3A_125 : f32 to vector<16xf32>
    %swap3A_127 = arith.constant 48 : index
    %swap3A_128 = tpu.vector_load %arg23[%swap3A_127] {strides = array<i32>} : memref<128xf32, #tpu.memory_space<vmem>>, vector<16xf32>,
    %swap3A_129 = vector.shape_cast %swap3A_128 : vector<16xf32> to vector<16xf32>
    %swap3A_130 = vector.shape_cast %broadcast_in_dim3A_126 : vector<16xf32> to vector<16xf32>
    tpu.vector_store %arg23[%swap3A_127], %swap3A_130 {strides = array<i32>} : memref<128xf32, #tpu.memory_space<vmem>>, vector<16xf32>,
    %broadcast_in_dim3A_131 = arith.constant 1.000000e+00 : f32
    %broadcast_in_dim3A_132 = vector.broadcast %broadcast_in_dim3A_131 : f32 to vector<16xf32>
    %swap3A_133 = arith.constant 64 : index
    %swap3A_134 = tpu.vector_load %arg23[%swap3A_133] {strides = array<i32>} : memref<128xf32, #tpu.memory_space<vmem>>, vector<16xf32>,
    %swap3A_135 = vector.shape_cast %swap3A_134 : vector<16xf32> to vector<16xf32>
    %swap3A_136 = vector.shape_cast %broadcast_in_dim3A_132 : vector<16xf32> to vector<16xf32>
    tpu.vector_store %arg23[%swap3A_133], %swap3A_136 {strides = array<i32>} : memref<128xf32, #tpu.memory_space<vmem>>, vector<16xf32>,
    %broadcast_in_dim3A_137 = arith.constant 1.000000e+00 : f32
    %broadcast_in_dim3A_138 = vector.broadcast %broadcast_in_dim3A_137 : f32 to vector<16xf32>
    %swap3A_139 = arith.constant 80 : index
    %swap3A_140 = tpu.vector_load %arg23[%swap3A_139] {strides = array<i32>} : memref<128xf32, #tpu.memory_space<vmem>>, vector<16xf32>,
    %swap3A_141 = vector.shape_cast %swap3A_140 : vector<16xf32> to vector<16xf32>
    %swap3A_142 = vector.shape_cast %broadcast_in_dim3A_138 : vector<16xf32> to vector<16xf32>
    tpu.vector_store %arg23[%swap3A_139], %swap3A_142 {strides = array<i32>} : memref<128xf32, #tpu.memory_space<vmem>>, vector<16xf32>,
    %broadcast_in_dim3A_143 = arith.constant 1.000000e+00 : f32
    %broadcast_in_dim3A_144 = vector.broadcast %broadcast_in_dim3A_143 : f32 to vector<16xf32>
    %swap3A_145 = arith.constant 96 : index
    %swap3A_146 = tpu.vector_load %arg23[%swap3A_145] {strides = array<i32>} : memref<128xf32, #tpu.memory_space<vmem>>, vector<16xf32>,
    %swap3A_147 = vector.shape_cast %swap3A_146 : vector<16xf32> to vector<16xf32>
    %swap3A_148 = vector.shape_cast %broadcast_in_dim3A_144 : vector<16xf32> to vector<16xf32>
    tpu.vector_store %arg23[%swap3A_145], %swap3A_148 {strides = array<i32>} : memref<128xf32, #tpu.memory_space<vmem>>, vector<16xf32>,
    %broadcast_in_dim3A_149 = arith.constant 1.000000e+00 : f32
    %broadcast_in_dim3A_150 = vector.broadcast %broadcast_in_dim3A_149 : f32 to vector<16xf32>
    %swap3A_151 = arith.constant 112 : index
    %swap3A_152 = tpu.vector_load %arg23[%swap3A_151] {strides = array<i32>} : memref<128xf32, #tpu.memory_space<vmem>>, vector<16xf32>,
    %swap3A_153 = vector.shape_cast %swap3A_152 : vector<16xf32> to vector<16xf32>
    %swap3A_154 = vector.shape_cast %broadcast_in_dim3A_150 : vector<16xf32> to vector<16xf32>
    tpu.vector_store %arg23[%swap3A_151], %swap3A_154 {strides = array<i32>} : memref<128xf32, #tpu.memory_space<vmem>>, vector<16xf32>,
    %barrier3A = arith.constant 0 : index
    tpu.barrier barrier_id(%barrier3A)
    %dma_start3A_155 = arith.constant 0 : i32
    %dma_start3A_156 = arith.constant 0 : i32
    %dma_start3A_157 = tpu.memref_slice %arg8[%dma_start3A_155, %dma_start3A_156] : memref<157x128xi32, #tpu.memory_space<vmem>> -> memref<1x128xi32, #tpu.memory_space<vmem>>
    %dma_start3A_158 = tpu.memref_squeeze %dma_start3A_157 : memref<1x128xi32, #tpu.memory_space<vmem>> -> memref<128xi32, #tpu.memory_space<vmem>>
    %dma_start3A_159 = arith.constant 0 : i32
    %dma_start3A_160 = arith.constant 0 : i32
    %dma_start3A_161 = tpu.memref_slice %arg2[%arg0, %dma_start3A_159, %dma_start3A_160] : memref<2x10000x64xf32, #tpu.memory_space<hbm>> -> memref<1x10000x64xf32, #tpu.memory_space<hbm>>
    %dma_start3A_162 = tpu.memref_squeeze %dma_start3A_161 : memref<1x10000x64xf32, #tpu.memory_space<hbm>> -> memref<10000x64xf32, #tpu.memory_space<hbm>>
    %dma_start3A_163 = arith.constant 0 : i32
    %dma_start3A_164 = arith.constant 0 : i32
    %dma_start3A_165 = tpu.memref_slice %dma_start3A_162[%dma_start3A_163, %dma_start3A_164] : memref<10000x64xf32, #tpu.memory_space<hbm>> -> memref<10000x64xf32, #tpu.memory_space<hbm>>
    tpu.enqueue_indirect_dma source(%dma_start3A_165 : memref<10000x64xf32, #tpu.memory_space<hbm>>) target(%arg10 : memref<128x64xf32, #tpu.memory_space<vmem>>) offsets(%dma_start3A_158 : memref<128xi32, #tpu.memory_space<vmem>>) semaphore(%arg17 : memref<!tpu.dma_semaphore, #tpu.memory_space<semaphore_mem>>)
    %dma_start3A_166 = arith.constant 1 : i32
    %dma_start3A_167 = arith.constant 0 : i32
    %dma_start3A_168 = tpu.memref_slice %arg8[%dma_start3A_166, %dma_start3A_167] : memref<157x128xi32, #tpu.memory_space<vmem>> -> memref<1x128xi32, #tpu.memory_space<vmem>>
    %dma_start3A_169 = tpu.memref_squeeze %dma_start3A_168 : memref<1x128xi32, #tpu.memory_space<vmem>> -> memref<128xi32, #tpu.memory_space<vmem>>
    %dma_start3A_170 = arith.constant 0 : i32
    %dma_start3A_171 = arith.constant 0 : i32
    %dma_start3A_172 = tpu.memref_slice %arg2[%arg0, %dma_start3A_170, %dma_start3A_171] : memref<2x10000x64xf32, #tpu.memory_space<hbm>> -> memref<1x10000x64xf32, #tpu.memory_space<hbm>>
    %dma_start3A_173 = tpu.memref_squeeze %dma_start3A_172 : memref<1x10000x64xf32, #tpu.memory_space<hbm>> -> memref<10000x64xf32, #tpu.memory_space<hbm>>
    %dma_start3A_174 = arith.constant 0 : i32
    %dma_start3A_175 = arith.constant 0 : i32
    %dma_start3A_176 = tpu.memref_slice %dma_start3A_173[%dma_start3A_174, %dma_start3A_175] : memref<10000x64xf32, #tpu.memory_space<hbm>> -> memref<10000x64xf32, #tpu.memory_space<hbm>>
    tpu.enqueue_indirect_dma source(%dma_start3A_176 : memref<10000x64xf32, #tpu.memory_space<hbm>>) target(%arg11 : memref<128x64xf32, #tpu.memory_space<vmem>>) offsets(%dma_start3A_169 : memref<128xi32, #tpu.memory_space<vmem>>) semaphore(%arg18 : memref<!tpu.dma_semaphore, #tpu.memory_space<semaphore_mem>>)
    %dma_start3A_177 = arith.constant 2 : i32
    %dma_start3A_178 = arith.constant 0 : i32
    %dma_start3A_179 = tpu.memref_slice %arg8[%dma_start3A_177, %dma_start3A_178] : memref<157x128xi32, #tpu.memory_space<vmem>> -> memref<1x128xi32, #tpu.memory_space<vmem>>
    %dma_start3A_180 = tpu.memref_squeeze %dma_start3A_179 : memref<1x128xi32, #tpu.memory_space<vmem>> -> memref<128xi32, #tpu.memory_space<vmem>>
    %dma_start3A_181 = arith.constant 0 : i32
    %dma_start3A_182 = arith.constant 0 : i32
    %dma_start3A_183 = tpu.memref_slice %arg2[%arg0, %dma_start3A_181, %dma_start3A_182] : memref<2x10000x64xf32, #tpu.memory_space<hbm>> -> memref<1x10000x64xf32, #tpu.memory_space<hbm>>
    %dma_start3A_184 = tpu.memref_squeeze %dma_start3A_183 : memref<1x10000x64xf32, #tpu.memory_space<hbm>> -> memref<10000x64xf32, #tpu.memory_space<hbm>>
    %dma_start3A_185 = arith.constant 0 : i32
    %dma_start3A_186 = arith.constant 0 : i32
    %dma_start3A_187 = tpu.memref_slice %dma_start3A_184[%dma_start3A_185, %dma_start3A_186] : memref<10000x64xf32, #tpu.memory_space<hbm>> -> memref<10000x64xf32, #tpu.memory_space<hbm>>
    tpu.enqueue_indirect_dma source(%dma_start3A_187 : memref<10000x64xf32, #tpu.memory_space<hbm>>) target(%arg12 : memref<128x64xf32, #tpu.memory_space<vmem>>) offsets(%dma_start3A_180 : memref<128xi32, #tpu.memory_space<vmem>>) semaphore(%arg19 : memref<!tpu.dma_semaphore, #tpu.memory_space<semaphore_mem>>)
    %dma_start3A_188 = arith.constant 3 : i32
    %dma_start3A_189 = arith.constant 0 : i32
    %dma_start3A_190 = tpu.memref_slice %arg8[%dma_start3A_188, %dma_start3A_189] : memref<157x128xi32, #tpu.memory_space<vmem>> -> memref<1x128xi32, #tpu.memory_space<vmem>>
    %dma_start3A_191 = tpu.memref_squeeze %dma_start3A_190 : memref<1x128xi32, #tpu.memory_space<vmem>> -> memref<128xi32, #tpu.memory_space<vmem>>
    %dma_start3A_192 = arith.constant 0 : i32
    %dma_start3A_193 = arith.constant 0 : i32
    %dma_start3A_194 = tpu.memref_slice %arg2[%arg0, %dma_start3A_192, %dma_start3A_193] : memref<2x10000x64xf32, #tpu.memory_space<hbm>> -> memref<1x10000x64xf32, #tpu.memory_space<hbm>>
    %dma_start3A_195 = tpu.memref_squeeze %dma_start3A_194 : memref<1x10000x64xf32, #tpu.memory_space<hbm>> -> memref<10000x64xf32, #tpu.memory_space<hbm>>
    %dma_start3A_196 = arith.constant 0 : i32
    %dma_start3A_197 = arith.constant 0 : i32
    %dma_start3A_198 = tpu.memref_slice %dma_start3A_195[%dma_start3A_196, %dma_start3A_197] : memref<10000x64xf32, #tpu.memory_space<hbm>> -> memref<10000x64xf32, #tpu.memory_space<hbm>>
    tpu.enqueue_indirect_dma source(%dma_start3A_198 : memref<10000x64xf32, #tpu.memory_space<hbm>>) target(%arg13 : memref<128x64xf32, #tpu.memory_space<vmem>>) offsets(%dma_start3A_191 : memref<128xi32, #tpu.memory_space<vmem>>) semaphore(%arg20 : memref<!tpu.dma_semaphore, #tpu.memory_space<semaphore_mem>>)
    %dma_start3A_199 = arith.constant 4 : i32
    %dma_start3A_200 = arith.constant 0 : i32
    %dma_start3A_201 = tpu.memref_slice %arg8[%dma_start3A_199, %dma_start3A_200] : memref<157x128xi32, #tpu.memory_space<vmem>> -> memref<1x128xi32, #tpu.memory_space<vmem>>
    %dma_start3A_202 = tpu.memref_squeeze %dma_start3A_201 : memref<1x128xi32, #tpu.memory_space<vmem>> -> memref<128xi32, #tpu.memory_space<vmem>>
    %dma_start3A_203 = arith.constant 0 : i32
    %dma_start3A_204 = arith.constant 0 : i32
    %dma_start3A_205 = tpu.memref_slice %arg2[%arg0, %dma_start3A_203, %dma_start3A_204] : memref<2x10000x64xf32, #tpu.memory_space<hbm>> -> memref<1x10000x64xf32, #tpu.memory_space<hbm>>
    %dma_start3A_206 = tpu.memref_squeeze %dma_start3A_205 : memref<1x10000x64xf32, #tpu.memory_space<hbm>> -> memref<10000x64xf32, #tpu.memory_space<hbm>>
    %dma_start3A_207 = arith.constant 0 : i32
    %dma_start3A_208 = arith.constant 0 : i32
    %dma_start3A_209 = tpu.memref_slice %dma_start3A_206[%dma_start3A_207, %dma_start3A_208] : memref<10000x64xf32, #tpu.memory_space<hbm>> -> memref<10000x64xf32, #tpu.memory_space<hbm>>
    tpu.enqueue_indirect_dma source(%dma_start3A_209 : memref<10000x64xf32, #tpu.memory_space<hbm>>) target(%arg14 : memref<128x64xf32, #tpu.memory_space<vmem>>) offsets(%dma_start3A_202 : memref<128xi32, #tpu.memory_space<vmem>>) semaphore(%arg21 : memref<!tpu.dma_semaphore, #tpu.memory_space<semaphore_mem>>)
    %dma_start3A_210 = arith.constant 5 : i32
    %dma_start3A_211 = arith.constant 0 : i32
    %dma_start3A_212 = tpu.memref_slice %arg8[%dma_start3A_210, %dma_start3A_211] : memref<157x128xi32, #tpu.memory_space<vmem>> -> memref<1x128xi32, #tpu.memory_space<vmem>>
    %dma_start3A_213 = tpu.memref_squeeze %dma_start3A_212 : memref<1x128xi32, #tpu.memory_space<vmem>> -> memref<128xi32, #tpu.memory_space<vmem>>
    %dma_start3A_214 = arith.constant 0 : i32
    %dma_start3A_215 = arith.constant 0 : i32
    %dma_start3A_216 = tpu.memref_slice %arg2[%arg0, %dma_start3A_214, %dma_start3A_215] : memref<2x10000x64xf32, #tpu.memory_space<hbm>> -> memref<1x10000x64xf32, #tpu.memory_space<hbm>>
    %dma_start3A_217 = tpu.memref_squeeze %dma_start3A_216 : memref<1x10000x64xf32, #tpu.memory_space<hbm>> -> memref<10000x64xf32, #tpu.memory_space<hbm>>
    %dma_start3A_218 = arith.constant 0 : i32
    %dma_start3A_219 = arith.constant 0 : i32
    %dma_start3A_220 = tpu.memref_slice %dma_start3A_217[%dma_start3A_218, %dma_start3A_219] : memref<10000x64xf32, #tpu.memory_space<hbm>> -> memref<10000x64xf32, #tpu.memory_space<hbm>>
    tpu.enqueue_indirect_dma source(%dma_start3A_220 : memref<10000x64xf32, #tpu.memory_space<hbm>>) target(%arg15 : memref<128x64xf32, #tpu.memory_space<vmem>>) offsets(%dma_start3A_213 : memref<128xi32, #tpu.memory_space<vmem>>) semaphore(%arg22 : memref<!tpu.dma_semaphore, #tpu.memory_space<semaphore_mem>>)
    %scan3A_221 = arith.constant 0 : i32
    %scan3A_222 = arith.constant 0 : i32
    %scan3A_223 = arith.constant 25 : i32
    %scan3A_224 = arith.addi %scan3A_222, %scan3A_223 : i32
    %scan3A_225 = arith.constant 1 : i32
    scf.for %scan3A_338 = %scan3A_222 to %scan3A_224 step %scan3A_225  : i32 {
      %mul3A_339 = arith.constant 6 : i32
      %mul3A_340 = arith.muli %mul3A_339, %scan3A_338 : i32
      %add3A_341 = arith.constant 0 : i32
      %add3A_342 = arith.addi %mul3A_340, %add3A_341 : i32
      %dma_wait3A_343 = arith.constant 0 : i32
      %dma_wait3A_344 = tpu.memref_slice %arg8[%add3A_342, %dma_wait3A_343] : memref<157x128xi32, #tpu.memory_space<vmem>> -> memref<1x128xi32, #tpu.memory_space<vmem>>
      %dma_wait3A_345 = tpu.memref_squeeze %dma_wait3A_344 : memref<1x128xi32, #tpu.memory_space<vmem>> -> memref<128xi32, #tpu.memory_space<vmem>>
      %dma_wait3A_346 = arith.constant 0 : i32
      %dma_wait3A_347 = arith.constant 0 : i32
      %dma_wait3A_348 = tpu.memref_slice %arg2[%arg0, %dma_wait3A_346, %dma_wait3A_347] : memref<2x10000x64xf32, #tpu.memory_space<hbm>> -> memref<1x10000x64xf32, #tpu.memory_space<hbm>>
      %dma_wait3A_349 = tpu.memref_squeeze %dma_wait3A_348 : memref<1x10000x64xf32, #tpu.memory_space<hbm>> -> memref<10000x64xf32, #tpu.memory_space<hbm>>
      %dma_wait3A_350 = arith.constant 0 : i32
      %dma_wait3A_351 = arith.constant 0 : i32
      %dma_wait3A_352 = tpu.memref_slice %dma_wait3A_349[%dma_wait3A_350, %dma_wait3A_351] : memref<10000x64xf32, #tpu.memory_space<hbm>> -> memref<10000x64xf32, #tpu.memory_space<hbm>>
      tpu.wait_indirect_dma semaphore(%arg17 : memref<!tpu.dma_semaphore, #tpu.memory_space<semaphore_mem>>) src(%dma_wait3A_352 : memref<10000x64xf32, #tpu.memory_space<hbm>>) dst(%arg10 : memref<128x64xf32, #tpu.memory_space<vmem>>)
      %add3A_353 = arith.constant 0 : i32
      %add3A_354 = arith.addi %mul3A_340, %add3A_353 : i32
      "tpu.region"() ({
        %run_scoped3A_509 = tpu.sem_alloc : memref<!tpu.dma_semaphore, #tpu.memory_space<semaphore_mem>>
        %dma_start3A_510 = arith.constant 0 : i32
        %dma_start3A_511 = tpu.memref_slice %arg9[%add3A_354, %dma_start3A_510] : memref<157x128xi32, #tpu.memory_space<vmem>> -> memref<1x128xi32, #tpu.memory_space<vmem>>
        %dma_start3A_512 = tpu.memref_squeeze %dma_start3A_511 : memref<1x128xi32, #tpu.memory_space<vmem>> -> memref<128xi32, #tpu.memory_space<vmem>>
        %dma_start3A_513 = arith.constant 0 : i32
        %dma_start3A_514 = arith.constant 0 : i32
        %dma_start3A_515 = tpu.memref_slice %arg16[%dma_start3A_513, %dma_start3A_514] : memref<10016x64xf32, #tpu.memory_space<vmem_shared>> -> memref<10016x64xf32, #tpu.memory_space<vmem_shared>>
        tpu.enqueue_indirect_dma source(%arg10 : memref<128x64xf32, #tpu.memory_space<vmem>>) target(%dma_start3A_515 : memref<10016x64xf32, #tpu.memory_space<vmem_shared>>) offsets(%dma_start3A_512 : memref<128xi32, #tpu.memory_space<vmem>>) semaphore(%run_scoped3A_509 : memref<!tpu.dma_semaphore, #tpu.memory_space<semaphore_mem>>) {add = true}
        %dma_wait3A_516 = arith.constant 0 : i32
        %dma_wait3A_517 = tpu.memref_slice %arg9[%add3A_354, %dma_wait3A_516] : memref<157x128xi32, #tpu.memory_space<vmem>> -> memref<1x128xi32, #tpu.memory_space<vmem>>
        %dma_wait3A_518 = tpu.memref_squeeze %dma_wait3A_517 : memref<1x128xi32, #tpu.memory_space<vmem>> -> memref<128xi32, #tpu.memory_space<vmem>>
        %dma_wait3A_519 = arith.constant 0 : i32
        %dma_wait3A_520 = arith.constant 0 : i32
        %dma_wait3A_521 = tpu.memref_slice %arg16[%dma_wait3A_519, %dma_wait3A_520] : memref<10016x64xf32, #tpu.memory_space<vmem_shared>> -> memref<10016x64xf32, #tpu.memory_space<vmem_shared>>
        tpu.wait_indirect_dma semaphore(%run_scoped3A_509 : memref<!tpu.dma_semaphore, #tpu.memory_space<semaphore_mem>>) src(%arg10 : memref<128x64xf32, #tpu.memory_space<vmem>>) dst(%dma_wait3A_521 : memref<10016x64xf32, #tpu.memory_space<vmem_shared>>)
        tpu.yield
      }) : () -> ()
      "tpu.region"() ({
        %run_scoped3A_509 = tpu.sem_alloc : memref<!tpu.dma_semaphore, #tpu.memory_space<semaphore_mem>>
        %dma_start3A_510 = arith.constant 0 : i32
        %dma_start3A_511 = tpu.memref_slice %arg9[%add3A_354, %dma_start3A_510] : memref<157x128xi32, #tpu.memory_space<vmem>> -> memref<1x128xi32, #tpu.memory_space<vmem>>
        %dma_start3A_512 = tpu.memref_squeeze %dma_start3A_511 : memref<1x128xi32, #tpu.memory_space<vmem>> -> memref<128xi32, #tpu.memory_space<vmem>>
        %dma_start3A_513 = arith.constant 0 : i32
        %dma_start3A_514 = tpu.memref_slice %arg24[%dma_start3A_513] : memref<10016xf32, #tpu.memory_space<vmem_shared>> -> memref<10016xf32, #tpu.memory_space<vmem_shared>>
        tpu.enqueue_indirect_dma source(%arg23 : memref<128xf32, #tpu.memory_space<vmem>>) target(%dma_start3A_514 : memref<10016xf32, #tpu.memory_space<vmem_shared>>) offsets(%dma_start3A_512 : memref<128xi32, #tpu.memory_space<vmem>>) semaphore(%run_scoped3A_509 : memref<!tpu.dma_semaphore, #tpu.memory_space<semaphore_mem>>) {add = true}
        %dma_wait3A_515 = arith.constant 0 : i32
        %dma_wait3A_516 = tpu.memref_slice %arg9[%add3A_354, %dma_wait3A_515] : memref<157x128xi32, #tpu.memory_space<vmem>> -> memref<1x128xi32, #tpu.memory_space<vmem>>
        %dma_wait3A_517 = tpu.memref_squeeze %dma_wait3A_516 : memref<1x128xi32, #tpu.memory_space<vmem>> -> memref<128xi32, #tpu.memory_space<vmem>>
        %dma_wait3A_518 = arith.constant 0 : i32
        %dma_wait3A_519 = tpu.memref_slice %arg24[%dma_wait3A_518] : memref<10016xf32, #tpu.memory_space<vmem_shared>> -> memref<10016xf32, #tpu.memory_space<vmem_shared>>
        tpu.wait_indirect_dma semaphore(%run_scoped3A_509 : memref<!tpu.dma_semaphore, #tpu.memory_space<semaphore_mem>>) src(%arg23 : memref<128xf32, #tpu.memory_space<vmem>>) dst(%dma_wait3A_519 : memref<10016xf32, #tpu.memory_space<vmem_shared>>)
        tpu.yield
      }) : () -> ()
      %add3A_355 = arith.constant 6 : i32
      %add3A_356 = arith.addi %mul3A_340, %add3A_355 : i32
      %add3A_357 = arith.constant 0 : i32
      %add3A_358 = arith.addi %add3A_356, %add3A_357 : i32
      %dma_start3A_359 = arith.constant 0 : i32
      %dma_start3A_360 = tpu.memref_slice %arg8[%add3A_358, %dma_start3A_359] : memref<157x128xi32, #tpu.memory_space<vmem>> -> memref<1x128xi32, #tpu.memory_space<vmem>>
      %dma_start3A_361 = tpu.memref_squeeze %dma_start3A_360 : memref<1x128xi32, #tpu.memory_space<vmem>> -> memref<128xi32, #tpu.memory_space<vmem>>
      %dma_start3A_362 = arith.constant 0 : i32
      %dma_start3A_363 = arith.constant 0 : i32
      %dma_start3A_364 = tpu.memref_slice %arg2[%arg0, %dma_start3A_362, %dma_start3A_363] : memref<2x10000x64xf32, #tpu.memory_space<hbm>> -> memref<1x10000x64xf32, #tpu.memory_space<hbm>>
      %dma_start3A_365 = tpu.memref_squeeze %dma_start3A_364 : memref<1x10000x64xf32, #tpu.memory_space<hbm>> -> memref<10000x64xf32, #tpu.memory_space<hbm>>
      %dma_start3A_366 = arith.constant 0 : i32
      %dma_start3A_367 = arith.constant 0 : i32
      %dma_start3A_368 = tpu.memref_slice %dma_start3A_365[%dma_start3A_366, %dma_start3A_367] : memref<10000x64xf32, #tpu.memory_space<hbm>> -> memref<10000x64xf32, #tpu.memory_space<hbm>>
      tpu.enqueue_indirect_dma source(%dma_start3A_368 : memref<10000x64xf32, #tpu.memory_space<hbm>>) target(%arg10 : memref<128x64xf32, #tpu.memory_space<vmem>>) offsets(%dma_start3A_361 : memref<128xi32, #tpu.memory_space<vmem>>) semaphore(%arg17 : memref<!tpu.dma_semaphore, #tpu.memory_space<semaphore_mem>>)
      %add3A_369 = arith.constant 1 : i32
      %add3A_370 = arith.addi %mul3A_340, %add3A_369 : i32
      %dma_wait3A_371 = arith.constant 0 : i32
      %dma_wait3A_372 = tpu.memref_slice %arg8[%add3A_370, %dma_wait3A_371] : memref<157x128xi32, #tpu.memory_space<vmem>> -> memref<1x128xi32, #tpu.memory_space<vmem>>
      %dma_wait3A_373 = tpu.memref_squeeze %dma_wait3A_372 : memref<1x128xi32, #tpu.memory_space<vmem>> -> memref<128xi32, #tpu.memory_space<vmem>>
      %dma_wait3A_374 = arith.constant 0 : i32
      %dma_wait3A_375 = arith.constant 0 : i32
      %dma_wait3A_376 = tpu.memref_slice %arg2[%arg0, %dma_wait3A_374, %dma_wait3A_375] : memref<2x10000x64xf32, #tpu.memory_space<hbm>> -> memref<1x10000x64xf32, #tpu.memory_space<hbm>>
      %dma_wait3A_377 = tpu.memref_squeeze %dma_wait3A_376 : memref<1x10000x64xf32, #tpu.memory_space<hbm>> -> memref<10000x64xf32, #tpu.memory_space<hbm>>
      %dma_wait3A_378 = arith.constant 0 : i32
      %dma_wait3A_379 = arith.constant 0 : i32
      %dma_wait3A_380 = tpu.memref_slice %dma_wait3A_377[%dma_wait3A_378, %dma_wait3A_379] : memref<10000x64xf32, #tpu.memory_space<hbm>> -> memref<10000x64xf32, #tpu.memory_space<hbm>>
      tpu.wait_indirect_dma semaphore(%arg18 : memref<!tpu.dma_semaphore, #tpu.memory_space<semaphore_mem>>) src(%dma_wait3A_380 : memref<10000x64xf32, #tpu.memory_space<hbm>>) dst(%arg11 : memref<128x64xf32, #tpu.memory_space<vmem>>)
      %add3A_381 = arith.constant 1 : i32
      %add3A_382 = arith.addi %mul3A_340, %add3A_381 : i32
      "tpu.region"() ({
        %run_scoped3A_509 = tpu.sem_alloc : memref<!tpu.dma_semaphore, #tpu.memory_space<semaphore_mem>>
        %dma_start3A_510 = arith.constant 0 : i32
        %dma_start3A_511 = tpu.memref_slice %arg9[%add3A_382, %dma_start3A_510] : memref<157x128xi32, #tpu.memory_space<vmem>> -> memref<1x128xi32, #tpu.memory_space<vmem>>
        %dma_start3A_512 = tpu.memref_squeeze %dma_start3A_511 : memref<1x128xi32, #tpu.memory_space<vmem>> -> memref<128xi32, #tpu.memory_space<vmem>>
        %dma_start3A_513 = arith.constant 0 : i32
        %dma_start3A_514 = arith.constant 0 : i32
        %dma_start3A_515 = tpu.memref_slice %arg16[%dma_start3A_513, %dma_start3A_514] : memref<10016x64xf32, #tpu.memory_space<vmem_shared>> -> memref<10016x64xf32, #tpu.memory_space<vmem_shared>>
        tpu.enqueue_indirect_dma source(%arg11 : memref<128x64xf32, #tpu.memory_space<vmem>>) target(%dma_start3A_515 : memref<10016x64xf32, #tpu.memory_space<vmem_shared>>) offsets(%dma_start3A_512 : memref<128xi32, #tpu.memory_space<vmem>>) semaphore(%run_scoped3A_509 : memref<!tpu.dma_semaphore, #tpu.memory_space<semaphore_mem>>) {add = true}
        %dma_wait3A_516 = arith.constant 0 : i32
        %dma_wait3A_517 = tpu.memref_slice %arg9[%add3A_382, %dma_wait3A_516] : memref<157x128xi32, #tpu.memory_space<vmem>> -> memref<1x128xi32, #tpu.memory_space<vmem>>
        %dma_wait3A_518 = tpu.memref_squeeze %dma_wait3A_517 : memref<1x128xi32, #tpu.memory_space<vmem>> -> memref<128xi32, #tpu.memory_space<vmem>>
        %dma_wait3A_519 = arith.constant 0 : i32
        %dma_wait3A_520 = arith.constant 0 : i32
        %dma_wait3A_521 = tpu.memref_slice %arg16[%dma_wait3A_519, %dma_wait3A_520] : memref<10016x64xf32, #tpu.memory_space<vmem_shared>> -> memref<10016x64xf32, #tpu.memory_space<vmem_shared>>
        tpu.wait_indirect_dma semaphore(%run_scoped3A_509 : memref<!tpu.dma_semaphore, #tpu.memory_space<semaphore_mem>>) src(%arg11 : memref<128x64xf32, #tpu.memory_space<vmem>>) dst(%dma_wait3A_521 : memref<10016x64xf32, #tpu.memory_space<vmem_shared>>)
        tpu.yield
      }) : () -> ()
      "tpu.region"() ({
        %run_scoped3A_509 = tpu.sem_alloc : memref<!tpu.dma_semaphore, #tpu.memory_space<semaphore_mem>>
        %dma_start3A_510 = arith.constant 0 : i32
        %dma_start3A_511 = tpu.memref_slice %arg9[%add3A_382, %dma_start3A_510] : memref<157x128xi32, #tpu.memory_space<vmem>> -> memref<1x128xi32, #tpu.memory_space<vmem>>
        %dma_start3A_512 = tpu.memref_squeeze %dma_start3A_511 : memref<1x128xi32, #tpu.memory_space<vmem>> -> memref<128xi32, #tpu.memory_space<vmem>>
        %dma_start3A_513 = arith.constant 0 : i32
        %dma_start3A_514 = tpu.memref_slice %arg24[%dma_start3A_513] : memref<10016xf32, #tpu.memory_space<vmem_shared>> -> memref<10016xf32, #tpu.memory_space<vmem_shared>>
        tpu.enqueue_indirect_dma source(%arg23 : memref<128xf32, #tpu.memory_space<vmem>>) target(%dma_start3A_514 : memref<10016xf32, #tpu.memory_space<vmem_shared>>) offsets(%dma_start3A_512 : memref<128xi32, #tpu.memory_space<vmem>>) semaphore(%run_scoped3A_509 : memref<!tpu.dma_semaphore, #tpu.memory_space<semaphore_mem>>) {add = true}
        %dma_wait3A_515 = arith.constant 0 : i32
        %dma_wait3A_516 = tpu.memref_slice %arg9[%add3A_382, %dma_wait3A_515] : memref<157x128xi32, #tpu.memory_space<vmem>> -> memref<1x128xi32, #tpu.memory_space<vmem>>
        %dma_wait3A_517 = tpu.memref_squeeze %dma_wait3A_516 : memref<1x128xi32, #tpu.memory_space<vmem>> -> memref<128xi32, #tpu.memory_space<vmem>>
        %dma_wait3A_518 = arith.constant 0 : i32
        %dma_wait3A_519 = tpu.memref_slice %arg24[%dma_wait3A_518] : memref<10016xf32, #tpu.memory_space<vmem_shared>> -> memref<10016xf32, #tpu.memory_space<vmem_shared>>
        tpu.wait_indirect_dma semaphore(%run_scoped3A_509 : memref<!tpu.dma_semaphore, #tpu.memory_space<semaphore_mem>>) src(%arg23 : memref<128xf32, #tpu.memory_space<vmem>>) dst(%dma_wait3A_519 : memref<10016xf32, #tpu.memory_space<vmem_shared>>)
        tpu.yield
      }) : () -> ()
      %add3A_383 = arith.constant 6 : i32
      %add3A_384 = arith.addi %mul3A_340, %add3A_383 : i32
      %add3A_385 = arith.constant 1 : i32
      %add3A_386 = arith.addi %add3A_384, %add3A_385 : i32
      %dma_start3A_387 = arith.constant 0 : i32
      %dma_start3A_388 = tpu.memref_slice %arg8[%add3A_386, %dma_start3A_387] : memref<157x128xi32, #tpu.memory_space<vmem>> -> memref<1x128xi32, #tpu.memory_space<vmem>>
      %dma_start3A_389 = tpu.memref_squeeze %dma_start3A_388 : memref<1x128xi32, #tpu.memory_space<vmem>> -> memref<128xi32, #tpu.memory_space<vmem>>
      %dma_start3A_390 = arith.constant 0 : i32
      %dma_start3A_391 = arith.constant 0 : i32
      %dma_start3A_392 = tpu.memref_slice %arg2[%arg0, %dma_start3A_390, %dma_start3A_391] : memref<2x10000x64xf32, #tpu.memory_space<hbm>> -> memref<1x10000x64xf32, #tpu.memory_space<hbm>>
      %dma_start3A_393 = tpu.memref_squeeze %dma_start3A_392 : memref<1x10000x64xf32, #tpu.memory_space<hbm>> -> memref<10000x64xf32, #tpu.memory_space<hbm>>
      %dma_start3A_394 = arith.constant 0 : i32
      %dma_start3A_395 = arith.constant 0 : i32
      %dma_start3A_396 = tpu.memref_slice %dma_start3A_393[%dma_start3A_394, %dma_start3A_395] : memref<10000x64xf32, #tpu.memory_space<hbm>> -> memref<10000x64xf32, #tpu.memory_space<hbm>>
      tpu.enqueue_indirect_dma source(%dma_start3A_396 : memref<10000x64xf32, #tpu.memory_space<hbm>>) target(%arg11 : memref<128x64xf32, #tpu.memory_space<vmem>>) offsets(%dma_start3A_389 : memref<128xi32, #tpu.memory_space<vmem>>) semaphore(%arg18 : memref<!tpu.dma_semaphore, #tpu.memory_space<semaphore_mem>>)
      %add3A_397 = arith.constant 2 : i32
      %add3A_398 = arith.addi %mul3A_340, %add3A_397 : i32
      %dma_wait3A_399 = arith.constant 0 : i32
      %dma_wait3A_400 = tpu.memref_slice %arg8[%add3A_398, %dma_wait3A_399] : memref<157x128xi32, #tpu.memory_space<vmem>> -> memref<1x128xi32, #tpu.memory_space<vmem>>
      %dma_wait3A_401 = tpu.memref_squeeze %dma_wait3A_400 : memref<1x128xi32, #tpu.memory_space<vmem>> -> memref<128xi32, #tpu.memory_space<vmem>>
      %dma_wait3A_402 = arith.constant 0 : i32
      %dma_wait3A_403 = arith.constant 0 : i32
      %dma_wait3A_404 = tpu.memref_slice %arg2[%arg0, %dma_wait3A_402, %dma_wait3A_403] : memref<2x10000x64xf32, #tpu.memory_space<hbm>> -> memref<1x10000x64xf32, #tpu.memory_space<hbm>>
      %dma_wait3A_405 = tpu.memref_squeeze %dma_wait3A_404 : memref<1x10000x64xf32, #tpu.memory_space<hbm>> -> memref<10000x64xf32, #tpu.memory_space<hbm>>
      %dma_wait3A_406 = arith.constant 0 : i32
      %dma_wait3A_407 = arith.constant 0 : i32
      %dma_wait3A_408 = tpu.memref_slice %dma_wait3A_405[%dma_wait3A_406, %dma_wait3A_407] : memref<10000x64xf32, #tpu.memory_space<hbm>> -> memref<10000x64xf32, #tpu.memory_space<hbm>>
      tpu.wait_indirect_dma semaphore(%arg19 : memref<!tpu.dma_semaphore, #tpu.memory_space<semaphore_mem>>) src(%dma_wait3A_408 : memref<10000x64xf32, #tpu.memory_space<hbm>>) dst(%arg12 : memref<128x64xf32, #tpu.memory_space<vmem>>)
      %add3A_409 = arith.constant 2 : i32
      %add3A_410 = arith.addi %mul3A_340, %add3A_409 : i32
      "tpu.region"() ({
        %run_scoped3A_509 = tpu.sem_alloc : memref<!tpu.dma_semaphore, #tpu.memory_space<semaphore_mem>>
        %dma_start3A_510 = arith.constant 0 : i32
        %dma_start3A_511 = tpu.memref_slice %arg9[%add3A_410, %dma_start3A_510] : memref<157x128xi32, #tpu.memory_space<vmem>> -> memref<1x128xi32, #tpu.memory_space<vmem>>
        %dma_start3A_512 = tpu.memref_squeeze %dma_start3A_511 : memref<1x128xi32, #tpu.memory_space<vmem>> -> memref<128xi32, #tpu.memory_space<vmem>>
        %dma_start3A_513 = arith.constant 0 : i32
        %dma_start3A_514 = arith.constant 0 : i32
        %dma_start3A_515 = tpu.memref_slice %arg16[%dma_start3A_513, %dma_start3A_514] : memref<10016x64xf32, #tpu.memory_space<vmem_shared>> -> memref<10016x64xf32, #tpu.memory_space<vmem_shared>>
        tpu.enqueue_indirect_dma source(%arg12 : memref<128x64xf32, #tpu.memory_space<vmem>>) target(%dma_start3A_515 : memref<10016x64xf32, #tpu.memory_space<vmem_shared>>) offsets(%dma_start3A_512 : memref<128xi32, #tpu.memory_space<vmem>>) semaphore(%run_scoped3A_509 : memref<!tpu.dma_semaphore, #tpu.memory_space<semaphore_mem>>) {add = true}
        %dma_wait3A_516 = arith.constant 0 : i32
        %dma_wait3A_517 = tpu.memref_slice %arg9[%add3A_410, %dma_wait3A_516] : memref<157x128xi32, #tpu.memory_space<vmem>> -> memref<1x128xi32, #tpu.memory_space<vmem>>
        %dma_wait3A_518 = tpu.memref_squeeze %dma_wait3A_517 : memref<1x128xi32, #tpu.memory_space<vmem>> -> memref<128xi32, #tpu.memory_space<vmem>>
        %dma_wait3A_519 = arith.constant 0 : i32
        %dma_wait3A_520 = arith.constant 0 : i32
        %dma_wait3A_521 = tpu.memref_slice %arg16[%dma_wait3A_519, %dma_wait3A_520] : memref<10016x64xf32, #tpu.memory_space<vmem_shared>> -> memref<10016x64xf32, #tpu.memory_space<vmem_shared>>
        tpu.wait_indirect_dma semaphore(%run_scoped3A_509 : memref<!tpu.dma_semaphore, #tpu.memory_space<semaphore_mem>>) src(%arg12 : memref<128x64xf32, #tpu.memory_space<vmem>>) dst(%dma_wait3A_521 : memref<10016x64xf32, #tpu.memory_space<vmem_shared>>)
        tpu.yield
      }) : () -> ()
      "tpu.region"() ({
        %run_scoped3A_509 = tpu.sem_alloc : memref<!tpu.dma_semaphore, #tpu.memory_space<semaphore_mem>>
        %dma_start3A_510 = arith.constant 0 : i32
        %dma_start3A_511 = tpu.memref_slice %arg9[%add3A_410, %dma_start3A_510] : memref<157x128xi32, #tpu.memory_space<vmem>> -> memref<1x128xi32, #tpu.memory_space<vmem>>
        %dma_start3A_512 = tpu.memref_squeeze %dma_start3A_511 : memref<1x128xi32, #tpu.memory_space<vmem>> -> memref<128xi32, #tpu.memory_space<vmem>>
        %dma_start3A_513 = arith.constant 0 : i32
        %dma_start3A_514 = tpu.memref_slice %arg24[%dma_start3A_513] : memref<10016xf32, #tpu.memory_space<vmem_shared>> -> memref<10016xf32, #tpu.memory_space<vmem_shared>>
        tpu.enqueue_indirect_dma source(%arg23 : memref<128xf32, #tpu.memory_space<vmem>>) target(%dma_start3A_514 : memref<10016xf32, #tpu.memory_space<vmem_shared>>) offsets(%dma_start3A_512 : memref<128xi32, #tpu.memory_space<vmem>>) semaphore(%run_scoped3A_509 : memref<!tpu.dma_semaphore, #tpu.memory_space<semaphore_mem>>) {add = true}
        %dma_wait3A_515 = arith.constant 0 : i32
        %dma_wait3A_516 = tpu.memref_slice %arg9[%add3A_410, %dma_wait3A_515] : memref<157x128xi32, #tpu.memory_space<vmem>> -> memref<1x128xi32, #tpu.memory_space<vmem>>
        %dma_wait3A_517 = tpu.memref_squeeze %dma_wait3A_516 : memref<1x128xi32, #tpu.memory_space<vmem>> -> memref<128xi32, #tpu.memory_space<vmem>>
        %dma_wait3A_518 = arith.constant 0 : i32
        %dma_wait3A_519 = tpu.memref_slice %arg24[%dma_wait3A_518] : memref<10016xf32, #tpu.memory_space<vmem_shared>> -> memref<10016xf32, #tpu.memory_space<vmem_shared>>
        tpu.wait_indirect_dma semaphore(%run_scoped3A_509 : memref<!tpu.dma_semaphore, #tpu.memory_space<semaphore_mem>>) src(%arg23 : memref<128xf32, #tpu.memory_space<vmem>>) dst(%dma_wait3A_519 : memref<10016xf32, #tpu.memory_space<vmem_shared>>)
        tpu.yield
      }) : () -> ()
      %add3A_411 = arith.constant 6 : i32
      %add3A_412 = arith.addi %mul3A_340, %add3A_411 : i32
      %add3A_413 = arith.constant 2 : i32
      %add3A_414 = arith.addi %add3A_412, %add3A_413 : i32
      %dma_start3A_415 = arith.constant 0 : i32
      %dma_start3A_416 = tpu.memref_slice %arg8[%add3A_414, %dma_start3A_415] : memref<157x128xi32, #tpu.memory_space<vmem>> -> memref<1x128xi32, #tpu.memory_space<vmem>>
      %dma_start3A_417 = tpu.memref_squeeze %dma_start3A_416 : memref<1x128xi32, #tpu.memory_space<vmem>> -> memref<128xi32, #tpu.memory_space<vmem>>
      %dma_start3A_418 = arith.constant 0 : i32
      %dma_start3A_419 = arith.constant 0 : i32
      %dma_start3A_420 = tpu.memref_slice %arg2[%arg0, %dma_start3A_418, %dma_start3A_419] : memref<2x10000x64xf32, #tpu.memory_space<hbm>> -> memref<1x10000x64xf32, #tpu.memory_space<hbm>>
      %dma_start3A_421 = tpu.memref_squeeze %dma_start3A_420 : memref<1x10000x64xf32, #tpu.memory_space<hbm>> -> memref<10000x64xf32, #tpu.memory_space<hbm>>
      %dma_start3A_422 = arith.constant 0 : i32
      %dma_start3A_423 = arith.constant 0 : i32
      %dma_start3A_424 = tpu.memref_slice %dma_start3A_421[%dma_start3A_422, %dma_start3A_423] : memref<10000x64xf32, #tpu.memory_space<hbm>> -> memref<10000x64xf32, #tpu.memory_space<hbm>>
      tpu.enqueue_indirect_dma source(%dma_start3A_424 : memref<10000x64xf32, #tpu.memory_space<hbm>>) target(%arg12 : memref<128x64xf32, #tpu.memory_space<vmem>>) offsets(%dma_start3A_417 : memref<128xi32, #tpu.memory_space<vmem>>) semaphore(%arg19 : memref<!tpu.dma_semaphore, #tpu.memory_space<semaphore_mem>>)
      %add3A_425 = arith.constant 3 : i32
      %add3A_426 = arith.addi %mul3A_340, %add3A_425 : i32
      %dma_wait3A_427 = arith.constant 0 : i32
      %dma_wait3A_428 = tpu.memref_slice %arg8[%add3A_426, %dma_wait3A_427] : memref<157x128xi32, #tpu.memory_space<vmem>> -> memref<1x128xi32, #tpu.memory_space<vmem>>
      %dma_wait3A_429 = tpu.memref_squeeze %dma_wait3A_428 : memref<1x128xi32, #tpu.memory_space<vmem>> -> memref<128xi32, #tpu.memory_space<vmem>>
      %dma_wait3A_430 = arith.constant 0 : i32
      %dma_wait3A_431 = arith.constant 0 : i32
      %dma_wait3A_432 = tpu.memref_slice %arg2[%arg0, %dma_wait3A_430, %dma_wait3A_431] : memref<2x10000x64xf32, #tpu.memory_space<hbm>> -> memref<1x10000x64xf32, #tpu.memory_space<hbm>>
      %dma_wait3A_433 = tpu.memref_squeeze %dma_wait3A_432 : memref<1x10000x64xf32, #tpu.memory_space<hbm>> -> memref<10000x64xf32, #tpu.memory_space<hbm>>
      %dma_wait3A_434 = arith.constant 0 : i32
      %dma_wait3A_435 = arith.constant 0 : i32
      %dma_wait3A_436 = tpu.memref_slice %dma_wait3A_433[%dma_wait3A_434, %dma_wait3A_435] : memref<10000x64xf32, #tpu.memory_space<hbm>> -> memref<10000x64xf32, #tpu.memory_space<hbm>>
      tpu.wait_indirect_dma semaphore(%arg20 : memref<!tpu.dma_semaphore, #tpu.memory_space<semaphore_mem>>) src(%dma_wait3A_436 : memref<10000x64xf32, #tpu.memory_space<hbm>>) dst(%arg13 : memref<128x64xf32, #tpu.memory_space<vmem>>)
      %add3A_437 = arith.constant 3 : i32
      %add3A_438 = arith.addi %mul3A_340, %add3A_437 : i32
      "tpu.region"() ({
        %run_scoped3A_509 = tpu.sem_alloc : memref<!tpu.dma_semaphore, #tpu.memory_space<semaphore_mem>>
        %dma_start3A_510 = arith.constant 0 : i32
        %dma_start3A_511 = tpu.memref_slice %arg9[%add3A_438, %dma_start3A_510] : memref<157x128xi32, #tpu.memory_space<vmem>> -> memref<1x128xi32, #tpu.memory_space<vmem>>
        %dma_start3A_512 = tpu.memref_squeeze %dma_start3A_511 : memref<1x128xi32, #tpu.memory_space<vmem>> -> memref<128xi32, #tpu.memory_space<vmem>>
        %dma_start3A_513 = arith.constant 0 : i32
        %dma_start3A_514 = arith.constant 0 : i32
        %dma_start3A_515 = tpu.memref_slice %arg16[%dma_start3A_513, %dma_start3A_514] : memref<10016x64xf32, #tpu.memory_space<vmem_shared>> -> memref<10016x64xf32, #tpu.memory_space<vmem_shared>>
        tpu.enqueue_indirect_dma source(%arg13 : memref<128x64xf32, #tpu.memory_space<vmem>>) target(%dma_start3A_515 : memref<10016x64xf32, #tpu.memory_space<vmem_shared>>) offsets(%dma_start3A_512 : memref<128xi32, #tpu.memory_space<vmem>>) semaphore(%run_scoped3A_509 : memref<!tpu.dma_semaphore, #tpu.memory_space<semaphore_mem>>) {add = true}
        %dma_wait3A_516 = arith.constant 0 : i32
        %dma_wait3A_517 = tpu.memref_slice %arg9[%add3A_438, %dma_wait3A_516] : memref<157x128xi32, #tpu.memory_space<vmem>> -> memref<1x128xi32, #tpu.memory_space<vmem>>
        %dma_wait3A_518 = tpu.memref_squeeze %dma_wait3A_517 : memref<1x128xi32, #tpu.memory_space<vmem>> -> memref<128xi32, #tpu.memory_space<vmem>>
        %dma_wait3A_519 = arith.constant 0 : i32
        %dma_wait3A_520 = arith.constant 0 : i32
        %dma_wait3A_521 = tpu.memref_slice %arg16[%dma_wait3A_519, %dma_wait3A_520] : memref<10016x64xf32, #tpu.memory_space<vmem_shared>> -> memref<10016x64xf32, #tpu.memory_space<vmem_shared>>
        tpu.wait_indirect_dma semaphore(%run_scoped3A_509 : memref<!tpu.dma_semaphore, #tpu.memory_space<semaphore_mem>>) src(%arg13 : memref<128x64xf32, #tpu.memory_space<vmem>>) dst(%dma_wait3A_521 : memref<10016x64xf32, #tpu.memory_space<vmem_shared>>)
        tpu.yield
      }) : () -> ()
      "tpu.region"() ({
        %run_scoped3A_509 = tpu.sem_alloc : memref<!tpu.dma_semaphore, #tpu.memory_space<semaphore_mem>>
        %dma_start3A_510 = arith.constant 0 : i32
        %dma_start3A_511 = tpu.memref_slice %arg9[%add3A_438, %dma_start3A_510] : memref<157x128xi32, #tpu.memory_space<vmem>> -> memref<1x128xi32, #tpu.memory_space<vmem>>
        %dma_start3A_512 = tpu.memref_squeeze %dma_start3A_511 : memref<1x128xi32, #tpu.memory_space<vmem>> -> memref<128xi32, #tpu.memory_space<vmem>>
        %dma_start3A_513 = arith.constant 0 : i32
        %dma_start3A_514 = tpu.memref_slice %arg24[%dma_start3A_513] : memref<10016xf32, #tpu.memory_space<vmem_shared>> -> memref<10016xf32, #tpu.memory_space<vmem_shared>>
        tpu.enqueue_indirect_dma source(%arg23 : memref<128xf32, #tpu.memory_space<vmem>>) target(%dma_start3A_514 : memref<10016xf32, #tpu.memory_space<vmem_shared>>) offsets(%dma_start3A_512 : memref<128xi32, #tpu.memory_space<vmem>>) semaphore(%run_scoped3A_509 : memref<!tpu.dma_semaphore, #tpu.memory_space<semaphore_mem>>) {add = true}
        %dma_wait3A_515 = arith.constant 0 : i32
        %dma_wait3A_516 = tpu.memref_slice %arg9[%add3A_438, %dma_wait3A_515] : memref<157x128xi32, #tpu.memory_space<vmem>> -> memref<1x128xi32, #tpu.memory_space<vmem>>
        %dma_wait3A_517 = tpu.memref_squeeze %dma_wait3A_516 : memref<1x128xi32, #tpu.memory_space<vmem>> -> memref<128xi32, #tpu.memory_space<vmem>>
        %dma_wait3A_518 = arith.constant 0 : i32
        %dma_wait3A_519 = tpu.memref_slice %arg24[%dma_wait3A_518] : memref<10016xf32, #tpu.memory_space<vmem_shared>> -> memref<10016xf32, #tpu.memory_space<vmem_shared>>
        tpu.wait_indirect_dma semaphore(%run_scoped3A_509 : memref<!tpu.dma_semaphore, #tpu.memory_space<semaphore_mem>>) src(%arg23 : memref<128xf32, #tpu.memory_space<vmem>>) dst(%dma_wait3A_519 : memref<10016xf32, #tpu.memory_space<vmem_shared>>)
        tpu.yield
      }) : () -> ()
      %add3A_439 = arith.constant 6 : i32
      %add3A_440 = arith.addi %mul3A_340, %add3A_439 : i32
      %add3A_441 = arith.constant 3 : i32
      %add3A_442 = arith.addi %add3A_440, %add3A_441 : i32
      %dma_start3A_443 = arith.constant 0 : i32
      %dma_start3A_444 = tpu.memref_slice %arg8[%add3A_442, %dma_start3A_443] : memref<157x128xi32, #tpu.memory_space<vmem>> -> memref<1x128xi32, #tpu.memory_space<vmem>>
      %dma_start3A_445 = tpu.memref_squeeze %dma_start3A_444 : memref<1x128xi32, #tpu.memory_space<vmem>> -> memref<128xi32, #tpu.memory_space<vmem>>
      %dma_start3A_446 = arith.constant 0 : i32
      %dma_start3A_447 = arith.constant 0 : i32
      %dma_start3A_448 = tpu.memref_slice %arg2[%arg0, %dma_start3A_446, %dma_start3A_447] : memref<2x10000x64xf32, #tpu.memory_space<hbm>> -> memref<1x10000x64xf32, #tpu.memory_space<hbm>>
      %dma_start3A_449 = tpu.memref_squeeze %dma_start3A_448 : memref<1x10000x64xf32, #tpu.memory_space<hbm>> -> memref<10000x64xf32, #tpu.memory_space<hbm>>
      %dma_start3A_450 = arith.constant 0 : i32
      %dma_start3A_451 = arith.constant 0 : i32
      %dma_start3A_452 = tpu.memref_slice %dma_start3A_449[%dma_start3A_450, %dma_start3A_451] : memref<10000x64xf32, #tpu.memory_space<hbm>> -> memref<10000x64xf32, #tpu.memory_space<hbm>>
      tpu.enqueue_indirect_dma source(%dma_start3A_452 : memref<10000x64xf32, #tpu.memory_space<hbm>>) target(%arg13 : memref<128x64xf32, #tpu.memory_space<vmem>>) offsets(%dma_start3A_445 : memref<128xi32, #tpu.memory_space<vmem>>) semaphore(%arg20 : memref<!tpu.dma_semaphore, #tpu.memory_space<semaphore_mem>>)
      %add3A_453 = arith.constant 4 : i32
      %add3A_454 = arith.addi %mul3A_340, %add3A_453 : i32
      %dma_wait3A_455 = arith.constant 0 : i32
      %dma_wait3A_456 = tpu.memref_slice %arg8[%add3A_454, %dma_wait3A_455] : memref<157x128xi32, #tpu.memory_space<vmem>> -> memref<1x128xi32, #tpu.memory_space<vmem>>
      %dma_wait3A_457 = tpu.memref_squeeze %dma_wait3A_456 : memref<1x128xi32, #tpu.memory_space<vmem>> -> memref<128xi32, #tpu.memory_space<vmem>>
      %dma_wait3A_458 = arith.constant 0 : i32
      %dma_wait3A_459 = arith.constant 0 : i32
      %dma_wait3A_460 = tpu.memref_slice %arg2[%arg0, %dma_wait3A_458, %dma_wait3A_459] : memref<2x10000x64xf32, #tpu.memory_space<hbm>> -> memref<1x10000x64xf32, #tpu.memory_space<hbm>>
      %dma_wait3A_461 = tpu.memref_squeeze %dma_wait3A_460 : memref<1x10000x64xf32, #tpu.memory_space<hbm>> -> memref<10000x64xf32, #tpu.memory_space<hbm>>
      %dma_wait3A_462 = arith.constant 0 : i32
      %dma_wait3A_463 = arith.constant 0 : i32
      %dma_wait3A_464 = tpu.memref_slice %dma_wait3A_461[%dma_wait3A_462, %dma_wait3A_463] : memref<10000x64xf32, #tpu.memory_space<hbm>> -> memref<10000x64xf32, #tpu.memory_space<hbm>>
      tpu.wait_indirect_dma semaphore(%arg21 : memref<!tpu.dma_semaphore, #tpu.memory_space<semaphore_mem>>) src(%dma_wait3A_464 : memref<10000x64xf32, #tpu.memory_space<hbm>>) dst(%arg14 : memref<128x64xf32, #tpu.memory_space<vmem>>)
      %add3A_465 = arith.constant 4 : i32
      %add3A_466 = arith.addi %mul3A_340, %add3A_465 : i32
      "tpu.region"() ({
        %run_scoped3A_509 = tpu.sem_alloc : memref<!tpu.dma_semaphore, #tpu.memory_space<semaphore_mem>>
        %dma_start3A_510 = arith.constant 0 : i32
        %dma_start3A_511 = tpu.memref_slice %arg9[%add3A_466, %dma_start3A_510] : memref<157x128xi32, #tpu.memory_space<vmem>> -> memref<1x128xi32, #tpu.memory_space<vmem>>
        %dma_start3A_512 = tpu.memref_squeeze %dma_start3A_511 : memref<1x128xi32, #tpu.memory_space<vmem>> -> memref<128xi32, #tpu.memory_space<vmem>>
        %dma_start3A_513 = arith.constant 0 : i32
        %dma_start3A_514 = arith.constant 0 : i32
        %dma_start3A_515 = tpu.memref_slice %arg16[%dma_start3A_513, %dma_start3A_514] : memref<10016x64xf32, #tpu.memory_space<vmem_shared>> -> memref<10016x64xf32, #tpu.memory_space<vmem_shared>>
        tpu.enqueue_indirect_dma source(%arg14 : memref<128x64xf32, #tpu.memory_space<vmem>>) target(%dma_start3A_515 : memref<10016x64xf32, #tpu.memory_space<vmem_shared>>) offsets(%dma_start3A_512 : memref<128xi32, #tpu.memory_space<vmem>>) semaphore(%run_scoped3A_509 : memref<!tpu.dma_semaphore, #tpu.memory_space<semaphore_mem>>) {add = true}
        %dma_wait3A_516 = arith.constant 0 : i32
        %dma_wait3A_517 = tpu.memref_slice %arg9[%add3A_466, %dma_wait3A_516] : memref<157x128xi32, #tpu.memory_space<vmem>> -> memref<1x128xi32, #tpu.memory_space<vmem>>
        %dma_wait3A_518 = tpu.memref_squeeze %dma_wait3A_517 : memref<1x128xi32, #tpu.memory_space<vmem>> -> memref<128xi32, #tpu.memory_space<vmem>>
        %dma_wait3A_519 = arith.constant 0 : i32
        %dma_wait3A_520 = arith.constant 0 : i32
        %dma_wait3A_521 = tpu.memref_slice %arg16[%dma_wait3A_519, %dma_wait3A_520] : memref<10016x64xf32, #tpu.memory_space<vmem_shared>> -> memref<10016x64xf32, #tpu.memory_space<vmem_shared>>
        tpu.wait_indirect_dma semaphore(%run_scoped3A_509 : memref<!tpu.dma_semaphore, #tpu.memory_space<semaphore_mem>>) src(%arg14 : memref<128x64xf32, #tpu.memory_space<vmem>>) dst(%dma_wait3A_521 : memref<10016x64xf32, #tpu.memory_space<vmem_shared>>)
        tpu.yield
      }) : () -> ()
      "tpu.region"() ({
        %run_scoped3A_509 = tpu.sem_alloc : memref<!tpu.dma_semaphore, #tpu.memory_space<semaphore_mem>>
        %dma_start3A_510 = arith.constant 0 : i32
        %dma_start3A_511 = tpu.memref_slice %arg9[%add3A_466, %dma_start3A_510] : memref<157x128xi32, #tpu.memory_space<vmem>> -> memref<1x128xi32, #tpu.memory_space<vmem>>
        %dma_start3A_512 = tpu.memref_squeeze %dma_start3A_511 : memref<1x128xi32, #tpu.memory_space<vmem>> -> memref<128xi32, #tpu.memory_space<vmem>>
        %dma_start3A_513 = arith.constant 0 : i32
        %dma_start3A_514 = tpu.memref_slice %arg24[%dma_start3A_513] : memref<10016xf32, #tpu.memory_space<vmem_shared>> -> memref<10016xf32, #tpu.memory_space<vmem_shared>>
        tpu.enqueue_indirect_dma source(%arg23 : memref<128xf32, #tpu.memory_space<vmem>>) target(%dma_start3A_514 : memref<10016xf32, #tpu.memory_space<vmem_shared>>) offsets(%dma_start3A_512 : memref<128xi32, #tpu.memory_space<vmem>>) semaphore(%run_scoped3A_509 : memref<!tpu.dma_semaphore, #tpu.memory_space<semaphore_mem>>) {add = true}
        %dma_wait3A_515 = arith.constant 0 : i32
        %dma_wait3A_516 = tpu.memref_slice %arg9[%add3A_466, %dma_wait3A_515] : memref<157x128xi32, #tpu.memory_space<vmem>> -> memref<1x128xi32, #tpu.memory_space<vmem>>
        %dma_wait3A_517 = tpu.memref_squeeze %dma_wait3A_516 : memref<1x128xi32, #tpu.memory_space<vmem>> -> memref<128xi32, #tpu.memory_space<vmem>>
        %dma_wait3A_518 = arith.constant 0 : i32
        %dma_wait3A_519 = tpu.memref_slice %arg24[%dma_wait3A_518] : memref<10016xf32, #tpu.memory_space<vmem_shared>> -> memref<10016xf32, #tpu.memory_space<vmem_shared>>
        tpu.wait_indirect_dma semaphore(%run_scoped3A_509 : memref<!tpu.dma_semaphore, #tpu.memory_space<semaphore_mem>>) src(%arg23 : memref<128xf32, #tpu.memory_space<vmem>>) dst(%dma_wait3A_519 : memref<10016xf32, #tpu.memory_space<vmem_shared>>)
        tpu.yield
      }) : () -> ()
      %add3A_467 = arith.constant 6 : i32
      %add3A_468 = arith.addi %mul3A_340, %add3A_467 : i32
      %add3A_469 = arith.constant 4 : i32
      %add3A_470 = arith.addi %add3A_468, %add3A_469 : i32
      %dma_start3A_471 = arith.constant 0 : i32
      %dma_start3A_472 = tpu.memref_slice %arg8[%add3A_470, %dma_start3A_471] : memref<157x128xi32, #tpu.memory_space<vmem>> -> memref<1x128xi32, #tpu.memory_space<vmem>>
      %dma_start3A_473 = tpu.memref_squeeze %dma_start3A_472 : memref<1x128xi32, #tpu.memory_space<vmem>> -> memref<128xi32, #tpu.memory_space<vmem>>
      %dma_start3A_474 = arith.constant 0 : i32
      %dma_start3A_475 = arith.constant 0 : i32
      %dma_start3A_476 = tpu.memref_slice %arg2[%arg0, %dma_start3A_474, %dma_start3A_475] : memref<2x10000x64xf32, #tpu.memory_space<hbm>> -> memref<1x10000x64xf32, #tpu.memory_space<hbm>>
      %dma_start3A_477 = tpu.memref_squeeze %dma_start3A_476 : memref<1x10000x64xf32, #tpu.memory_space<hbm>> -> memref<10000x64xf32, #tpu.memory_space<hbm>>
      %dma_start3A_478 = arith.constant 0 : i32
      %dma_start3A_479 = arith.constant 0 : i32
      %dma_start3A_480 = tpu.memref_slice %dma_start3A_477[%dma_start3A_478, %dma_start3A_479] : memref<10000x64xf32, #tpu.memory_space<hbm>> -> memref<10000x64xf32, #tpu.memory_space<hbm>>
      tpu.enqueue_indirect_dma source(%dma_start3A_480 : memref<10000x64xf32, #tpu.memory_space<hbm>>) target(%arg14 : memref<128x64xf32, #tpu.memory_space<vmem>>) offsets(%dma_start3A_473 : memref<128xi32, #tpu.memory_space<vmem>>) semaphore(%arg21 : memref<!tpu.dma_semaphore, #tpu.memory_space<semaphore_mem>>)
      %add3A_481 = arith.constant 5 : i32
      %add3A_482 = arith.addi %mul3A_340, %add3A_481 : i32
      %dma_wait3A_483 = arith.constant 0 : i32
      %dma_wait3A_484 = tpu.memref_slice %arg8[%add3A_482, %dma_wait3A_483] : memref<157x128xi32, #tpu.memory_space<vmem>> -> memref<1x128xi32, #tpu.memory_space<vmem>>
      %dma_wait3A_485 = tpu.memref_squeeze %dma_wait3A_484 : memref<1x128xi32, #tpu.memory_space<vmem>> -> memref<128xi32, #tpu.memory_space<vmem>>
      %dma_wait3A_486 = arith.constant 0 : i32
      %dma_wait3A_487 = arith.constant 0 : i32
      %dma_wait3A_488 = tpu.memref_slice %arg2[%arg0, %dma_wait3A_486, %dma_wait3A_487] : memref<2x10000x64xf32, #tpu.memory_space<hbm>> -> memref<1x10000x64xf32, #tpu.memory_space<hbm>>
      %dma_wait3A_489 = tpu.memref_squeeze %dma_wait3A_488 : memref<1x10000x64xf32, #tpu.memory_space<hbm>> -> memref<10000x64xf32, #tpu.memory_space<hbm>>
      %dma_wait3A_490 = arith.constant 0 : i32
      %dma_wait3A_491 = arith.constant 0 : i32
      %dma_wait3A_492 = tpu.memref_slice %dma_wait3A_489[%dma_wait3A_490, %dma_wait3A_491] : memref<10000x64xf32, #tpu.memory_space<hbm>> -> memref<10000x64xf32, #tpu.memory_space<hbm>>
      tpu.wait_indirect_dma semaphore(%arg22 : memref<!tpu.dma_semaphore, #tpu.memory_space<semaphore_mem>>) src(%dma_wait3A_492 : memref<10000x64xf32, #tpu.memory_space<hbm>>) dst(%arg15 : memref<128x64xf32, #tpu.memory_space<vmem>>)
      %add3A_493 = arith.constant 5 : i32
      %add3A_494 = arith.addi %mul3A_340, %add3A_493 : i32
      "tpu.region"() ({
        %run_scoped3A_509 = tpu.sem_alloc : memref<!tpu.dma_semaphore, #tpu.memory_space<semaphore_mem>>
        %dma_start3A_510 = arith.constant 0 : i32
        %dma_start3A_511 = tpu.memref_slice %arg9[%add3A_494, %dma_start3A_510] : memref<157x128xi32, #tpu.memory_space<vmem>> -> memref<1x128xi32, #tpu.memory_space<vmem>>
        %dma_start3A_512 = tpu.memref_squeeze %dma_start3A_511 : memref<1x128xi32, #tpu.memory_space<vmem>> -> memref<128xi32, #tpu.memory_space<vmem>>
        %dma_start3A_513 = arith.constant 0 : i32
        %dma_start3A_514 = arith.constant 0 : i32
        %dma_start3A_515 = tpu.memref_slice %arg16[%dma_start3A_513, %dma_start3A_514] : memref<10016x64xf32, #tpu.memory_space<vmem_shared>> -> memref<10016x64xf32, #tpu.memory_space<vmem_shared>>
        tpu.enqueue_indirect_dma source(%arg15 : memref<128x64xf32, #tpu.memory_space<vmem>>) target(%dma_start3A_515 : memref<10016x64xf32, #tpu.memory_space<vmem_shared>>) offsets(%dma_start3A_512 : memref<128xi32, #tpu.memory_space<vmem>>) semaphore(%run_scoped3A_509 : memref<!tpu.dma_semaphore, #tpu.memory_space<semaphore_mem>>) {add = true}
        %dma_wait3A_516 = arith.constant 0 : i32
        %dma_wait3A_517 = tpu.memref_slice %arg9[%add3A_494, %dma_wait3A_516] : memref<157x128xi32, #tpu.memory_space<vmem>> -> memref<1x128xi32, #tpu.memory_space<vmem>>
        %dma_wait3A_518 = tpu.memref_squeeze %dma_wait3A_517 : memref<1x128xi32, #tpu.memory_space<vmem>> -> memref<128xi32, #tpu.memory_space<vmem>>
        %dma_wait3A_519 = arith.constant 0 : i32
        %dma_wait3A_520 = arith.constant 0 : i32
        %dma_wait3A_521 = tpu.memref_slice %arg16[%dma_wait3A_519, %dma_wait3A_520] : memref<10016x64xf32, #tpu.memory_space<vmem_shared>> -> memref<10016x64xf32, #tpu.memory_space<vmem_shared>>
        tpu.wait_indirect_dma semaphore(%run_scoped3A_509 : memref<!tpu.dma_semaphore, #tpu.memory_space<semaphore_mem>>) src(%arg15 : memref<128x64xf32, #tpu.memory_space<vmem>>) dst(%dma_wait3A_521 : memref<10016x64xf32, #tpu.memory_space<vmem_shared>>)
        tpu.yield
      }) : () -> ()
      "tpu.region"() ({
        %run_scoped3A_509 = tpu.sem_alloc : memref<!tpu.dma_semaphore, #tpu.memory_space<semaphore_mem>>
        %dma_start3A_510 = arith.constant 0 : i32
        %dma_start3A_511 = tpu.memref_slice %arg9[%add3A_494, %dma_start3A_510] : memref<157x128xi32, #tpu.memory_space<vmem>> -> memref<1x128xi32, #tpu.memory_space<vmem>>
        %dma_start3A_512 = tpu.memref_squeeze %dma_start3A_511 : memref<1x128xi32, #tpu.memory_space<vmem>> -> memref<128xi32, #tpu.memory_space<vmem>>
        %dma_start3A_513 = arith.constant 0 : i32
        %dma_start3A_514 = tpu.memref_slice %arg24[%dma_start3A_513] : memref<10016xf32, #tpu.memory_space<vmem_shared>> -> memref<10016xf32, #tpu.memory_space<vmem_shared>>
        tpu.enqueue_indirect_dma source(%arg23 : memref<128xf32, #tpu.memory_space<vmem>>) target(%dma_start3A_514 : memref<10016xf32, #tpu.memory_space<vmem_shared>>) offsets(%dma_start3A_512 : memref<128xi32, #tpu.memory_space<vmem>>) semaphore(%run_scoped3A_509 : memref<!tpu.dma_semaphore, #tpu.memory_space<semaphore_mem>>) {add = true}
        %dma_wait3A_515 = arith.constant 0 : i32
        %dma_wait3A_516 = tpu.memref_slice %arg9[%add3A_494, %dma_wait3A_515] : memref<157x128xi32, #tpu.memory_space<vmem>> -> memref<1x128xi32, #tpu.memory_space<vmem>>
        %dma_wait3A_517 = tpu.memref_squeeze %dma_wait3A_516 : memref<1x128xi32, #tpu.memory_space<vmem>> -> memref<128xi32, #tpu.memory_space<vmem>>
        %dma_wait3A_518 = arith.constant 0 : i32
        %dma_wait3A_519 = tpu.memref_slice %arg24[%dma_wait3A_518] : memref<10016xf32, #tpu.memory_space<vmem_shared>> -> memref<10016xf32, #tpu.memory_space<vmem_shared>>
        tpu.wait_indirect_dma semaphore(%run_scoped3A_509 : memref<!tpu.dma_semaphore, #tpu.memory_space<semaphore_mem>>) src(%arg23 : memref<128xf32, #tpu.memory_space<vmem>>) dst(%dma_wait3A_519 : memref<10016xf32, #tpu.memory_space<vmem_shared>>)
        tpu.yield
      }) : () -> ()
      %add3A_495 = arith.constant 6 : i32
      %add3A_496 = arith.addi %mul3A_340, %add3A_495 : i32
      %add3A_497 = arith.constant 5 : i32
      %add3A_498 = arith.addi %add3A_496, %add3A_497 : i32
      %dma_start3A_499 = arith.constant 0 : i32
      %dma_start3A_500 = tpu.memref_slice %arg8[%add3A_498, %dma_start3A_499] : memref<157x128xi32, #tpu.memory_space<vmem>> -> memref<1x128xi32, #tpu.memory_space<vmem>>
      %dma_start3A_501 = tpu.memref_squeeze %dma_start3A_500 : memref<1x128xi32, #tpu.memory_space<vmem>> -> memref<128xi32, #tpu.memory_space<vmem>>
      %dma_start3A_502 = arith.constant 0 : i32
      %dma_start3A_503 = arith.constant 0 : i32
      %dma_start3A_504 = tpu.memref_slice %arg2[%arg0, %dma_start3A_502, %dma_start3A_503] : memref<2x10000x64xf32, #tpu.memory_space<hbm>> -> memref<1x10000x64xf32, #tpu.memory_space<hbm>>
      %dma_start3A_505 = tpu.memref_squeeze %dma_start3A_504 : memref<1x10000x64xf32, #tpu.memory_space<hbm>> -> memref<10000x64xf32, #tpu.memory_space<hbm>>
      %dma_start3A_506 = arith.constant 0 : i32
      %dma_start3A_507 = arith.constant 0 : i32
      %dma_start3A_508 = tpu.memref_slice %dma_start3A_505[%dma_start3A_506, %dma_start3A_507] : memref<10000x64xf32, #tpu.memory_space<hbm>> -> memref<10000x64xf32, #tpu.memory_space<hbm>>
      tpu.enqueue_indirect_dma source(%dma_start3A_508 : memref<10000x64xf32, #tpu.memory_space<hbm>>) target(%arg15 : memref<128x64xf32, #tpu.memory_space<vmem>>) offsets(%dma_start3A_501 : memref<128xi32, #tpu.memory_space<vmem>>) semaphore(%arg22 : memref<!tpu.dma_semaphore, #tpu.memory_space<semaphore_mem>>)
    }
    %scan3A_226 = arith.constant 25 : i32
    %dma_wait3A_227 = arith.constant 150 : i32
    %dma_wait3A_228 = arith.constant 0 : i32
    %dma_wait3A_229 = tpu.memref_slice %arg8[%dma_wait3A_227, %dma_wait3A_228] : memref<157x128xi32, #tpu.memory_space<vmem>> -> memref<1x128xi32, #tpu.memory_space<vmem>>
    %dma_wait3A_230 = tpu.memref_squeeze %dma_wait3A_229 : memref<1x128xi32, #tpu.memory_space<vmem>> -> memref<128xi32, #tpu.memory_space<vmem>>
    %dma_wait3A_231 = arith.constant 0 : i32
    %dma_wait3A_232 = arith.constant 0 : i32
    %dma_wait3A_233 = tpu.memref_slice %arg2[%arg0, %dma_wait3A_231, %dma_wait3A_232] : memref<2x10000x64xf32, #tpu.memory_space<hbm>> -> memref<1x10000x64xf32, #tpu.memory_space<hbm>>
    %dma_wait3A_234 = tpu.memref_squeeze %dma_wait3A_233 : memref<1x10000x64xf32, #tpu.memory_space<hbm>> -> memref<10000x64xf32, #tpu.memory_space<hbm>>
    %dma_wait3A_235 = arith.constant 0 : i32
    %dma_wait3A_236 = arith.constant 0 : i32
    %dma_wait3A_237 = tpu.memref_slice %dma_wait3A_234[%dma_wait3A_235, %dma_wait3A_236] : memref<10000x64xf32, #tpu.memory_space<hbm>> -> memref<10000x64xf32, #tpu.memory_space<hbm>>
    tpu.wait_indirect_dma semaphore(%arg17 : memref<!tpu.dma_semaphore, #tpu.memory_space<semaphore_mem>>) src(%dma_wait3A_237 : memref<10000x64xf32, #tpu.memory_space<hbm>>) dst(%arg10 : memref<128x64xf32, #tpu.memory_space<vmem>>)
    %run_scoped3A = arith.constant 150 : i32
    "tpu.region"() ({
      %run_scoped3A_338 = tpu.sem_alloc : memref<!tpu.dma_semaphore, #tpu.memory_space<semaphore_mem>>
      %dma_start3A_339 = arith.constant 0 : i32
      %dma_start3A_340 = tpu.memref_slice %arg9[%run_scoped3A, %dma_start3A_339] : memref<157x128xi32, #tpu.memory_space<vmem>> -> memref<1x128xi32, #tpu.memory_space<vmem>>
      %dma_start3A_341 = tpu.memref_squeeze %dma_start3A_340 : memref<1x128xi32, #tpu.memory_space<vmem>> -> memref<128xi32, #tpu.memory_space<vmem>>
      %dma_start3A_342 = arith.constant 0 : i32
      %dma_start3A_343 = arith.constant 0 : i32
      %dma_start3A_344 = tpu.memref_slice %arg16[%dma_start3A_342, %dma_start3A_343] : memref<10016x64xf32, #tpu.memory_space<vmem_shared>> -> memref<10016x64xf32, #tpu.memory_space<vmem_shared>>
      tpu.enqueue_indirect_dma source(%arg10 : memref<128x64xf32, #tpu.memory_space<vmem>>) target(%dma_start3A_344 : memref<10016x64xf32, #tpu.memory_space<vmem_shared>>) offsets(%dma_start3A_341 : memref<128xi32, #tpu.memory_space<vmem>>) semaphore(%run_scoped3A_338 : memref<!tpu.dma_semaphore, #tpu.memory_space<semaphore_mem>>) {add = true}
      %dma_wait3A_345 = arith.constant 0 : i32
      %dma_wait3A_346 = tpu.memref_slice %arg9[%run_scoped3A, %dma_wait3A_345] : memref<157x128xi32, #tpu.memory_space<vmem>> -> memref<1x128xi32, #tpu.memory_space<vmem>>
      %dma_wait3A_347 = tpu.memref_squeeze %dma_wait3A_346 : memref<1x128xi32, #tpu.memory_space<vmem>> -> memref<128xi32, #tpu.memory_space<vmem>>
      %dma_wait3A_348 = arith.constant 0 : i32
      %dma_wait3A_349 = arith.constant 0 : i32
      %dma_wait3A_350 = tpu.memref_slice %arg16[%dma_wait3A_348, %dma_wait3A_349] : memref<10016x64xf32, #tpu.memory_space<vmem_shared>> -> memref<10016x64xf32, #tpu.memory_space<vmem_shared>>
      tpu.wait_indirect_dma semaphore(%run_scoped3A_338 : memref<!tpu.dma_semaphore, #tpu.memory_space<semaphore_mem>>) src(%arg10 : memref<128x64xf32, #tpu.memory_space<vmem>>) dst(%dma_wait3A_350 : memref<10016x64xf32, #tpu.memory_space<vmem_shared>>)
      tpu.yield
    }) : () -> ()
    %run_scoped3A_238 = arith.constant 150 : i32
    "tpu.region"() ({
      %run_scoped3A_338 = tpu.sem_alloc : memref<!tpu.dma_semaphore, #tpu.memory_space<semaphore_mem>>
      %dma_start3A_339 = arith.constant 0 : i32
      %dma_start3A_340 = tpu.memref_slice %arg9[%run_scoped3A_238, %dma_start3A_339] : memref<157x128xi32, #tpu.memory_space<vmem>> -> memref<1x128xi32, #tpu.memory_space<vmem>>
      %dma_start3A_341 = tpu.memref_squeeze %dma_start3A_340 : memref<1x128xi32, #tpu.memory_space<vmem>> -> memref<128xi32, #tpu.memory_space<vmem>>
      %dma_start3A_342 = arith.constant 0 : i32
      %dma_start3A_343 = tpu.memref_slice %arg24[%dma_start3A_342] : memref<10016xf32, #tpu.memory_space<vmem_shared>> -> memref<10016xf32, #tpu.memory_space<vmem_shared>>
      tpu.enqueue_indirect_dma source(%arg23 : memref<128xf32, #tpu.memory_space<vmem>>) target(%dma_start3A_343 : memref<10016xf32, #tpu.memory_space<vmem_shared>>) offsets(%dma_start3A_341 : memref<128xi32, #tpu.memory_space<vmem>>) semaphore(%run_scoped3A_338 : memref<!tpu.dma_semaphore, #tpu.memory_space<semaphore_mem>>) {add = true}
      %dma_wait3A_344 = arith.constant 0 : i32
      %dma_wait3A_345 = tpu.memref_slice %arg9[%run_scoped3A_238, %dma_wait3A_344] : memref<157x128xi32, #tpu.memory_space<vmem>> -> memref<1x128xi32, #tpu.memory_space<vmem>>
      %dma_wait3A_346 = tpu.memref_squeeze %dma_wait3A_345 : memref<1x128xi32, #tpu.memory_space<vmem>> -> memref<128xi32, #tpu.memory_space<vmem>>
      %dma_wait3A_347 = arith.constant 0 : i32
      %dma_wait3A_348 = tpu.memref_slice %arg24[%dma_wait3A_347] : memref<10016xf32, #tpu.memory_space<vmem_shared>> -> memref<10016xf32, #tpu.memory_space<vmem_shared>>
      tpu.wait_indirect_dma semaphore(%run_scoped3A_338 : memref<!tpu.dma_semaphore, #tpu.memory_space<semaphore_mem>>) src(%arg23 : memref<128xf32, #tpu.memory_space<vmem>>) dst(%dma_wait3A_348 : memref<10016xf32, #tpu.memory_space<vmem_shared>>)
      tpu.yield
    }) : () -> ()
    %dma_start3A_239 = arith.constant 156 : i32
    %dma_start3A_240 = arith.constant 0 : i32
    %dma_start3A_241 = tpu.memref_slice %arg8[%dma_start3A_239, %dma_start3A_240] : memref<157x128xi32, #tpu.memory_space<vmem>> -> memref<1x128xi32, #tpu.memory_space<vmem>>
    %dma_start3A_242 = tpu.memref_squeeze %dma_start3A_241 : memref<1x128xi32, #tpu.memory_space<vmem>> -> memref<128xi32, #tpu.memory_space<vmem>>
    %dma_start3A_243 = arith.constant 0 : i32
    %dma_start3A_244 = arith.constant 0 : i32
    %dma_start3A_245 = tpu.memref_slice %arg2[%arg0, %dma_start3A_243, %dma_start3A_244] : memref<2x10000x64xf32, #tpu.memory_space<hbm>> -> memref<1x10000x64xf32, #tpu.memory_space<hbm>>
    %dma_start3A_246 = tpu.memref_squeeze %dma_start3A_245 : memref<1x10000x64xf32, #tpu.memory_space<hbm>> -> memref<10000x64xf32, #tpu.memory_space<hbm>>
    %dma_start3A_247 = arith.constant 0 : i32
    %dma_start3A_248 = arith.constant 0 : i32
    %dma_start3A_249 = tpu.memref_slice %dma_start3A_246[%dma_start3A_247, %dma_start3A_248] : memref<10000x64xf32, #tpu.memory_space<hbm>> -> memref<10000x64xf32, #tpu.memory_space<hbm>>
    tpu.enqueue_indirect_dma source(%dma_start3A_249 : memref<10000x64xf32, #tpu.memory_space<hbm>>) target(%arg10 : memref<128x64xf32, #tpu.memory_space<vmem>>) offsets(%dma_start3A_242 : memref<128xi32, #tpu.memory_space<vmem>>) semaphore(%arg17 : memref<!tpu.dma_semaphore, #tpu.memory_space<semaphore_mem>>)
    %dma_wait3A_250 = arith.constant 151 : i32
    %dma_wait3A_251 = arith.constant 0 : i32
    %dma_wait3A_252 = tpu.memref_slice %arg8[%dma_wait3A_250, %dma_wait3A_251] : memref<157x128xi32, #tpu.memory_space<vmem>> -> memref<1x128xi32, #tpu.memory_space<vmem>>
    %dma_wait3A_253 = tpu.memref_squeeze %dma_wait3A_252 : memref<1x128xi32, #tpu.memory_space<vmem>> -> memref<128xi32, #tpu.memory_space<vmem>>
    %dma_wait3A_254 = arith.constant 0 : i32
    %dma_wait3A_255 = arith.constant 0 : i32
    %dma_wait3A_256 = tpu.memref_slice %arg2[%arg0, %dma_wait3A_254, %dma_wait3A_255] : memref<2x10000x64xf32, #tpu.memory_space<hbm>> -> memref<1x10000x64xf32, #tpu.memory_space<hbm>>
    %dma_wait3A_257 = tpu.memref_squeeze %dma_wait3A_256 : memref<1x10000x64xf32, #tpu.memory_space<hbm>> -> memref<10000x64xf32, #tpu.memory_space<hbm>>
    %dma_wait3A_258 = arith.constant 0 : i32
    %dma_wait3A_259 = arith.constant 0 : i32
    %dma_wait3A_260 = tpu.memref_slice %dma_wait3A_257[%dma_wait3A_258, %dma_wait3A_259] : memref<10000x64xf32, #tpu.memory_space<hbm>> -> memref<10000x64xf32, #tpu.memory_space<hbm>>
    tpu.wait_indirect_dma semaphore(%arg18 : memref<!tpu.dma_semaphore, #tpu.memory_space<semaphore_mem>>) src(%dma_wait3A_260 : memref<10000x64xf32, #tpu.memory_space<hbm>>) dst(%arg11 : memref<128x64xf32, #tpu.memory_space<vmem>>)
    %run_scoped3A_261 = arith.constant 151 : i32
    "tpu.region"() ({
      %run_scoped3A_338 = tpu.sem_alloc : memref<!tpu.dma_semaphore, #tpu.memory_space<semaphore_mem>>
      %dma_start3A_339 = arith.constant 0 : i32
      %dma_start3A_340 = tpu.memref_slice %arg9[%run_scoped3A_261, %dma_start3A_339] : memref<157x128xi32, #tpu.memory_space<vmem>> -> memref<1x128xi32, #tpu.memory_space<vmem>>
      %dma_start3A_341 = tpu.memref_squeeze %dma_start3A_340 : memref<1x128xi32, #tpu.memory_space<vmem>> -> memref<128xi32, #tpu.memory_space<vmem>>
      %dma_start3A_342 = arith.constant 0 : i32
      %dma_start3A_343 = arith.constant 0 : i32
      %dma_start3A_344 = tpu.memref_slice %arg16[%dma_start3A_342, %dma_start3A_343] : memref<10016x64xf32, #tpu.memory_space<vmem_shared>> -> memref<10016x64xf32, #tpu.memory_space<vmem_shared>>
      tpu.enqueue_indirect_dma source(%arg11 : memref<128x64xf32, #tpu.memory_space<vmem>>) target(%dma_start3A_344 : memref<10016x64xf32, #tpu.memory_space<vmem_shared>>) offsets(%dma_start3A_341 : memref<128xi32, #tpu.memory_space<vmem>>) semaphore(%run_scoped3A_338 : memref<!tpu.dma_semaphore, #tpu.memory_space<semaphore_mem>>) {add = true}
      %dma_wait3A_345 = arith.constant 0 : i32
      %dma_wait3A_346 = tpu.memref_slice %arg9[%run_scoped3A_261, %dma_wait3A_345] : memref<157x128xi32, #tpu.memory_space<vmem>> -> memref<1x128xi32, #tpu.memory_space<vmem>>
      %dma_wait3A_347 = tpu.memref_squeeze %dma_wait3A_346 : memref<1x128xi32, #tpu.memory_space<vmem>> -> memref<128xi32, #tpu.memory_space<vmem>>
      %dma_wait3A_348 = arith.constant 0 : i32
      %dma_wait3A_349 = arith.constant 0 : i32
      %dma_wait3A_350 = tpu.memref_slice %arg16[%dma_wait3A_348, %dma_wait3A_349] : memref<10016x64xf32, #tpu.memory_space<vmem_shared>> -> memref<10016x64xf32, #tpu.memory_space<vmem_shared>>
      tpu.wait_indirect_dma semaphore(%run_scoped3A_338 : memref<!tpu.dma_semaphore, #tpu.memory_space<semaphore_mem>>) src(%arg11 : memref<128x64xf32, #tpu.memory_space<vmem>>) dst(%dma_wait3A_350 : memref<10016x64xf32, #tpu.memory_space<vmem_shared>>)
      tpu.yield
    }) : () -> ()
    %run_scoped3A_262 = arith.constant 151 : i32
    "tpu.region"() ({
      %run_scoped3A_338 = tpu.sem_alloc : memref<!tpu.dma_semaphore, #tpu.memory_space<semaphore_mem>>
      %dma_start3A_339 = arith.constant 0 : i32
      %dma_start3A_340 = tpu.memref_slice %arg9[%run_scoped3A_262, %dma_start3A_339] : memref<157x128xi32, #tpu.memory_space<vmem>> -> memref<1x128xi32, #tpu.memory_space<vmem>>
      %dma_start3A_341 = tpu.memref_squeeze %dma_start3A_340 : memref<1x128xi32, #tpu.memory_space<vmem>> -> memref<128xi32, #tpu.memory_space<vmem>>
      %dma_start3A_342 = arith.constant 0 : i32
      %dma_start3A_343 = tpu.memref_slice %arg24[%dma_start3A_342] : memref<10016xf32, #tpu.memory_space<vmem_shared>> -> memref<10016xf32, #tpu.memory_space<vmem_shared>>
      tpu.enqueue_indirect_dma source(%arg23 : memref<128xf32, #tpu.memory_space<vmem>>) target(%dma_start3A_343 : memref<10016xf32, #tpu.memory_space<vmem_shared>>) offsets(%dma_start3A_341 : memref<128xi32, #tpu.memory_space<vmem>>) semaphore(%run_scoped3A_338 : memref<!tpu.dma_semaphore, #tpu.memory_space<semaphore_mem>>) {add = true}
      %dma_wait3A_344 = arith.constant 0 : i32
      %dma_wait3A_345 = tpu.memref_slice %arg9[%run_scoped3A_262, %dma_wait3A_344] : memref<157x128xi32, #tpu.memory_space<vmem>> -> memref<1x128xi32, #tpu.memory_space<vmem>>
      %dma_wait3A_346 = tpu.memref_squeeze %dma_wait3A_345 : memref<1x128xi32, #tpu.memory_space<vmem>> -> memref<128xi32, #tpu.memory_space<vmem>>
      %dma_wait3A_347 = arith.constant 0 : i32
      %dma_wait3A_348 = tpu.memref_slice %arg24[%dma_wait3A_347] : memref<10016xf32, #tpu.memory_space<vmem_shared>> -> memref<10016xf32, #tpu.memory_space<vmem_shared>>
      tpu.wait_indirect_dma semaphore(%run_scoped3A_338 : memref<!tpu.dma_semaphore, #tpu.memory_space<semaphore_mem>>) src(%arg23 : memref<128xf32, #tpu.memory_space<vmem>>) dst(%dma_wait3A_348 : memref<10016xf32, #tpu.memory_space<vmem_shared>>)
      tpu.yield
    }) : () -> ()
    %dma_wait3A_263 = arith.constant 152 : i32
    %dma_wait3A_264 = arith.constant 0 : i32
    %dma_wait3A_265 = tpu.memref_slice %arg8[%dma_wait3A_263, %dma_wait3A_264] : memref<157x128xi32, #tpu.memory_space<vmem>> -> memref<1x128xi32, #tpu.memory_space<vmem>>
    %dma_wait3A_266 = tpu.memref_squeeze %dma_wait3A_265 : memref<1x128xi32, #tpu.memory_space<vmem>> -> memref<128xi32, #tpu.memory_space<vmem>>
    %dma_wait3A_267 = arith.constant 0 : i32
    %dma_wait3A_268 = arith.constant 0 : i32
    %dma_wait3A_269 = tpu.memref_slice %arg2[%arg0, %dma_wait3A_267, %dma_wait3A_268] : memref<2x10000x64xf32, #tpu.memory_space<hbm>> -> memref<1x10000x64xf32, #tpu.memory_space<hbm>>
    %dma_wait3A_270 = tpu.memref_squeeze %dma_wait3A_269 : memref<1x10000x64xf32, #tpu.memory_space<hbm>> -> memref<10000x64xf32, #tpu.memory_space<hbm>>
    %dma_wait3A_271 = arith.constant 0 : i32
    %dma_wait3A_272 = arith.constant 0 : i32
    %dma_wait3A_273 = tpu.memref_slice %dma_wait3A_270[%dma_wait3A_271, %dma_wait3A_272] : memref<10000x64xf32, #tpu.memory_space<hbm>> -> memref<10000x64xf32, #tpu.memory_space<hbm>>
    tpu.wait_indirect_dma semaphore(%arg19 : memref<!tpu.dma_semaphore, #tpu.memory_space<semaphore_mem>>) src(%dma_wait3A_273 : memref<10000x64xf32, #tpu.memory_space<hbm>>) dst(%arg12 : memref<128x64xf32, #tpu.memory_space<vmem>>)
    %run_scoped3A_274 = arith.constant 152 : i32
    "tpu.region"() ({
      %run_scoped3A_338 = tpu.sem_alloc : memref<!tpu.dma_semaphore, #tpu.memory_space<semaphore_mem>>
      %dma_start3A_339 = arith.constant 0 : i32
      %dma_start3A_340 = tpu.memref_slice %arg9[%run_scoped3A_274, %dma_start3A_339] : memref<157x128xi32, #tpu.memory_space<vmem>> -> memref<1x128xi32, #tpu.memory_space<vmem>>
      %dma_start3A_341 = tpu.memref_squeeze %dma_start3A_340 : memref<1x128xi32, #tpu.memory_space<vmem>> -> memref<128xi32, #tpu.memory_space<vmem>>
      %dma_start3A_342 = arith.constant 0 : i32
      %dma_start3A_343 = arith.constant 0 : i32
      %dma_start3A_344 = tpu.memref_slice %arg16[%dma_start3A_342, %dma_start3A_343] : memref<10016x64xf32, #tpu.memory_space<vmem_shared>> -> memref<10016x64xf32, #tpu.memory_space<vmem_shared>>
      tpu.enqueue_indirect_dma source(%arg12 : memref<128x64xf32, #tpu.memory_space<vmem>>) target(%dma_start3A_344 : memref<10016x64xf32, #tpu.memory_space<vmem_shared>>) offsets(%dma_start3A_341 : memref<128xi32, #tpu.memory_space<vmem>>) semaphore(%run_scoped3A_338 : memref<!tpu.dma_semaphore, #tpu.memory_space<semaphore_mem>>) {add = true}
      %dma_wait3A_345 = arith.constant 0 : i32
      %dma_wait3A_346 = tpu.memref_slice %arg9[%run_scoped3A_274, %dma_wait3A_345] : memref<157x128xi32, #tpu.memory_space<vmem>> -> memref<1x128xi32, #tpu.memory_space<vmem>>
      %dma_wait3A_347 = tpu.memref_squeeze %dma_wait3A_346 : memref<1x128xi32, #tpu.memory_space<vmem>> -> memref<128xi32, #tpu.memory_space<vmem>>
      %dma_wait3A_348 = arith.constant 0 : i32
      %dma_wait3A_349 = arith.constant 0 : i32
      %dma_wait3A_350 = tpu.memref_slice %arg16[%dma_wait3A_348, %dma_wait3A_349] : memref<10016x64xf32, #tpu.memory_space<vmem_shared>> -> memref<10016x64xf32, #tpu.memory_space<vmem_shared>>
      tpu.wait_indirect_dma semaphore(%run_scoped3A_338 : memref<!tpu.dma_semaphore, #tpu.memory_space<semaphore_mem>>) src(%arg12 : memref<128x64xf32, #tpu.memory_space<vmem>>) dst(%dma_wait3A_350 : memref<10016x64xf32, #tpu.memory_space<vmem_shared>>)
      tpu.yield
    }) : () -> ()
    %run_scoped3A_275 = arith.constant 152 : i32
    "tpu.region"() ({
      %run_scoped3A_338 = tpu.sem_alloc : memref<!tpu.dma_semaphore, #tpu.memory_space<semaphore_mem>>
      %dma_start3A_339 = arith.constant 0 : i32
      %dma_start3A_340 = tpu.memref_slice %arg9[%run_scoped3A_275, %dma_start3A_339] : memref<157x128xi32, #tpu.memory_space<vmem>> -> memref<1x128xi32, #tpu.memory_space<vmem>>
      %dma_start3A_341 = tpu.memref_squeeze %dma_start3A_340 : memref<1x128xi32, #tpu.memory_space<vmem>> -> memref<128xi32, #tpu.memory_space<vmem>>
      %dma_start3A_342 = arith.constant 0 : i32
      %dma_start3A_343 = tpu.memref_slice %arg24[%dma_start3A_342] : memref<10016xf32, #tpu.memory_space<vmem_shared>> -> memref<10016xf32, #tpu.memory_space<vmem_shared>>
      tpu.enqueue_indirect_dma source(%arg23 : memref<128xf32, #tpu.memory_space<vmem>>) target(%dma_start3A_343 : memref<10016xf32, #tpu.memory_space<vmem_shared>>) offsets(%dma_start3A_341 : memref<128xi32, #tpu.memory_space<vmem>>) semaphore(%run_scoped3A_338 : memref<!tpu.dma_semaphore, #tpu.memory_space<semaphore_mem>>) {add = true}
      %dma_wait3A_344 = arith.constant 0 : i32
      %dma_wait3A_345 = tpu.memref_slice %arg9[%run_scoped3A_275, %dma_wait3A_344] : memref<157x128xi32, #tpu.memory_space<vmem>> -> memref<1x128xi32, #tpu.memory_space<vmem>>
      %dma_wait3A_346 = tpu.memref_squeeze %dma_wait3A_345 : memref<1x128xi32, #tpu.memory_space<vmem>> -> memref<128xi32, #tpu.memory_space<vmem>>
      %dma_wait3A_347 = arith.constant 0 : i32
      %dma_wait3A_348 = tpu.memref_slice %arg24[%dma_wait3A_347] : memref<10016xf32, #tpu.memory_space<vmem_shared>> -> memref<10016xf32, #tpu.memory_space<vmem_shared>>
      tpu.wait_indirect_dma semaphore(%run_scoped3A_338 : memref<!tpu.dma_semaphore, #tpu.memory_space<semaphore_mem>>) src(%arg23 : memref<128xf32, #tpu.memory_space<vmem>>) dst(%dma_wait3A_348 : memref<10016xf32, #tpu.memory_space<vmem_shared>>)
      tpu.yield
    }) : () -> ()
    %dma_wait3A_276 = arith.constant 153 : i32
    %dma_wait3A_277 = arith.constant 0 : i32
    %dma_wait3A_278 = tpu.memref_slice %arg8[%dma_wait3A_276, %dma_wait3A_277] : memref<157x128xi32, #tpu.memory_space<vmem>> -> memref<1x128xi32, #tpu.memory_space<vmem>>
    %dma_wait3A_279 = tpu.memref_squeeze %dma_wait3A_278 : memref<1x128xi32, #tpu.memory_space<vmem>> -> memref<128xi32, #tpu.memory_space<vmem>>
    %dma_wait3A_280 = arith.constant 0 : i32
    %dma_wait3A_281 = arith.constant 0 : i32
    %dma_wait3A_282 = tpu.memref_slice %arg2[%arg0, %dma_wait3A_280, %dma_wait3A_281] : memref<2x10000x64xf32, #tpu.memory_space<hbm>> -> memref<1x10000x64xf32, #tpu.memory_space<hbm>>
    %dma_wait3A_283 = tpu.memref_squeeze %dma_wait3A_282 : memref<1x10000x64xf32, #tpu.memory_space<hbm>> -> memref<10000x64xf32, #tpu.memory_space<hbm>>
    %dma_wait3A_284 = arith.constant 0 : i32
    %dma_wait3A_285 = arith.constant 0 : i32
    %dma_wait3A_286 = tpu.memref_slice %dma_wait3A_283[%dma_wait3A_284, %dma_wait3A_285] : memref<10000x64xf32, #tpu.memory_space<hbm>> -> memref<10000x64xf32, #tpu.memory_space<hbm>>
    tpu.wait_indirect_dma semaphore(%arg20 : memref<!tpu.dma_semaphore, #tpu.memory_space<semaphore_mem>>) src(%dma_wait3A_286 : memref<10000x64xf32, #tpu.memory_space<hbm>>) dst(%arg13 : memref<128x64xf32, #tpu.memory_space<vmem>>)
    %run_scoped3A_287 = arith.constant 153 : i32
    "tpu.region"() ({
      %run_scoped3A_338 = tpu.sem_alloc : memref<!tpu.dma_semaphore, #tpu.memory_space<semaphore_mem>>
      %dma_start3A_339 = arith.constant 0 : i32
      %dma_start3A_340 = tpu.memref_slice %arg9[%run_scoped3A_287, %dma_start3A_339] : memref<157x128xi32, #tpu.memory_space<vmem>> -> memref<1x128xi32, #tpu.memory_space<vmem>>
      %dma_start3A_341 = tpu.memref_squeeze %dma_start3A_340 : memref<1x128xi32, #tpu.memory_space<vmem>> -> memref<128xi32, #tpu.memory_space<vmem>>
      %dma_start3A_342 = arith.constant 0 : i32
      %dma_start3A_343 = arith.constant 0 : i32
      %dma_start3A_344 = tpu.memref_slice %arg16[%dma_start3A_342, %dma_start3A_343] : memref<10016x64xf32, #tpu.memory_space<vmem_shared>> -> memref<10016x64xf32, #tpu.memory_space<vmem_shared>>
      tpu.enqueue_indirect_dma source(%arg13 : memref<128x64xf32, #tpu.memory_space<vmem>>) target(%dma_start3A_344 : memref<10016x64xf32, #tpu.memory_space<vmem_shared>>) offsets(%dma_start3A_341 : memref<128xi32, #tpu.memory_space<vmem>>) semaphore(%run_scoped3A_338 : memref<!tpu.dma_semaphore, #tpu.memory_space<semaphore_mem>>) {add = true}
      %dma_wait3A_345 = arith.constant 0 : i32
      %dma_wait3A_346 = tpu.memref_slice %arg9[%run_scoped3A_287, %dma_wait3A_345] : memref<157x128xi32, #tpu.memory_space<vmem>> -> memref<1x128xi32, #tpu.memory_space<vmem>>
      %dma_wait3A_347 = tpu.memref_squeeze %dma_wait3A_346 : memref<1x128xi32, #tpu.memory_space<vmem>> -> memref<128xi32, #tpu.memory_space<vmem>>
      %dma_wait3A_348 = arith.constant 0 : i32
      %dma_wait3A_349 = arith.constant 0 : i32
      %dma_wait3A_350 = tpu.memref_slice %arg16[%dma_wait3A_348, %dma_wait3A_349] : memref<10016x64xf32, #tpu.memory_space<vmem_shared>> -> memref<10016x64xf32, #tpu.memory_space<vmem_shared>>
      tpu.wait_indirect_dma semaphore(%run_scoped3A_338 : memref<!tpu.dma_semaphore, #tpu.memory_space<semaphore_mem>>) src(%arg13 : memref<128x64xf32, #tpu.memory_space<vmem>>) dst(%dma_wait3A_350 : memref<10016x64xf32, #tpu.memory_space<vmem_shared>>)
      tpu.yield
    }) : () -> ()
    %run_scoped3A_288 = arith.constant 153 : i32
    "tpu.region"() ({
      %run_scoped3A_338 = tpu.sem_alloc : memref<!tpu.dma_semaphore, #tpu.memory_space<semaphore_mem>>
      %dma_start3A_339 = arith.constant 0 : i32
      %dma_start3A_340 = tpu.memref_slice %arg9[%run_scoped3A_288, %dma_start3A_339] : memref<157x128xi32, #tpu.memory_space<vmem>> -> memref<1x128xi32, #tpu.memory_space<vmem>>
      %dma_start3A_341 = tpu.memref_squeeze %dma_start3A_340 : memref<1x128xi32, #tpu.memory_space<vmem>> -> memref<128xi32, #tpu.memory_space<vmem>>
      %dma_start3A_342 = arith.constant 0 : i32
      %dma_start3A_343 = tpu.memref_slice %arg24[%dma_start3A_342] : memref<10016xf32, #tpu.memory_space<vmem_shared>> -> memref<10016xf32, #tpu.memory_space<vmem_shared>>
      tpu.enqueue_indirect_dma source(%arg23 : memref<128xf32, #tpu.memory_space<vmem>>) target(%dma_start3A_343 : memref<10016xf32, #tpu.memory_space<vmem_shared>>) offsets(%dma_start3A_341 : memref<128xi32, #tpu.memory_space<vmem>>) semaphore(%run_scoped3A_338 : memref<!tpu.dma_semaphore, #tpu.memory_space<semaphore_mem>>) {add = true}
      %dma_wait3A_344 = arith.constant 0 : i32
      %dma_wait3A_345 = tpu.memref_slice %arg9[%run_scoped3A_288, %dma_wait3A_344] : memref<157x128xi32, #tpu.memory_space<vmem>> -> memref<1x128xi32, #tpu.memory_space<vmem>>
      %dma_wait3A_346 = tpu.memref_squeeze %dma_wait3A_345 : memref<1x128xi32, #tpu.memory_space<vmem>> -> memref<128xi32, #tpu.memory_space<vmem>>
      %dma_wait3A_347 = arith.constant 0 : i32
      %dma_wait3A_348 = tpu.memref_slice %arg24[%dma_wait3A_347] : memref<10016xf32, #tpu.memory_space<vmem_shared>> -> memref<10016xf32, #tpu.memory_space<vmem_shared>>
      tpu.wait_indirect_dma semaphore(%run_scoped3A_338 : memref<!tpu.dma_semaphore, #tpu.memory_space<semaphore_mem>>) src(%arg23 : memref<128xf32, #tpu.memory_space<vmem>>) dst(%dma_wait3A_348 : memref<10016xf32, #tpu.memory_space<vmem_shared>>)
      tpu.yield
    }) : () -> ()
    %dma_wait3A_289 = arith.constant 154 : i32
    %dma_wait3A_290 = arith.constant 0 : i32
    %dma_wait3A_291 = tpu.memref_slice %arg8[%dma_wait3A_289, %dma_wait3A_290] : memref<157x128xi32, #tpu.memory_space<vmem>> -> memref<1x128xi32, #tpu.memory_space<vmem>>
    %dma_wait3A_292 = tpu.memref_squeeze %dma_wait3A_291 : memref<1x128xi32, #tpu.memory_space<vmem>> -> memref<128xi32, #tpu.memory_space<vmem>>
    %dma_wait3A_293 = arith.constant 0 : i32
    %dma_wait3A_294 = arith.constant 0 : i32
    %dma_wait3A_295 = tpu.memref_slice %arg2[%arg0, %dma_wait3A_293, %dma_wait3A_294] : memref<2x10000x64xf32, #tpu.memory_space<hbm>> -> memref<1x10000x64xf32, #tpu.memory_space<hbm>>
    %dma_wait3A_296 = tpu.memref_squeeze %dma_wait3A_295 : memref<1x10000x64xf32, #tpu.memory_space<hbm>> -> memref<10000x64xf32, #tpu.memory_space<hbm>>
    %dma_wait3A_297 = arith.constant 0 : i32
    %dma_wait3A_298 = arith.constant 0 : i32
    %dma_wait3A_299 = tpu.memref_slice %dma_wait3A_296[%dma_wait3A_297, %dma_wait3A_298] : memref<10000x64xf32, #tpu.memory_space<hbm>> -> memref<10000x64xf32, #tpu.memory_space<hbm>>
    tpu.wait_indirect_dma semaphore(%arg21 : memref<!tpu.dma_semaphore, #tpu.memory_space<semaphore_mem>>) src(%dma_wait3A_299 : memref<10000x64xf32, #tpu.memory_space<hbm>>) dst(%arg14 : memref<128x64xf32, #tpu.memory_space<vmem>>)
    %run_scoped3A_300 = arith.constant 154 : i32
    "tpu.region"() ({
      %run_scoped3A_338 = tpu.sem_alloc : memref<!tpu.dma_semaphore, #tpu.memory_space<semaphore_mem>>
      %dma_start3A_339 = arith.constant 0 : i32
      %dma_start3A_340 = tpu.memref_slice %arg9[%run_scoped3A_300, %dma_start3A_339] : memref<157x128xi32, #tpu.memory_space<vmem>> -> memref<1x128xi32, #tpu.memory_space<vmem>>
      %dma_start3A_341 = tpu.memref_squeeze %dma_start3A_340 : memref<1x128xi32, #tpu.memory_space<vmem>> -> memref<128xi32, #tpu.memory_space<vmem>>
      %dma_start3A_342 = arith.constant 0 : i32
      %dma_start3A_343 = arith.constant 0 : i32
      %dma_start3A_344 = tpu.memref_slice %arg16[%dma_start3A_342, %dma_start3A_343] : memref<10016x64xf32, #tpu.memory_space<vmem_shared>> -> memref<10016x64xf32, #tpu.memory_space<vmem_shared>>
      tpu.enqueue_indirect_dma source(%arg14 : memref<128x64xf32, #tpu.memory_space<vmem>>) target(%dma_start3A_344 : memref<10016x64xf32, #tpu.memory_space<vmem_shared>>) offsets(%dma_start3A_341 : memref<128xi32, #tpu.memory_space<vmem>>) semaphore(%run_scoped3A_338 : memref<!tpu.dma_semaphore, #tpu.memory_space<semaphore_mem>>) {add = true}
      %dma_wait3A_345 = arith.constant 0 : i32
      %dma_wait3A_346 = tpu.memref_slice %arg9[%run_scoped3A_300, %dma_wait3A_345] : memref<157x128xi32, #tpu.memory_space<vmem>> -> memref<1x128xi32, #tpu.memory_space<vmem>>
      %dma_wait3A_347 = tpu.memref_squeeze %dma_wait3A_346 : memref<1x128xi32, #tpu.memory_space<vmem>> -> memref<128xi32, #tpu.memory_space<vmem>>
      %dma_wait3A_348 = arith.constant 0 : i32
      %dma_wait3A_349 = arith.constant 0 : i32
      %dma_wait3A_350 = tpu.memref_slice %arg16[%dma_wait3A_348, %dma_wait3A_349] : memref<10016x64xf32, #tpu.memory_space<vmem_shared>> -> memref<10016x64xf32, #tpu.memory_space<vmem_shared>>
      tpu.wait_indirect_dma semaphore(%run_scoped3A_338 : memref<!tpu.dma_semaphore, #tpu.memory_space<semaphore_mem>>) src(%arg14 : memref<128x64xf32, #tpu.memory_space<vmem>>) dst(%dma_wait3A_350 : memref<10016x64xf32, #tpu.memory_space<vmem_shared>>)
      tpu.yield
    }) : () -> ()
    %run_scoped3A_301 = arith.constant 154 : i32
    "tpu.region"() ({
      %run_scoped3A_338 = tpu.sem_alloc : memref<!tpu.dma_semaphore, #tpu.memory_space<semaphore_mem>>
      %dma_start3A_339 = arith.constant 0 : i32
      %dma_start3A_340 = tpu.memref_slice %arg9[%run_scoped3A_301, %dma_start3A_339] : memref<157x128xi32, #tpu.memory_space<vmem>> -> memref<1x128xi32, #tpu.memory_space<vmem>>
      %dma_start3A_341 = tpu.memref_squeeze %dma_start3A_340 : memref<1x128xi32, #tpu.memory_space<vmem>> -> memref<128xi32, #tpu.memory_space<vmem>>
      %dma_start3A_342 = arith.constant 0 : i32
      %dma_start3A_343 = tpu.memref_slice %arg24[%dma_start3A_342] : memref<10016xf32, #tpu.memory_space<vmem_shared>> -> memref<10016xf32, #tpu.memory_space<vmem_shared>>
      tpu.enqueue_indirect_dma source(%arg23 : memref<128xf32, #tpu.memory_space<vmem>>) target(%dma_start3A_343 : memref<10016xf32, #tpu.memory_space<vmem_shared>>) offsets(%dma_start3A_341 : memref<128xi32, #tpu.memory_space<vmem>>) semaphore(%run_scoped3A_338 : memref<!tpu.dma_semaphore, #tpu.memory_space<semaphore_mem>>) {add = true}
      %dma_wait3A_344 = arith.constant 0 : i32
      %dma_wait3A_345 = tpu.memref_slice %arg9[%run_scoped3A_301, %dma_wait3A_344] : memref<157x128xi32, #tpu.memory_space<vmem>> -> memref<1x128xi32, #tpu.memory_space<vmem>>
      %dma_wait3A_346 = tpu.memref_squeeze %dma_wait3A_345 : memref<1x128xi32, #tpu.memory_space<vmem>> -> memref<128xi32, #tpu.memory_space<vmem>>
      %dma_wait3A_347 = arith.constant 0 : i32
      %dma_wait3A_348 = tpu.memref_slice %arg24[%dma_wait3A_347] : memref<10016xf32, #tpu.memory_space<vmem_shared>> -> memref<10016xf32, #tpu.memory_space<vmem_shared>>
      tpu.wait_indirect_dma semaphore(%run_scoped3A_338 : memref<!tpu.dma_semaphore, #tpu.memory_space<semaphore_mem>>) src(%arg23 : memref<128xf32, #tpu.memory_space<vmem>>) dst(%dma_wait3A_348 : memref<10016xf32, #tpu.memory_space<vmem_shared>>)
      tpu.yield
    }) : () -> ()
    %dma_wait3A_302 = arith.constant 155 : i32
    %dma_wait3A_303 = arith.constant 0 : i32
    %dma_wait3A_304 = tpu.memref_slice %arg8[%dma_wait3A_302, %dma_wait3A_303] : memref<157x128xi32, #tpu.memory_space<vmem>> -> memref<1x128xi32, #tpu.memory_space<vmem>>
    %dma_wait3A_305 = tpu.memref_squeeze %dma_wait3A_304 : memref<1x128xi32, #tpu.memory_space<vmem>> -> memref<128xi32, #tpu.memory_space<vmem>>
    %dma_wait3A_306 = arith.constant 0 : i32
    %dma_wait3A_307 = arith.constant 0 : i32
    %dma_wait3A_308 = tpu.memref_slice %arg2[%arg0, %dma_wait3A_306, %dma_wait3A_307] : memref<2x10000x64xf32, #tpu.memory_space<hbm>> -> memref<1x10000x64xf32, #tpu.memory_space<hbm>>
    %dma_wait3A_309 = tpu.memref_squeeze %dma_wait3A_308 : memref<1x10000x64xf32, #tpu.memory_space<hbm>> -> memref<10000x64xf32, #tpu.memory_space<hbm>>
    %dma_wait3A_310 = arith.constant 0 : i32
    %dma_wait3A_311 = arith.constant 0 : i32
    %dma_wait3A_312 = tpu.memref_slice %dma_wait3A_309[%dma_wait3A_310, %dma_wait3A_311] : memref<10000x64xf32, #tpu.memory_space<hbm>> -> memref<10000x64xf32, #tpu.memory_space<hbm>>
    tpu.wait_indirect_dma semaphore(%arg22 : memref<!tpu.dma_semaphore, #tpu.memory_space<semaphore_mem>>) src(%dma_wait3A_312 : memref<10000x64xf32, #tpu.memory_space<hbm>>) dst(%arg15 : memref<128x64xf32, #tpu.memory_space<vmem>>)
    %run_scoped3A_313 = arith.constant 155 : i32
    "tpu.region"() ({
      %run_scoped3A_338 = tpu.sem_alloc : memref<!tpu.dma_semaphore, #tpu.memory_space<semaphore_mem>>
      %dma_start3A_339 = arith.constant 0 : i32
      %dma_start3A_340 = tpu.memref_slice %arg9[%run_scoped3A_313, %dma_start3A_339] : memref<157x128xi32, #tpu.memory_space<vmem>> -> memref<1x128xi32, #tpu.memory_space<vmem>>
      %dma_start3A_341 = tpu.memref_squeeze %dma_start3A_340 : memref<1x128xi32, #tpu.memory_space<vmem>> -> memref<128xi32, #tpu.memory_space<vmem>>
      %dma_start3A_342 = arith.constant 0 : i32
      %dma_start3A_343 = arith.constant 0 : i32
      %dma_start3A_344 = tpu.memref_slice %arg16[%dma_start3A_342, %dma_start3A_343] : memref<10016x64xf32, #tpu.memory_space<vmem_shared>> -> memref<10016x64xf32, #tpu.memory_space<vmem_shared>>
      tpu.enqueue_indirect_dma source(%arg15 : memref<128x64xf32, #tpu.memory_space<vmem>>) target(%dma_start3A_344 : memref<10016x64xf32, #tpu.memory_space<vmem_shared>>) offsets(%dma_start3A_341 : memref<128xi32, #tpu.memory_space<vmem>>) semaphore(%run_scoped3A_338 : memref<!tpu.dma_semaphore, #tpu.memory_space<semaphore_mem>>) {add = true}
      %dma_wait3A_345 = arith.constant 0 : i32
      %dma_wait3A_346 = tpu.memref_slice %arg9[%run_scoped3A_313, %dma_wait3A_345] : memref<157x128xi32, #tpu.memory_space<vmem>> -> memref<1x128xi32, #tpu.memory_space<vmem>>
      %dma_wait3A_347 = tpu.memref_squeeze %dma_wait3A_346 : memref<1x128xi32, #tpu.memory_space<vmem>> -> memref<128xi32, #tpu.memory_space<vmem>>
      %dma_wait3A_348 = arith.constant 0 : i32
      %dma_wait3A_349 = arith.constant 0 : i32
      %dma_wait3A_350 = tpu.memref_slice %arg16[%dma_wait3A_348, %dma_wait3A_349] : memref<10016x64xf32, #tpu.memory_space<vmem_shared>> -> memref<10016x64xf32, #tpu.memory_space<vmem_shared>>
      tpu.wait_indirect_dma semaphore(%run_scoped3A_338 : memref<!tpu.dma_semaphore, #tpu.memory_space<semaphore_mem>>) src(%arg15 : memref<128x64xf32, #tpu.memory_space<vmem>>) dst(%dma_wait3A_350 : memref<10016x64xf32, #tpu.memory_space<vmem_shared>>)
      tpu.yield
    }) : () -> ()
    %run_scoped3A_314 = arith.constant 155 : i32
    "tpu.region"() ({
      %run_scoped3A_338 = tpu.sem_alloc : memref<!tpu.dma_semaphore, #tpu.memory_space<semaphore_mem>>
      %dma_start3A_339 = arith.constant 0 : i32
      %dma_start3A_340 = tpu.memref_slice %arg9[%run_scoped3A_314, %dma_start3A_339] : memref<157x128xi32, #tpu.memory_space<vmem>> -> memref<1x128xi32, #tpu.memory_space<vmem>>
      %dma_start3A_341 = tpu.memref_squeeze %dma_start3A_340 : memref<1x128xi32, #tpu.memory_space<vmem>> -> memref<128xi32, #tpu.memory_space<vmem>>
      %dma_start3A_342 = arith.constant 0 : i32
      %dma_start3A_343 = tpu.memref_slice %arg24[%dma_start3A_342] : memref<10016xf32, #tpu.memory_space<vmem_shared>> -> memref<10016xf32, #tpu.memory_space<vmem_shared>>
      tpu.enqueue_indirect_dma source(%arg23 : memref<128xf32, #tpu.memory_space<vmem>>) target(%dma_start3A_343 : memref<10016xf32, #tpu.memory_space<vmem_shared>>) offsets(%dma_start3A_341 : memref<128xi32, #tpu.memory_space<vmem>>) semaphore(%run_scoped3A_338 : memref<!tpu.dma_semaphore, #tpu.memory_space<semaphore_mem>>) {add = true}
      %dma_wait3A_344 = arith.constant 0 : i32
      %dma_wait3A_345 = tpu.memref_slice %arg9[%run_scoped3A_314, %dma_wait3A_344] : memref<157x128xi32, #tpu.memory_space<vmem>> -> memref<1x128xi32, #tpu.memory_space<vmem>>
      %dma_wait3A_346 = tpu.memref_squeeze %dma_wait3A_345 : memref<1x128xi32, #tpu.memory_space<vmem>> -> memref<128xi32, #tpu.memory_space<vmem>>
      %dma_wait3A_347 = arith.constant 0 : i32
      %dma_wait3A_348 = tpu.memref_slice %arg24[%dma_wait3A_347] : memref<10016xf32, #tpu.memory_space<vmem_shared>> -> memref<10016xf32, #tpu.memory_space<vmem_shared>>
      tpu.wait_indirect_dma semaphore(%run_scoped3A_338 : memref<!tpu.dma_semaphore, #tpu.memory_space<semaphore_mem>>) src(%arg23 : memref<128xf32, #tpu.memory_space<vmem>>) dst(%dma_wait3A_348 : memref<10016xf32, #tpu.memory_space<vmem_shared>>)
      tpu.yield
    }) : () -> ()
    %dma_wait3A_315 = arith.constant 156 : i32
    %dma_wait3A_316 = arith.constant 0 : i32
    %dma_wait3A_317 = tpu.memref_slice %arg8[%dma_wait3A_315, %dma_wait3A_316] : memref<157x128xi32, #tpu.memory_space<vmem>> -> memref<1x128xi32, #tpu.memory_space<vmem>>
    %dma_wait3A_318 = tpu.memref_squeeze %dma_wait3A_317 : memref<1x128xi32, #tpu.memory_space<vmem>> -> memref<128xi32, #tpu.memory_space<vmem>>
    %dma_wait3A_319 = arith.constant 0 : i32
    %dma_wait3A_320 = arith.constant 0 : i32
    %dma_wait3A_321 = tpu.memref_slice %arg2[%arg0, %dma_wait3A_319, %dma_wait3A_320] : memref<2x10000x64xf32, #tpu.memory_space<hbm>> -> memref<1x10000x64xf32, #tpu.memory_space<hbm>>
    %dma_wait3A_322 = tpu.memref_squeeze %dma_wait3A_321 : memref<1x10000x64xf32, #tpu.memory_space<hbm>> -> memref<10000x64xf32, #tpu.memory_space<hbm>>
    %dma_wait3A_323 = arith.constant 0 : i32
    %dma_wait3A_324 = arith.constant 0 : i32
    %dma_wait3A_325 = tpu.memref_slice %dma_wait3A_322[%dma_wait3A_323, %dma_wait3A_324] : memref<10000x64xf32, #tpu.memory_space<hbm>> -> memref<10000x64xf32, #tpu.memory_space<hbm>>
    tpu.wait_indirect_dma semaphore(%arg17 : memref<!tpu.dma_semaphore, #tpu.memory_space<semaphore_mem>>) src(%dma_wait3A_325 : memref<10000x64xf32, #tpu.memory_space<hbm>>) dst(%arg10 : memref<128x64xf32, #tpu.memory_space<vmem>>)
    %run_scoped3A_326 = arith.constant 156 : i32
    "tpu.region"() ({
      %run_scoped3A_338 = tpu.sem_alloc : memref<!tpu.dma_semaphore, #tpu.memory_space<semaphore_mem>>
      %dma_start3A_339 = arith.constant 0 : i32
      %dma_start3A_340 = tpu.memref_slice %arg9[%run_scoped3A_326, %dma_start3A_339] : memref<157x128xi32, #tpu.memory_space<vmem>> -> memref<1x128xi32, #tpu.memory_space<vmem>>
      %dma_start3A_341 = tpu.memref_squeeze %dma_start3A_340 : memref<1x128xi32, #tpu.memory_space<vmem>> -> memref<128xi32, #tpu.memory_space<vmem>>
      %dma_start3A_342 = arith.constant 0 : i32
      %dma_start3A_343 = arith.constant 0 : i32
      %dma_start3A_344 = tpu.memref_slice %arg16[%dma_start3A_342, %dma_start3A_343] : memref<10016x64xf32, #tpu.memory_space<vmem_shared>> -> memref<10016x64xf32, #tpu.memory_space<vmem_shared>>
      tpu.enqueue_indirect_dma source(%arg10 : memref<128x64xf32, #tpu.memory_space<vmem>>) target(%dma_start3A_344 : memref<10016x64xf32, #tpu.memory_space<vmem_shared>>) offsets(%dma_start3A_341 : memref<128xi32, #tpu.memory_space<vmem>>) semaphore(%run_scoped3A_338 : memref<!tpu.dma_semaphore, #tpu.memory_space<semaphore_mem>>) {add = true}
      %dma_wait3A_345 = arith.constant 0 : i32
      %dma_wait3A_346 = tpu.memref_slice %arg9[%run_scoped3A_326, %dma_wait3A_345] : memref<157x128xi32, #tpu.memory_space<vmem>> -> memref<1x128xi32, #tpu.memory_space<vmem>>
      %dma_wait3A_347 = tpu.memref_squeeze %dma_wait3A_346 : memref<1x128xi32, #tpu.memory_space<vmem>> -> memref<128xi32, #tpu.memory_space<vmem>>
      %dma_wait3A_348 = arith.constant 0 : i32
      %dma_wait3A_349 = arith.constant 0 : i32
      %dma_wait3A_350 = tpu.memref_slice %arg16[%dma_wait3A_348, %dma_wait3A_349] : memref<10016x64xf32, #tpu.memory_space<vmem_shared>> -> memref<10016x64xf32, #tpu.memory_space<vmem_shared>>
      tpu.wait_indirect_dma semaphore(%run_scoped3A_338 : memref<!tpu.dma_semaphore, #tpu.memory_space<semaphore_mem>>) src(%arg10 : memref<128x64xf32, #tpu.memory_space<vmem>>) dst(%dma_wait3A_350 : memref<10016x64xf32, #tpu.memory_space<vmem_shared>>)
      tpu.yield
    }) : () -> ()
    %run_scoped3A_327 = arith.constant 156 : i32
    "tpu.region"() ({
      %run_scoped3A_338 = tpu.sem_alloc : memref<!tpu.dma_semaphore, #tpu.memory_space<semaphore_mem>>
      %dma_start3A_339 = arith.constant 0 : i32
      %dma_start3A_340 = tpu.memref_slice %arg9[%run_scoped3A_327, %dma_start3A_339] : memref<157x128xi32, #tpu.memory_space<vmem>> -> memref<1x128xi32, #tpu.memory_space<vmem>>
      %dma_start3A_341 = tpu.memref_squeeze %dma_start3A_340 : memref<1x128xi32, #tpu.memory_space<vmem>> -> memref<128xi32, #tpu.memory_space<vmem>>
      %dma_start3A_342 = arith.constant 0 : i32
      %dma_start3A_343 = tpu.memref_slice %arg24[%dma_start3A_342] : memref<10016xf32, #tpu.memory_space<vmem_shared>> -> memref<10016xf32, #tpu.memory_space<vmem_shared>>
      tpu.enqueue_indirect_dma source(%arg23 : memref<128xf32, #tpu.memory_space<vmem>>) target(%dma_start3A_343 : memref<10016xf32, #tpu.memory_space<vmem_shared>>) offsets(%dma_start3A_341 : memref<128xi32, #tpu.memory_space<vmem>>) semaphore(%run_scoped3A_338 : memref<!tpu.dma_semaphore, #tpu.memory_space<semaphore_mem>>) {add = true}
      %dma_wait3A_344 = arith.constant 0 : i32
      %dma_wait3A_345 = tpu.memref_slice %arg9[%run_scoped3A_327, %dma_wait3A_344] : memref<157x128xi32, #tpu.memory_space<vmem>> -> memref<1x128xi32, #tpu.memory_space<vmem>>
      %dma_wait3A_346 = tpu.memref_squeeze %dma_wait3A_345 : memref<1x128xi32, #tpu.memory_space<vmem>> -> memref<128xi32, #tpu.memory_space<vmem>>
      %dma_wait3A_347 = arith.constant 0 : i32
      %dma_wait3A_348 = tpu.memref_slice %arg24[%dma_wait3A_347] : memref<10016xf32, #tpu.memory_space<vmem_shared>> -> memref<10016xf32, #tpu.memory_space<vmem_shared>>
      tpu.wait_indirect_dma semaphore(%run_scoped3A_338 : memref<!tpu.dma_semaphore, #tpu.memory_space<semaphore_mem>>) src(%arg23 : memref<128xf32, #tpu.memory_space<vmem>>) dst(%dma_wait3A_348 : memref<10016xf32, #tpu.memory_space<vmem_shared>>)
      tpu.yield
    }) : () -> ()
    %barrier3A_328 = arith.constant 0 : index
    tpu.barrier barrier_id(%barrier3A_328)
    %mul3A_329 = arith.constant 64 : i32
    %mul3A_330 = arith.muli %arg0, %mul3A_329 : i32
    "tpu.region"() ({
      %run_scoped3A_338 = tpu.sem_alloc : memref<!tpu.dma_semaphore, #tpu.memory_space<semaphore_mem>>
      %dma_start3A_339 = tpu.memref_slice %arg6[%mul3A_0, %mul3A_330] : memref<10000x128xf32, #tpu.memory_space<hbm>> -> memref<625x64xf32, #tpu.memory_space<hbm>>
      %dma_start3A_340 = arith.constant 0 : i32
      %dma_start3A_341 = tpu.memref_slice %arg16[%mul3A_0, %dma_start3A_340] : memref<10016x64xf32, #tpu.memory_space<vmem_shared>> -> memref<625x64xf32, #tpu.memory_space<vmem_shared>>
      tpu.enqueue_dma source(%dma_start3A_341 : memref<625x64xf32, #tpu.memory_space<vmem_shared>>) target(%dma_start3A_339 : memref<625x64xf32, #tpu.memory_space<hbm>>) target_semaphore(%run_scoped3A_338 : memref<!tpu.dma_semaphore, #tpu.memory_space<semaphore_mem>>)
      %dma_wait3A_342 = tpu.memref_slice %arg6[%mul3A_0, %mul3A_330] : memref<10000x128xf32, #tpu.memory_space<hbm>> -> memref<625x64xf32, #tpu.memory_space<hbm>>
      %dma_wait3A_343 = arith.constant 0 : i32
      %dma_wait3A_344 = tpu.memref_slice %arg16[%mul3A_0, %dma_wait3A_343] : memref<10016x64xf32, #tpu.memory_space<vmem_shared>> -> memref<625x64xf32, #tpu.memory_space<vmem_shared>>
      tpu.wait_dma2 semaphore(%run_scoped3A_338 : memref<!tpu.dma_semaphore, #tpu.memory_space<semaphore_mem>>) src(%dma_wait3A_344 : memref<625x64xf32, #tpu.memory_space<vmem_shared>>) dst(%dma_wait3A_342 : memref<625x64xf32, #tpu.memory_space<hbm>>)
      tpu.yield
    }) : () -> ()
    %eq3A_331 = arith.constant 0 : i32
    %eq3A_332 = arith.cmpi eq, %arg0, %eq3A_331 : i32
    %eq3A_333 = arith.constant 0 : i32
    %eq3A_334 = arith.cmpi eq, %arg1, %eq3A_333 : i32
    %and3A = arith.andi %eq3A_332, %eq3A_334 : i1
    %convert_element_type3A_335 = arith.extui %and3A : i1 to i32
    %cond3A_336 = arith.constant 0 : i32
    %cond3A_337 = arith.cmpi ne, %convert_element_type3A_335, %cond3A_336 : i32
    scf.if %cond3A_337 {
      "tpu.region"() ({
        %run_scoped3A_338 = tpu.sem_alloc : memref<!tpu.dma_semaphore, #tpu.memory_space<semaphore_mem>>
        %dma_start3A_339 = arith.constant 0 : i32
        %dma_start3A_340 = tpu.memref_slice %arg24[%dma_start3A_339] : memref<10016xf32, #tpu.memory_space<vmem_shared>> -> memref<10000xf32, #tpu.memory_space<vmem_shared>>
        tpu.enqueue_dma source(%dma_start3A_340 : memref<10000xf32, #tpu.memory_space<vmem_shared>>) target(%arg7 : memref<10000xf32, #tpu.memory_space<hbm>>) target_semaphore(%run_scoped3A_338 : memref<!tpu.dma_semaphore, #tpu.memory_space<semaphore_mem>>)
        %dma_wait3A_341 = arith.constant 0 : i32
        %dma_wait3A_342 = tpu.memref_slice %arg24[%dma_wait3A_341] : memref<10016xf32, #tpu.memory_space<vmem_shared>> -> memref<10000xf32, #tpu.memory_space<vmem_shared>>
        tpu.wait_dma2 semaphore(%run_scoped3A_338 : memref<!tpu.dma_semaphore, #tpu.memory_space<semaphore_mem>>) src(%dma_wait3A_342 : memref<10000xf32, #tpu.memory_space<vmem_shared>>) dst(%arg7 : memref<10000xf32, #tpu.memory_space<hbm>>)
        tpu.yield
      }) : () -> ()
    } else {
    }
    return
  }
}

module attributes {stable_mosaic.version = 14 : i64} {
  func.func @_dense1_body(%arg0: i32, %arg1: memref<2000x128xf32, #tpu.memory_space<vmem>>, %arg2: memref<2000x1xf32, #tpu.memory_space<vmem>>, %arg3: memref<2000x128xf32, #tpu.memory_space<vmem>>, %arg4: memref<128x128xf32, #tpu.memory_space<vmem>>, %arg5: memref<1x128xf32, #tpu.memory_space<vmem>>, %arg6: memref<128x128xf32, #tpu.memory_space<vmem>>, %arg7: memref<2x2000x64xf32, #tpu.memory_space<vmem>>, %arg8: memref<2000x1xf32, #tpu.memory_space<vmem>>) attributes {dimension_semantics = [#tpu.dimension_semantics<arbitrary>], iteration_bounds = array<i64: 5>, scalar_prefetch = 0 : i64, scratch_operands = 0 : i64, tpu.core_type = #tpu.core_type<tc>, window_params = [{transform_indices = @transform_0, window_bounds = array<i64: 2000, 128>}, {transform_indices = @transform_1, window_bounds = array<i64: 2000, 1>}, {transform_indices = @transform_2, window_bounds = array<i64: 2000, 128>}, {pipeline_mode = #tpu.pipeline_mode<synchronous>, transform_indices = @transform_3, window_bounds = array<i64: 128, 128>}, {pipeline_mode = #tpu.pipeline_mode<synchronous>, transform_indices = @transform_4, window_bounds = array<i64: 1, 128>}, {pipeline_mode = #tpu.pipeline_mode<synchronous>, transform_indices = @transform_5, window_bounds = array<i64: 128, 128>}, {transform_indices = @transform_6, window_bounds = array<i64: 2, 2000, 64>}, {transform_indices = @transform_7, window_bounds = array<i64: 2000, 1>}]} {
    %get3A = arith.constant 0 : index
    %get3A_0 = arith.constant 0 : index
    %get3A_1 = vector.load %arg2[%get3A, %get3A_0] : memref<2000x1xf32, #tpu.memory_space<vmem>>, vector<2000x1xf32>
    %max3A = arith.constant 1.000000e+00 : f32
    %max3A_2 = vector.broadcast %max3A : f32 to vector<2000x1xf32>
    %max3A_3 = arith.maximumf %get3A_1, %max3A_2 : vector<2000x1xf32>
    %div3A = arith.constant 1.000000e+00 : f32
    %div3A_4 = vector.broadcast %div3A : f32 to vector<2000x1xf32>
    %div3A_5 = arith.divf %div3A_4, %max3A_3 : vector<2000x1xf32>
    %get3A_6 = arith.constant 0 : index
    %get3A_7 = arith.constant 0 : index
    %get3A_8 = vector.load %arg1[%get3A_6, %get3A_7] : memref<2000x128xf32, #tpu.memory_space<vmem>>, vector<2000x128xf32>
    %mul3A = vector.broadcast %div3A_5 : vector<2000x1xf32> to vector<2000x128xf32>
    %mul3A_9 = arith.mulf %get3A_8, %mul3A : vector<2000x128xf32>
    %get3A_10 = arith.constant 0 : index
    %get3A_11 = arith.constant 0 : index
    %get3A_12 = vector.load %arg4[%get3A_10, %get3A_11] : memref<128x128xf32, #tpu.memory_space<vmem>>, vector<128x128xf32>
    %dot_general3A = arith.constant dense<0.000000e+00> : vector<2000x128xf32>
    %dot_general3A_13 = tpu.matmul %mul3A_9, %get3A_12, %dot_general3A {dimension_numbers = #tpu.dot_dimension_numbers<[1], [0], [0], [1], [0, 0, 1, 1], [], []>, transpose_lhs_hint = false} : vector<2000x128xf32>, vector<128x128xf32>, vector<2000x128xf32> -> vector<2000x128xf32>
    %get3A_14 = arith.constant 0 : index
    %get3A_15 = arith.constant 0 : index
    %get3A_16 = vector.load %arg5[%get3A_14, %get3A_15] : memref<1x128xf32, #tpu.memory_space<vmem>>, vector<1x128xf32>
    %add3A = vector.broadcast %get3A_16 : vector<1x128xf32> to vector<2000x128xf32>
    %add3A_17 = arith.addf %dot_general3A_13, %add3A : vector<2000x128xf32>
    %get3A_18 = arith.constant 0 : index
    %get3A_19 = arith.constant 0 : index
    %get3A_20 = vector.load %arg3[%get3A_18, %get3A_19] : memref<2000x128xf32, #tpu.memory_space<vmem>>, vector<2000x128xf32>
    %get3A_21 = arith.constant 0 : index
    %get3A_22 = arith.constant 0 : index
    %get3A_23 = vector.load %arg6[%get3A_21, %get3A_22] : memref<128x128xf32, #tpu.memory_space<vmem>>, vector<128x128xf32>
    %dot_general3A_24 = arith.constant dense<0.000000e+00> : vector<2000x128xf32>
    %dot_general3A_25 = tpu.matmul %get3A_20, %get3A_23, %dot_general3A_24 {dimension_numbers = #tpu.dot_dimension_numbers<[1], [0], [0], [1], [0, 0, 1, 1], [], []>, transpose_lhs_hint = false} : vector<2000x128xf32>, vector<128x128xf32>, vector<2000x128xf32> -> vector<2000x128xf32>
    %add3A_26 = arith.addf %add3A_17, %dot_general3A_25 : vector<2000x128xf32>
    %max3A_27 = arith.constant 0.000000e+00 : f32
    %max3A_28 = vector.broadcast %max3A_27 : f32 to vector<2000x128xf32>
    %max3A_29 = arith.maximumf %add3A_26, %max3A_28 : vector<2000x128xf32>
    %slice3A = vector.extract_strided_slice %max3A_29 {offsets = [0, 0], sizes = [2000, 64], strides = [1, 1]} : vector<2000x128xf32> to vector<2000x64xf32>
    %swap3A = arith.constant 0 : index
    %swap3A_30 = arith.constant 0 : index
    %swap3A_31 = arith.constant 0 : index
    %swap3A_32 = vector.load %arg7[%swap3A, %swap3A_30, %swap3A_31] : memref<2x2000x64xf32, #tpu.memory_space<vmem>>, vector<1x2000x64xf32>
    %swap3A_33 = vector.shape_cast %swap3A_32 : vector<1x2000x64xf32> to vector<2000x64xf32>
    %swap3A_34 = vector.shape_cast %slice3A : vector<2000x64xf32> to vector<1x2000x64xf32>
    tpu.vector_store %arg7[%swap3A, %swap3A_30, %swap3A_31], %swap3A_34 {strides = array<i32>} : memref<2x2000x64xf32, #tpu.memory_space<vmem>>, vector<1x2000x64xf32>,
    %slice3A_35 = vector.extract_strided_slice %max3A_29 {offsets = [0, 64], sizes = [2000, 64], strides = [1, 1]} : vector<2000x128xf32> to vector<2000x64xf32>
    %swap3A_36 = arith.constant 1 : index
    %swap3A_37 = arith.constant 0 : index
    %swap3A_38 = arith.constant 0 : index
    %swap3A_39 = vector.load %arg7[%swap3A_36, %swap3A_37, %swap3A_38] : memref<2x2000x64xf32, #tpu.memory_space<vmem>>, vector<1x2000x64xf32>
    %swap3A_40 = vector.shape_cast %swap3A_39 : vector<1x2000x64xf32> to vector<2000x64xf32>
    %swap3A_41 = vector.shape_cast %slice3A_35 : vector<2000x64xf32> to vector<1x2000x64xf32>
    tpu.vector_store %arg7[%swap3A_36, %swap3A_37, %swap3A_38], %swap3A_41 {strides = array<i32>} : memref<2x2000x64xf32, #tpu.memory_space<vmem>>, vector<1x2000x64xf32>,
    %swap3A_42 = arith.constant 0 : index
    %swap3A_43 = arith.constant 0 : index
    %swap3A_44 = vector.load %arg8[%swap3A_42, %swap3A_43] : memref<2000x1xf32, #tpu.memory_space<vmem>>, vector<2000x1xf32>
    tpu.vector_store %arg8[%swap3A_42, %swap3A_43], %div3A_5 {strides = array<i32>} : memref<2000x1xf32, #tpu.memory_space<vmem>>, vector<2000x1xf32>,
    return
  }
  func.func @transform_0(%arg0: i32) -> (i32, i32) {
    %c0_i32 = arith.constant 0 : i32
    %c0_i32_0 = arith.constant 0 : i32
    return %arg0, %c0_i32 : i32, i32
  }
  func.func @transform_1(%arg0: i32) -> (i32, i32) {
    %c0_i32 = arith.constant 0 : i32
    %c0_i32_0 = arith.constant 0 : i32
    return %arg0, %c0_i32 : i32, i32
  }
  func.func @transform_2(%arg0: i32) -> (i32, i32) {
    %c0_i32 = arith.constant 0 : i32
    %c0_i32_0 = arith.constant 0 : i32
    return %arg0, %c0_i32 : i32, i32
  }
  func.func @transform_3(%arg0: i32) -> (i32, i32) {
    %c0_i32 = arith.constant 0 : i32
    %c0_i32_0 = arith.constant 0 : i32
    %c0_i32_1 = arith.constant 0 : i32
    return %c0_i32, %c0_i32_0 : i32, i32
  }
  func.func @transform_4(%arg0: i32) -> (i32, i32) {
    %c0_i32 = arith.constant 0 : i32
    %c0_i32_0 = arith.constant 0 : i32
    %c0_i32_1 = arith.constant 0 : i32
    return %c0_i32, %c0_i32_0 : i32, i32
  }
  func.func @transform_5(%arg0: i32) -> (i32, i32) {
    %c0_i32 = arith.constant 0 : i32
    %c0_i32_0 = arith.constant 0 : i32
    %c0_i32_1 = arith.constant 0 : i32
    return %c0_i32, %c0_i32_0 : i32, i32
  }
  func.func @transform_6(%arg0: i32) -> (i32, i32, i32) {
    %c0_i32 = arith.constant 0 : i32
    %c0_i32_0 = arith.constant 0 : i32
    %c0_i32_1 = arith.constant 0 : i32
    return %c0_i32, %arg0, %c0_i32_0 : i32, i32, i32
  }
  func.func @transform_7(%arg0: i32) -> (i32, i32) {
    %c0_i32 = arith.constant 0 : i32
    %c0_i32_0 = arith.constant 0 : i32
    return %arg0, %c0_i32 : i32, i32
  }
}

module attributes {stable_mosaic.version = 14 : i64} {
  func.func @_dense2_body(%arg0: i32, %arg1: memref<2000x128xf32, #tpu.memory_space<vmem>>, %arg2: memref<2000x1xf32, #tpu.memory_space<vmem>>, %arg3: memref<2x2000x64xf32, #tpu.memory_space<vmem>>, %arg4: memref<128x128xf32, #tpu.memory_space<vmem>>, %arg5: memref<1x128xf32, #tpu.memory_space<vmem>>, %arg6: memref<128x128xf32, #tpu.memory_space<vmem>>, %arg7: memref<2000x128xf32, #tpu.memory_space<vmem>>) attributes {dimension_semantics = [#tpu.dimension_semantics<arbitrary>], iteration_bounds = array<i64: 5>, scalar_prefetch = 0 : i64, scratch_operands = 0 : i64, tpu.core_type = #tpu.core_type<tc>, window_params = [{transform_indices = @transform_0, window_bounds = array<i64: 2000, 128>}, {transform_indices = @transform_1, window_bounds = array<i64: 2000, 1>}, {transform_indices = @transform_2, window_bounds = array<i64: 2, 2000, 64>}, {pipeline_mode = #tpu.pipeline_mode<synchronous>, transform_indices = @transform_3, window_bounds = array<i64: 128, 128>}, {pipeline_mode = #tpu.pipeline_mode<synchronous>, transform_indices = @transform_4, window_bounds = array<i64: 1, 128>}, {pipeline_mode = #tpu.pipeline_mode<synchronous>, transform_indices = @transform_5, window_bounds = array<i64: 128, 128>}, {transform_indices = @transform_6, window_bounds = array<i64: 2000, 128>}]} {
    %get3A = arith.constant 0 : index
    %get3A_0 = arith.constant 0 : index
    %get3A_1 = vector.load %arg1[%get3A, %get3A_0] : memref<2000x128xf32, #tpu.memory_space<vmem>>, vector<2000x128xf32>
    %get3A_2 = arith.constant 0 : index
    %get3A_3 = arith.constant 0 : index
    %get3A_4 = vector.load %arg2[%get3A_2, %get3A_3] : memref<2000x1xf32, #tpu.memory_space<vmem>>, vector<2000x1xf32>
    %mul3A = vector.broadcast %get3A_4 : vector<2000x1xf32> to vector<2000x128xf32>
    %mul3A_5 = arith.mulf %get3A_1, %mul3A : vector<2000x128xf32>
    %get3A_6 = arith.constant 0 : index
    %get3A_7 = arith.constant 0 : index
    %get3A_8 = arith.constant 0 : index
    %get3A_9 = vector.load %arg3[%get3A_6, %get3A_7, %get3A_8] : memref<2x2000x64xf32, #tpu.memory_space<vmem>>, vector<1x2000x64xf32>
    %get3A_10 = vector.shape_cast %get3A_9 : vector<1x2000x64xf32> to vector<2000x64xf32>
    %get3A_11 = arith.constant 1 : index
    %get3A_12 = arith.constant 0 : index
    %get3A_13 = arith.constant 0 : index
    %get3A_14 = vector.load %arg3[%get3A_11, %get3A_12, %get3A_13] : memref<2x2000x64xf32, #tpu.memory_space<vmem>>, vector<1x2000x64xf32>
    %get3A_15 = vector.shape_cast %get3A_14 : vector<1x2000x64xf32> to vector<2000x64xf32>
    %concatenate3A = tpu.concatenate %get3A_10, %get3A_15 in 1 : vector<2000x64xf32>, vector<2000x64xf32> -> vector<2000x128xf32>
    %get3A_16 = arith.constant 0 : index
    %get3A_17 = arith.constant 0 : index
    %get3A_18 = vector.load %arg4[%get3A_16, %get3A_17] : memref<128x128xf32, #tpu.memory_space<vmem>>, vector<128x128xf32>
    %dot_general3A = arith.constant dense<0.000000e+00> : vector<2000x128xf32>
    %dot_general3A_19 = tpu.matmul %mul3A_5, %get3A_18, %dot_general3A {dimension_numbers = #tpu.dot_dimension_numbers<[1], [0], [0], [1], [0, 0, 1, 1], [], []>, transpose_lhs_hint = false} : vector<2000x128xf32>, vector<128x128xf32>, vector<2000x128xf32> -> vector<2000x128xf32>
    %get3A_20 = arith.constant 0 : index
    %get3A_21 = arith.constant 0 : index
    %get3A_22 = vector.load %arg5[%get3A_20, %get3A_21] : memref<1x128xf32, #tpu.memory_space<vmem>>, vector<1x128xf32>
    %add3A = vector.broadcast %get3A_22 : vector<1x128xf32> to vector<2000x128xf32>
    %add3A_23 = arith.addf %dot_general3A_19, %add3A : vector<2000x128xf32>
    %get3A_24 = arith.constant 0 : index
    %get3A_25 = arith.constant 0 : index
    %get3A_26 = vector.load %arg6[%get3A_24, %get3A_25] : memref<128x128xf32, #tpu.memory_space<vmem>>, vector<128x128xf32>
    %dot_general3A_27 = arith.constant dense<0.000000e+00> : vector<2000x128xf32>
    %dot_general3A_28 = tpu.matmul %concatenate3A, %get3A_26, %dot_general3A_27 {dimension_numbers = #tpu.dot_dimension_numbers<[1], [0], [0], [1], [0, 0, 1, 1], [], []>, transpose_lhs_hint = false} : vector<2000x128xf32>, vector<128x128xf32>, vector<2000x128xf32> -> vector<2000x128xf32>
    %add3A_29 = arith.addf %add3A_23, %dot_general3A_28 : vector<2000x128xf32>
    %swap3A = arith.constant 0 : index
    %swap3A_30 = arith.constant 0 : index
    %swap3A_31 = vector.load %arg7[%swap3A, %swap3A_30] : memref<2000x128xf32, #tpu.memory_space<vmem>>, vector<2000x128xf32>
    tpu.vector_store %arg7[%swap3A, %swap3A_30], %add3A_29 {strides = array<i32>} : memref<2000x128xf32, #tpu.memory_space<vmem>>, vector<2000x128xf32>,
    return
  }
  func.func @transform_0(%arg0: i32) -> (i32, i32) {
    %c0_i32 = arith.constant 0 : i32
    %c0_i32_0 = arith.constant 0 : i32
    return %arg0, %c0_i32 : i32, i32
  }
  func.func @transform_1(%arg0: i32) -> (i32, i32) {
    %c0_i32 = arith.constant 0 : i32
    %c0_i32_0 = arith.constant 0 : i32
    return %arg0, %c0_i32 : i32, i32
  }
  func.func @transform_2(%arg0: i32) -> (i32, i32, i32) {
    %c0_i32 = arith.constant 0 : i32
    %c0_i32_0 = arith.constant 0 : i32
    %c0_i32_1 = arith.constant 0 : i32
    return %c0_i32, %arg0, %c0_i32_0 : i32, i32, i32
  }
  func.func @transform_3(%arg0: i32) -> (i32, i32) {
    %c0_i32 = arith.constant 0 : i32
    %c0_i32_0 = arith.constant 0 : i32
    %c0_i32_1 = arith.constant 0 : i32
    return %c0_i32, %c0_i32_0 : i32, i32
  }
  func.func @transform_4(%arg0: i32) -> (i32, i32) {
    %c0_i32 = arith.constant 0 : i32
    %c0_i32_0 = arith.constant 0 : i32
    %c0_i32_1 = arith.constant 0 : i32
    return %c0_i32, %c0_i32_0 : i32, i32
  }
  func.func @transform_5(%arg0: i32) -> (i32, i32) {
    %c0_i32 = arith.constant 0 : i32
    %c0_i32_0 = arith.constant 0 : i32
    %c0_i32_1 = arith.constant 0 : i32
    return %c0_i32, %c0_i32_0 : i32, i32
  }
  func.func @transform_6(%arg0: i32) -> (i32, i32) {
    %c0_i32 = arith.constant 0 : i32
    %c0_i32_0 = arith.constant 0 : i32
    return %arg0, %c0_i32 : i32, i32
  }
}

</mosaic_0001>

<sc_bundles>
// kernel: kernel.6.cloned.1.call-start
scs
__scs_entry_jumppad:
0x0: {  	(pc) =	sbr.rel $0x88, $3  }
0x1: {  	(tag) =	ssettag $0x0;
	lr =	simm.s32 $0x1  }
0x2: {  	[smem:$0x3F99] =	sst lr;
	_ =	strace $0xD0000000  }
0x3: {  	_ = 	snop  }
0x4: {  	_ = 	snop  }
0x5: {  	_ = 	snop  }
0x6: {  	_ = 	snop  }
0x7: {  	_ = 	snop  }
__scs_overlays_trampoline_lowered:
0x8: {  	[smem:$0x3FA8] =	sst s0  }
0x9: {  	[smem:$0x3FA9] =	sst s1  }
0xa: {  	[smem:$0x3FAA] =	sst s2  }
0xb: {  	[smem:$0x3FAB] =	sst s3  }
0xc: {  	[smem:$0x3FAC] =	sst s4  }
0xd: {  	[smem:$0x3FAD] =	sst s5  }
0xe: {  	[smem:$0x3FAE] =	sst s6  }
0xf: {  	[smem:$0x3FAF] =	sst s7  }
0x10: {  	[smem:$0x3FB0] =	sst s8  }
0x11: {  	[smem:$0x3FB1] =	sst s9;
	s0 =	simm.s32 @!p0 $0x0  }
0x12: {  	s1 =	sld [smem:$0x3F97];
	s0 =	simm.s32 @p0 $0x1  }
0x13: {  	[smem:$0x3FB2] =	sst s0;
	s0 =	simm.s32 @!p1 $0x0  }
0x14: {  	s2 =	sld [smem:$0x3F96];
	s0 =	simm.s32 @p1 $0x1  }
0x15: {  	[smem:$0x3FB3] =	sst s0;
	s0 =	simm.s32 @!p2 $0x0  }
0x16: {  	s3 =	sld [smem:$0x3FDB];
	s0 =	simm.s32 @p2 $0x1  }
0x17: {  	s4 =	simm.s32 $0x1BF5;
	[smem:$0x3FB5] =	sst s0  }
0x18: {  	s0 =	sld [smem:$0x3F98];
	_ =	swait.ge [sflag:s4], $0x0  }
0x19: {  	s7 =	sld [smem:$0x3F99]  }
0x1a: {  	s8 =	sadd.s32 $0xFFFFE003, lr  }
0x1b: {  	s9 =	sadd.s32 $0xFFFFFEF7, lr;
	s5 =	simm.s32 $0xFFFFFFFF;
	p2 =	slt.u32 s8, $0xFFFFF086  }
0x1c: {  	p1 =	slt.u32 s9, $0xF7A;
	s5 =	simm.s32 @!p2 $0x0  }
0x1d: {  	s5 =	simm.s32 @p1 $0x1;
	p0 =	seq.s32 s7, s2  }
0x1e: {  	s7 =	smul.u32 @!p0 $0xF7A, s2;
	p2 =	seq.s32 @!p0 s5, $0x0  }
0x1f: {  	s9 =	smul.u32 $0xF7A, s1;
	s8 =	simm.s32 @!p0 $0x1BF5;
	p2 =	por !p2, p0  }
0x20: {  	[sflag:s8] =	ssyncset.s32 @!p0 $0xFFFFF086;
	s6 =	sadd.s32 @!p0 s3, s7;
	s7 =	simm.s32 @!p0 $0x108  }
0x21: {  	s3 =	sadd.s32 s3, s9;
	s6 =	sadd.s32 @!p0 $0x88, s6;
	s7 =	simm.s32 @p2 $0x1082  }
0x22: {  	[simem:s7], [sflag:s8] =	dma.local @!p0 [hbm:s6], $0xF7A  }
0x23: {  	s9 =	sor.u32 $0xD0000000, s2;
	s6 =	simm.s32 $0x108;
	_ =	swait.ge @!p0 [sflag:s8], $0x0  }
0x24: {  	s3 =	sadd.s32 $0x88, s3;
	s6 =	simm.s32 @!p1 $0x1082;
	[sflag:s4] =	ssyncset.s32 $0xFFFFF086  }
0x25: {  	[simem:s6], [sflag:s4] =	dma.local [hbm:s3], $0xF7A  }
0x26: {  	[smem:$0x3F99] =	sst s1;
	(tag) =	ssettag s2;
	_ =	strace s9  }
0x27: {  	s1 =	sld [smem:$0x3FA9]  }
0x28: {  	s2 =	sld [smem:$0x3FAA]  }
0x29: {  	s4 =	sld [smem:$0x3FAC]  }
0x2a: {  	p0 =	seq.s32 s5, $0x0;
	s5 =	sld [smem:$0x3FAD]  }
0x2b: {  	s6 =	sld [smem:$0x3FAE]  }
0x2c: {  	s7 =	sld [smem:$0x3FAF]  }
0x2d: {  	s3 =	simm.s32 $0x108;
	s8 =	sld [smem:$0x3FB0]  }
0x2e: {  	s3 =	simm.s32 @!p0 $0x1082;
	s9 =	sld [smem:$0x3FB1]  }
0x2f: {  	lr =	sadd.s32 s0, s3;
	s0 =	sld [smem:$0x3FA8]  }
0x30: {  	s3 =	sld [smem:$0x3FAB]  }
0x31: {  	[smem:$0x3FB4] =	sst s10  }
0x32: {  	s10 =	sld [smem:$0x3FB2];
	_ =	sdelay $0x3  }
0x33: {  	p0 =	seq.s32 s10, $0x1;
	s10 =	sld [smem:$0x3FB4];
	_ =	sdelay $0x3  }
0x34: {  	[smem:$0x3FB4] =	sst s10  }
0x35: {  	s10 =	sld [smem:$0x3FB3];
	_ =	sdelay $0x3  }
0x36: {  	p1 =	seq.s32 s10, $0x1;
	s10 =	sld [smem:$0x3FB4];
	_ =	sdelay $0x3  }
0x37: {  	[smem:$0x3FB4] =	sst s10  }
0x38: {  	s10 =	sld [smem:$0x3FB5]  }
0x39: {  	_ = 	snop;
	(pc) =	sbr.ind lr, $3  }
0x3a: {  	_ = 	snop  }
0x3b: {  	_ = 	snop  }
0x3c: {  	p2 =	seq.s32 s10, $0x1;
	s10 =	sld [smem:$0x3FB4]  }
0x3d: {  	_ =	shalt  }
0x3e: {  	_ =	shalt  }
0x3f: {  	_ =	shalt  }
0x40: {  	_ =	shalt  }
0x41: {  	_ =	shalt  }
0x42: {  	_ =	shalt  }
0x43: {  	_ =	shalt  }
0x44: {  	_ =	shalt  }
0x45: {  	_ =	shalt  }
0x46: {  	_ =	shalt  }
0x47: {  	_ =	shalt  }
0x48: {  	_ =	shalt  }
0x49: {  	_ =	shalt  }
0x4a: {  	_ =	shalt  }
0x4b: {  	_ =	shalt  }
0x4c: {  	_ =	shalt  }
0x4d: {  	_ =	shalt  }
0x4e: {  	_ =	shalt  }
0x4f: {  	_ =	shalt  }
0x50: {  	_ =	shalt  }
0x51: {  	_ =	shalt  }
0x52: {  	_ =	shalt  }
0x53: {  	_ =	shalt  }
0x54: {  	_ =	shalt  }
0x55: {  	_ =	shalt  }
0x56: {  	_ =	shalt  }
0x57: {  	_ =	shalt  }
0x58: {  	_ =	shalt  }
0x59: {  	_ =	shalt  }
0x5a: {  	_ =	shalt  }
0x5b: {  	_ =	shalt  }
0x5c: {  	_ =	shalt  }
0x5d: {  	_ =	shalt  }
0x5e: {  	_ =	shalt  }
0x5f: {  	_ =	shalt  }
0x60: {  	_ =	shalt  }
0x61: {  	_ =	shalt  }
0x62: {  	_ =	shalt  }
0x63: {  	_ =	shalt  }
0x64: {  	_ =	shalt  }
0x65: {  	_ =	shalt  }
0x66: {  	_ =	shalt  }
0x67: {  	_ =	shalt  }
0x68: {  	_ =	shalt  }
0x69: {  	_ =	shalt  }
0x6a: {  	_ =	shalt  }
0x6b: {  	_ =	shalt  }
0x6c: {  	_ =	shalt  }
0x6d: {  	_ =	shalt  }
0x6e: {  	_ =	shalt  }
0x6f: {  	_ =	shalt  }
0x70: {  	_ =	shalt  }
0x71: {  	_ =	shalt  }
0x72: {  	_ =	shalt  }
0x73: {  	_ =	shalt  }
0x74: {  	_ =	shalt  }
0x75: {  	_ =	shalt  }
0x76: {  	_ =	shalt  }
0x77: {  	_ =	shalt  }
0x78: {  	_ =	shalt  }
0x79: {  	_ =	shalt  }
0x7a: {  	_ =	shalt  }
0x7b: {  	_ =	shalt  }
0x7c: {  	_ =	shalt  }
0x7d: {  	_ =	shalt  }
0x7e: {  	_ =	shalt  }
0x7f: {  	_ =	shalt  }
0x80: {  	_ =	shalt  }
0x81: {  	_ =	shalt  }
0x82: {  	_ =	shalt  }
0x83: {  	_ =	shalt  }
0x84: {  	_ =	shalt  }
0x85: {  	_ =	shalt  }
0x86: {  	_ =	shalt  }
0x87: {  	_ =	shalt  }
.Lfunc_end0:
.L_simem_size_0:
called_computation_lowered:
.L_overlay_start_0:
0x88: {  	s2 =	sld [smem:$0x3FD9]  }
0x89: {  	s3 =	sld [smem:$0x3FFE];
	_ =	sdelay $0x1  }
0x8a: {  	s1 =	srdreg.scid  }
0x8b: {  	s0 =	sand.u32 $0x1, s1  }
0x8c: {  	s17 =	sshll.u32 s0, $0xA;
	s2 =	sadd.s32 s3, s2  }
0x8d: {  	s2 =	sadd.s32 s2, s17  }
0x8e: {  	[smem:$0x3FC0] =	sst s2  }
0x8f: {  	_ = 	snop  }
0x90: {  	s2 =	sld [smem:$0x3FD0];
	(tm) =	ssettm $0x1  }
0x91: {  	s18 =	sld [smem:$0x3FFB];
	_ =	sdelay $0x3  }
0x92: {  	_ =	strace s18  }
0x93: {  	s3 =	sld [smem:$0x3FFC];
	_ =	sdelay $0x3  }
0x94: {  	_ =	strace s3  }
0x95: {  	s3 =	sld [smem:$0x3FFD];
	_ =	sdelay $0x3  }
0x96: {  	_ =	strace s3  }
0x97: {  	_ =	strace $0x8FFFFFFF  }
0x98: {  	s19 =	sld [smem:$0x3FDB];
	_ =	sdelay $0x1  }
0x99: {  	s4 =	simm.s32 $_scs_section_size  }
0x9a: {  	s5 =	simm.s32 $_size__tile_overlayer_lowered;
	s6 =	simm.s32 $_tile_overlayer_lowered  }
0x9b: {  	s22 =	simm.s32 $0x1BFF;
	s21 =	sshll.u32 s6, $0x1;
	s3 =	sadd.s32 s4, s19  }
0x9c: {  	s7 =	simm.s32 $0x0;
	s20 =	sshll.u32 s5, $0x1;
	s5 =	sadd.s32 s21, s3  }
0x9d: {  	[timem:s7], [sflag:s22] =	dma.local [hbm:s5], s20  }
0x9e: {  	_ =	swait.ge [sflag:s22], s20  }
0x9f: {  	s4 =	ssub.s32 $0x0, s20;
	[sflag:s22] =	ssyncset.done $0x0  }
0xa0: {  	[sflag:s22] =	ssyncadd.s32 s4;
	_ =	sdelay $0x1  }
0xa1: {  	s23 =	simm.s32 $0x1B8B  }
0xa2: {  	_ =	swait.ge [sflag:s23], $0x1  }
0xa3: {  	[sflag:s23] =	ssyncset.done $0x0  }
0xa4: {  	s25 =	simm.s32 $0x1B8E;
	s24 =	sld [smem:$0x3FFE];
	[sflag:s23] =	ssyncadd.s32 $0xFFFFFFFF  }
0xa5: {  	s26 =	simm.s32 $execute0_lowered;
	[smem:$0x3FD2] =	sst s25  }
0xa6: {  	s5 =	sshll.u32 s26, $0x1;
	_ =	strace $0x80000046;
	[dreg:$0x1] =	wrdreg $0xFFFFFFFF  }
0xa7: {  	s28 =	simm.s32 $_size_execute0_lowered;
	s3 =	sadd.s32 s3, s5;
	[dreg:$0x0] =	wrdreg $0x0  }
0xa8: {  	s5 =	sshll.u32 s28, $0x1;
	[dreg:$0x2] =	wrdreg s3  }
0xa9: {  	[dreg:$0x3] =	wrdreg s5  }
0xaa: {  	[dreg:$0x4] =	wrdreg $0xC0  }
0xab: {  	_ =	task [dreg:s7], $0x5FFFF  }
0xac: {  	[dreg:$0x1] =	wrdreg $0xFFFFFFFF  }
0xad: {  	[dreg:$0x0] =	wrdreg $0x60  }
0xae: {  	[dreg:$0x2] =	wrdreg s2  }
0xaf: {  	[dreg:$0x3] =	wrdreg s24  }
0xb0: {  	[dreg:$0x4] =	wrdreg $0x15D000  }
0xb1: {  	[dreg:$0x5] =	wrdreg $0x1FA000  }
0xb2: {  	[dreg:$0x6] =	wrdreg $0x9  }
0xb3: {  	_ =	task.clear_ibuf [dreg:s7], $0x7FFFF;
	_ =	strace $0x90000046  }
0xb4: {  	s29 =	simm.s32 $0x9;
	_ =	strace $0x80000048  }
0xb5: {  	_ =	swait.ge [sflag:s29], $0x1  }
0xb6: {  	[sflag:s29] =	ssyncadd.s32 $0xFFFFFFFF  }
0xb7: {  	_ =	strace $0x90000048  }
0xb8: {  	_ =	sfence  }
0xb9: {  	s30 =	sld [smem:$0x0];
	_ =	sdelay $0x2  }
0xba: {  	s31 =	sshll.u32 s1, $0xD;
	s1 =	sshrl.u32 s1, $0x2  }
0xbb: {  	s3 =	sand.u32 $0x4000, s31;
	s1 =	sadd.s32 s1, s30  }
0xbc: {  	s0 =	sor.u32 s3, s0;
	s1 =	sshll.u32 s1, $0x11  }
0xbd: {  	s0 =	sor.u32 s1, s0  }
0xbe: {  	s0 =	sadd.s32 $0x8F2B, s0  }
0xbf: {  	[sflag:s0] =	ssyncadd.remote.s32 $0x1  }
0xc0: {  	_ =	sfence.sel $0xFFFF  }
0xc1: {  	[dreg:$0x0] =	wrdreg $0xFFFFFFFF;
	(pc) =	sbr.abs _section_cstart, $3  }
0xc2: {  	[dreg:$0x1] =	wrdreg $0xFFFFFFFF  }
0xc3: {  	_ =	task.clear_ibuf [dreg:s7], $0x2FFFF;
	_ =	strace $0x9FFFFFFF  }
0xc4: {  	(tm) =	ssettm $0x7FFFFFFF  }
0xc5: {  	_ =	shalt  }
tec
execute0_lowered:
.L_overlay_start_1:
0x0: {  	(tag) =	ssettag $0x1  }
0x1: {  	s0 =	rddreg [dreg:$0x0]  }
0x2: {  	s3 =	rddreg [dreg:$0x1]  }
0x3: {  	s1 =	rddreg [dreg:$0x2]  }
0x4: {  	s2 =	rddreg [dreg:$0x3]  }
0x5: {  	s10 =	stileid.u32;
	s6 =	simm.s32 $0x0;
	s5 =	srdreg.scid  }
0x6: {  	s28 =	simm.s32 $0xDD00;
	s30 =	simm.s32 $0xFD00;
	s29 =	simm.s32 $0x7  }
0x7: {  	s31 =	simm.s32 $0x1F980;
	s11 =	simm.s32 $0x9C80;
	s4 =	smul.u32 $0x9D0, s10  }
0x8: {  	s12 =	simm.s32 $0x0;
	[smem:$0x7FF] =	sst s6;
	s15 =	smul.u32 $0x13880, s10  }
0x9: {  	s5 =	sand.u32 $0x1, s5;
	s8 =	sadd.s32 $0x16A00, s3;
	s17 =	smul.u32 $0x27100, s10  }
0xa: {  	p0 =	sne.s32 s10, $0x0;
	_ =	strace $0x80000047;
	s7 =	sshll.u32 s5, $0x6  }
0xb: {  	[dreg:$0x5] =	wrdreg s8;
	s16 =	ssub.s32 $0x2, s5;
	s21 =	smul.u32 $0x13880, s5  }
0xc: {  	s26 =	sor.u32 s10, s5;
	s5 =	simm.s32 $0x9A00;
	s8 =	simm.s32 $0x9B80  }
0xd: {  	s10 =	simm.s32 $0x9C00;
	s4 =	sadd.s32 s4, s3;
	s6 =	sor.u32 s7, s15  }
0xe: {  	s18 =	sshrl.u32 s16, $0x1;
	s20 =	sshrl.u32 s17, $0x2;
	p1 =	sne.s32 s26, $0x0  }
0xf: {  	s26 =	simm.s32 $0x13D00;
	s17 =	simm.s32 $0x5;
	s6 =	sshrl.u32 s6, $0x3  }
0x10: {  	s19 =	sadd.s32 $0xCC00, s4;
	s4 =	sadd.s32 $0x2E00, s4;
	s9 =	sadd.s32 s20, s1  }
0x11: {  	s14 =	sadd.s32 s0, s21;
	s20 =	simm.s32 $0x2;
	[dreg:$0x7] =	wrdreg s19  }
0x12: {  	s6 =	sadd.s32 s6, s3;
	s3 =	sadd.s32 $0x17000, s3;
	[dreg:$0x8] =	wrdreg s4  }
0x13: {  	s21 =	simm.s32 $0x3;
	s7 =	sadd.s32 $0x2000, s9;
	[dreg:$0x6] =	wrdreg s3  }
0x14: {  	s0 =	simm.s32 $0x11D00;
	s22 =	sadd.s32 $0x4000, s9;
	[dreg:$0x9] =	wrdreg s7  }
0x15: {  	s23 =	sadd.s32 $0x6000, s9;
	s24 =	sadd.s32 $0x8000, s9;
	[dreg:$0xa] =	wrdreg s22  }
0x16: {  	s19 =	simm.s32 $0x1;
	s3 =	ssub.s32 s16, s18;
	[dreg:$0xb] =	wrdreg s23  }
0x17: {  	[dreg:$0xc] =	wrdreg s24;
	s25 =	sadd.s32 $0x17600, s6;
	s18 =	simm.s32 $0x9D00  }
0x18: {  	s22 =	simm.s32 $0x4;
	s24 =	simm.s32 $0x80;
	s6 =	simm.s32 $0x9A80  }
0x19: {  	s7 =	simm.s32 $0x9B00;
	[dreg:$0xd] =	wrdreg s25;
	s3 =	smax.u32 s3, $0x1  }
0x1a: {  	s23 =	simm.s32 $0x10;
	[dreg:$0xe] =	wrdreg s3;
	s3 =	sshrl.u32 @!p0 s2, $0x3  }
0x1b: {  	v0 =	vimm.f32 $0.0e+00;
	v1 =	vimm.f32 $1.000000000e+00;
	s25 =	simm.s32 $0xBD00;
	[dreg:$0xf] =	wrdreg s3;
	s3 =	simm.s32 $0x6  }
.LBB2_1:
0x1c: {  	s13 =	simm.s32 $0x0;
	s15 =	rddreg [dreg:$0x7]  }
0x1d: {  	[tilespmem:s13], [sflag:$0x1] =	stream.linear.gather [hbm4b:s15+s13], $0x4E80, $0x38;
	[tilespmem:$0x1FC78] =	vst v63  }
0x1e: {  	s4 =	rddreg [dreg:$0x8];
	s16 =	simm.s32 $0x4E80  }
0x1f: {  	[tilespmem:s16], [sflag:$0x2] =	stream.linear.gather [hbm4b:s4+s13], $0x4E80, $0x38;
	[tilespmem:$0x1FC78] =	vst v63  }
0x20: {  	s15 =	simm.s32 $0x100;
	s13 =	simm.s32 $0x0  }
.LBB2_2:
0x21: {  	p2 =	sne.s32 s15, $0x7F00;
	[tilespmem:s13+$0x9D30] =	vst v0;
	s16 =	smov.u32 s15;
	s15 =	sadd.s32 $0x100, s15  }
.Ltmp0:
0x22: {  	[tilespmem:s13+$0x9D20] =	vst v0;
	(pc) =	sbr.rel @p2 .LBB2_2-.Ltmp0, $3  }
0x23: {  	[tilespmem:s13+$0x9D00] =	vst v0  }
0x24: {  	[tilespmem:s13+$0x9D10] =	vst v0;
	_ =	sdelay $0x1  }
0x25: {  	s13 =	sshra.s32 s16, $0x2  }
0x26: {  	[tilespmem:s13+$0x9D30] =	vst v0  }
0x27: {  	[tilespmem:s13+$0x9D20] =	vst v0  }
0x28: {  	[tilespmem:s13+$0x9D00] =	vst v0  }
0x29: {  	[tilespmem:s13+$0x9D10] =	vst v0  }
0x2a: {  	[spmem:s9] =	stream.linear.scatter [tilespmem:s18], [sflag:$0x3], $0x2000, $0x38;
	[tilespmem:$0x1FC78] =	vst v63  }
0x2b: {  	s15 =	rddreg [dreg:$0x9]  }
0x2c: {  	[spmem:s15] =	stream.linear.scatter [tilespmem:s18], [sflag:$0x3], $0x2000, $0x38;
	[tilespmem:$0x1FC78] =	vst v63  }
0x2d: {  	s16 =	rddreg [dreg:$0xa]  }
0x2e: {  	[spmem:s16] =	stream.linear.scatter [tilespmem:s18], [sflag:$0x3], $0x2000, $0x38;
	[tilespmem:$0x1FC78] =	vst v63  }
0x2f: {  	s4 =	rddreg [dreg:$0xb]  }
0x30: {  	[spmem:s4] =	stream.linear.scatter [tilespmem:s18], [sflag:$0x3], $0x2000, $0x38;
	[tilespmem:$0x1FC78] =	vst v63  }
0x31: {  	s15 =	rddreg [dreg:$0xc]  }
0x32: {  	[spmem:s15] =	stream.linear.scatter [tilespmem:s18], [sflag:$0x4], $0x1C40, $0x38;
	[tilespmem:$0x1FC78] =	vst v63  }
0x33: {  	_ =	swait.ge [sflag:s19], $0x4E80  }
0x34: {  	[sflag:s19] =	ssyncset.done $0x0  }
0x35: {  	[sflag:s19] =	ssyncadd.s32 $0xFFFFB180  }
0x36: {  	_ =	swait.ge [sflag:s20], $0x4E80  }
0x37: {  	[sflag:s20] =	ssyncset.done $0x0  }
0x38: {  	[sflag:s20] =	ssyncadd.s32 $0xFFFFB180  }
0x39: {  	_ =	swait.ge [sflag:s21], $0x2000  }
0x3a: {  	[sflag:s21] =	ssyncset.done $0x0  }
0x3b: {  	[sflag:s21] =	ssyncadd.s32 $0xFFFFE000  }
0x3c: {  	_ =	swait.ge [sflag:s21], $0x2000  }
0x3d: {  	[sflag:s21] =	ssyncset.done $0x0  }
0x3e: {  	[sflag:s21] =	ssyncadd.s32 $0xFFFFE000  }
0x3f: {  	_ =	swait.ge [sflag:s21], $0x2000  }
0x40: {  	[sflag:s21] =	ssyncset.done $0x0  }
0x41: {  	[sflag:s21] =	ssyncadd.s32 $0xFFFFE000  }
0x42: {  	_ =	swait.ge [sflag:s21], $0x2000  }
0x43: {  	[sflag:s21] =	ssyncset.done $0x0  }
0x44: {  	[sflag:s21] =	ssyncadd.s32 $0xFFFFE000  }
0x45: {  	_ =	swait.ge [sflag:s22], $0x1C40  }
0x46: {  	[sflag:s22] =	ssyncset.done $0x0;
	s15 =	rddreg [dreg:$0x5]  }
0x47: {  	s13 =	simm.s32 @!p0 $0x1C07;
	s16 =	rddreg [dreg:$0xf];
	[sflag:s22] =	ssyncadd.s32 $0xFFFFE3C0  }
0x48: {  	[spmem:s16], [sflag:s13] =	dma.local @!p0 [hbm:s15], $0x4E2  }
0x49: {  	s13 =	simm.s32 @!p0 $0x7  }
0x4a: {  	_ =	swait.ge @!p0 [sflag:s13], $0x4E2  }
0x4b: {  	[sflag:s13] =	ssyncset.done @!p0 $0x0  }
0x4c: {  	[sflag:s13] =	ssyncadd.s32 @!p0 $0xFFFFFB1E  }
0x4d: {  	[tilespmem:$0x1F980] =	vst v1  }
0x4e: {  	[tilespmem:$0x1F990] =	vst v1  }
0x4f: {  	[tilespmem:$0x1F9A0] =	vst v1  }
0x50: {  	[tilespmem:$0x1F9B0] =	vst v1  }
0x51: {  	[tilespmem:$0x1F9C0] =	vst v1  }
0x52: {  	[tilespmem:$0x1F9D0] =	vst v1  }
0x53: {  	[tilespmem:$0x1F9E0] =	vst v1  }
0x54: {  	[tilespmem:$0x1F9F0] =	vst v1  }
0x55: {  	s16 =	simm.s32 $0x0;
	[bflag:$0x0] =	sbarrier.arrive $0xFFFF  }
0x56: {  	[tilespmem:s18], [sflag:$0x1] =	stream.indirect.gather [hbm4b:s14+s24], $0x40, s16, s24, $0xb8;
	[tilespmem:$0x1FC78] =	vst v63  }
0x57: {  	_ = 	snop  }
0x58: {  	[tilespmem:s25], [sflag:$0x2] =	stream.indirect.gather [hbm4b:s14+s24], $0x40, s24, s24, $0xb8;
	[tilespmem:$0x1FC78] =	vst v63  }
0x59: {  	s4 =	simm.s32 $0x100  }
0x5a: {  	[tilespmem:s28], [sflag:$0x3] =	stream.indirect.gather [hbm4b:s14+s24], $0x40, s4, s24, $0xb8;
	[tilespmem:$0x1FC78] =	vst v63  }
0x5b: {  	s15 =	simm.s32 $0x180  }
0x5c: {  	[tilespmem:s30], [sflag:$0x4] =	stream.indirect.gather [hbm4b:s14+s24], $0x40, s15, s24, $0xb8;
	[tilespmem:$0x1FC78] =	vst v63  }
0x5d: {  	s16 =	simm.s32 $0x200  }
0x5e: {  	[tilespmem:s0], [sflag:$0x5] =	stream.indirect.gather [hbm4b:s14+s24], $0x40, s16, s24, $0xb8;
	[tilespmem:$0x1FC78] =	vst v63  }
0x5f: {  	s4 =	simm.s32 $0x280  }
0x60: {  	[tilespmem:s26], [sflag:$0x6] =	stream.indirect.gather [hbm4b:s14+s24], $0x40, s4, s24, $0xb8;
	[tilespmem:$0x1FC78] =	vst v63  }
0x61: {  	_ =	swait.ge [sflag:s19], $0x2000  }
0x62: {  	[sflag:s19] =	ssyncset.done $0x0  }
0x63: {  	s15 =	simm.s32 $0x4E80;
	[sflag:s19] =	ssyncadd.s32 $0xFFFFE000  }
0x64: {  	[spmem:s1] =	stream.indirect.scatter.add.f32 [tilespmem:s18], [sflag:$0x7], $0x40, s15, s24, $0xb8;
	[tilespmem:$0x1FC78] =	vst v63  }
0x65: {  	_ =	swait.ge [sflag:s29], $0x2000  }
0x66: {  	[sflag:s29] =	ssyncset.done $0x0  }
0x67: {  	[sflag:s29] =	ssyncadd.s32 $0xFFFFE000  }
0x68: {  	[spmem:s2] =	stream.indirect.scatter.add.f32 [tilespmem:s31], [sflag:$0x7], $0x1, s15, s24, $0xb8;
	[tilespmem:$0x1FC78] =	vst v63  }
0x69: {  	_ =	swait.ge [sflag:s29], $0x80  }
0x6a: {  	[sflag:s29] =	ssyncset.done $0x0  }
0x6b: {  	s16 =	simm.s32 $0x300;
	[sflag:s29] =	ssyncadd.s32 $0xFFFFFF80  }
0x6c: {  	[tilespmem:s18], [sflag:$0x1] =	stream.indirect.gather [hbm4b:s14+s24], $0x40, s16, s24, $0xb8;
	[tilespmem:$0x1FC78] =	vst v63  }
0x6d: {  	_ =	swait.ge [sflag:s20], $0x2000  }
0x6e: {  	[sflag:s20] =	ssyncset.done $0x0  }
0x6f: {  	s4 =	simm.s32 $0x4F00;
	[sflag:s20] =	ssyncadd.s32 $0xFFFFE000  }
0x70: {  	[spmem:s1] =	stream.indirect.scatter.add.f32 [tilespmem:s25], [sflag:$0x7], $0x40, s4, s24, $0xb8;
	[tilespmem:$0x1FC78] =	vst v63  }
0x71: {  	_ =	swait.ge [sflag:s29], $0x2000  }
0x72: {  	[sflag:s29] =	ssyncset.done $0x0  }
0x73: {  	[sflag:s29] =	ssyncadd.s32 $0xFFFFE000  }
0x74: {  	[spmem:s2] =	stream.indirect.scatter.add.f32 [tilespmem:s31], [sflag:$0x7], $0x1, s4, s24, $0xb8;
	[tilespmem:$0x1FC78] =	vst v63  }
0x75: {  	_ =	swait.ge [sflag:s29], $0x80  }
0x76: {  	[sflag:s29] =	ssyncset.done $0x0  }
0x77: {  	s15 =	simm.s32 $0x380;
	[sflag:s29] =	ssyncadd.s32 $0xFFFFFF80  }
0x78: {  	[tilespmem:s25], [sflag:$0x2] =	stream.indirect.gather [hbm4b:s14+s24], $0x40, s15, s24, $0xb8;
	[tilespmem:$0x1FC78] =	vst v63  }
0x79: {  	_ =	swait.ge [sflag:s21], $0x2000  }
0x7a: {  	[sflag:s21] =	ssyncset.done $0x0  }
0x7b: {  	s16 =	simm.s32 $0x4F80;
	[sflag:s21] =	ssyncadd.s32 $0xFFFFE000  }
0x7c: {  	[spmem:s1] =	stream.indirect.scatter.add.f32 [tilespmem:s28], [sflag:$0x7], $0x40, s16, s24, $0xb8;
	[tilespmem:$0x1FC78] =	vst v63  }
0x7d: {  	_ =	swait.ge [sflag:s29], $0x2000  }
0x7e: {  	[sflag:s29] =	ssyncset.done $0x0  }
0x7f: {  	[sflag:s29] =	ssyncadd.s32 $0xFFFFE000  }
0x80: {  	[spmem:s2] =	stream.indirect.scatter.add.f32 [tilespmem:s31], [sflag:$0x7], $0x1, s16, s24, $0xb8;
	[tilespmem:$0x1FC78] =	vst v63  }
0x81: {  	_ =	swait.ge [sflag:s29], $0x80  }
0x82: {  	[sflag:s29] =	ssyncset.done $0x0  }
0x83: {  	s4 =	simm.s32 $0x400;
	[sflag:s29] =	ssyncadd.s32 $0xFFFFFF80  }
0x84: {  	[tilespmem:s28], [sflag:$0x3] =	stream.indirect.gather [hbm4b:s14+s24], $0x40, s4, s24, $0xb8;
	[tilespmem:$0x1FC78] =	vst v63  }
0x85: {  	_ =	swait.ge [sflag:s22], $0x2000  }
0x86: {  	[sflag:s22] =	ssyncset.done $0x0  }
0x87: {  	s15 =	simm.s32 $0x5000;
	[sflag:s22] =	ssyncadd.s32 $0xFFFFE000  }
0x88: {  	[spmem:s1] =	stream.indirect.scatter.add.f32 [tilespmem:s30], [sflag:$0x7], $0x40, s15, s24, $0xb8;
	[tilespmem:$0x1FC78] =	vst v63  }
0x89: {  	_ =	swait.ge [sflag:s29], $0x2000  }
0x8a: {  	[sflag:s29] =	ssyncset.done $0x0  }
0x8b: {  	[sflag:s29] =	ssyncadd.s32 $0xFFFFE000  }
0x8c: {  	[spmem:s2] =	stream.indirect.scatter.add.f32 [tilespmem:s31], [sflag:$0x7], $0x1, s15, s24, $0xb8;
	[tilespmem:$0x1FC78] =	vst v63  }
0x8d: {  	_ =	swait.ge [sflag:s29], $0x80  }
0x8e: {  	[sflag:s29] =	ssyncset.done $0x0  }
0x8f: {  	s16 =	simm.s32 $0x480;
	[sflag:s29] =	ssyncadd.s32 $0xFFFFFF80  }
0x90: {  	[tilespmem:s30], [sflag:$0x4] =	stream.indirect.gather [hbm4b:s14+s24], $0x40, s16, s24, $0xb8;
	[tilespmem:$0x1FC78] =	vst v63  }
0x91: {  	_ =	swait.ge [sflag:s17], $0x2000  }
0x92: {  	[sflag:s17] =	ssyncset.done $0x0  }
0x93: {  	s4 =	simm.s32 $0x5080;
	[sflag:s17] =	ssyncadd.s32 $0xFFFFE000  }
0x94: {  	[spmem:s1] =	stream.indirect.scatter.add.f32 [tilespmem:s0], [sflag:$0x7], $0x40, s4, s24, $0xb8;
	[tilespmem:$0x1FC78] =	vst v63  }
0x95: {  	_ =	swait.ge [sflag:s29], $0x2000  }
0x96: {  	[sflag:s29] =	ssyncset.done $0x0  }
0x97: {  	[sflag:s29] =	ssyncadd.s32 $0xFFFFE000  }
0x98: {  	[spmem:s2] =	stream.indirect.scatter.add.f32 [tilespmem:s31], [sflag:$0x7], $0x1, s4, s24, $0xb8;
	[tilespmem:$0x1FC78] =	vst v63  }
0x99: {  	_ =	swait.ge [sflag:s29], $0x80  }
0x9a: {  	[sflag:s29] =	ssyncset.done $0x0  }
0x9b: {  	s15 =	simm.s32 $0x500;
	[sflag:s29] =	ssyncadd.s32 $0xFFFFFF80  }
0x9c: {  	[tilespmem:s0], [sflag:$0x5] =	stream.indirect.gather [hbm4b:s14+s24], $0x40, s15, s24, $0xb8;
	[tilespmem:$0x1FC78] =	vst v63  }
0x9d: {  	_ =	swait.ge [sflag:s3], $0x2000  }
0x9e: {  	[sflag:s3] =	ssyncset.done $0x0  }
0x9f: {  	s16 =	simm.s32 $0x5100;
	[sflag:s3] =	ssyncadd.s32 $0xFFFFE000  }
0xa0: {  	[spmem:s1] =	stream.indirect.scatter.add.f32 [tilespmem:s26], [sflag:$0x7], $0x40, s16, s24, $0xb8;
	[tilespmem:$0x1FC78] =	vst v63  }
0xa1: {  	_ =	swait.ge [sflag:s29], $0x2000  }
0xa2: {  	[sflag:s29] =	ssyncset.done $0x0  }
0xa3: {  	[sflag:s29] =	ssyncadd.s32 $0xFFFFE000  }
0xa4: {  	[spmem:s2] =	stream.indirect.scatter.add.f32 [tilespmem:s31], [sflag:$0x7], $0x1, s16, s24, $0xb8;
	[tilespmem:$0x1FC78] =	vst v63  }
0xa5: {  	_ =	swait.ge [sflag:s29], $0x80  }
0xa6: {  	[sflag:s29] =	ssyncset.done $0x0  }
0xa7: {  	s13 =	simm.s32 $0xC00;
	s15 =	simm.s32 $0x580;
	[sflag:s29] =	ssyncadd.s32 $0xFFFFFF80  }
.LBB2_4:
0xa8: {  	[tilespmem:s26], [sflag:$0x6] =	stream.indirect.gather [hbm4b:s14+s24], $0x40, s15, s24, $0xb8;
	[tilespmem:$0x1FC78] =	vst v63  }
0xa9: {  	s15 =	smov.u32 s13  }
0xaa: {  	p2 =	sne.s32 s13, $0x12000;
	s13 =	sadd.s32 $0xC00, s13;
	_ =	swait.ge [sflag:s19], $0x2000  }
0xab: {  	s15 =	sshra.s32 s15, $0x2;
	[sflag:s19] =	ssyncset.done $0x0  }
0xac: {  	s16 =	sadd.s32 $0x4E80, s15;
	[sflag:s19] =	ssyncadd.s32 $0xFFFFE000  }
0xad: {  	[spmem:s1] =	stream.indirect.scatter.add.f32 [tilespmem:s18], [sflag:$0x7], $0x40, s16, s24, $0xb8;
	[tilespmem:$0x1FC78] =	vst v63  }
0xae: {  	_ =	swait.ge [sflag:s29], $0x2000  }
0xaf: {  	[sflag:s29] =	ssyncset.done $0x0  }
0xb0: {  	[sflag:s29] =	ssyncadd.s32 $0xFFFFE000  }
0xb1: {  	[spmem:s2] =	stream.indirect.scatter.add.f32 [tilespmem:s31], [sflag:$0x7], $0x1, s16, s24, $0xb8;
	[tilespmem:$0x1FC78] =	vst v63  }
0xb2: {  	_ =	swait.ge [sflag:s29], $0x80  }
0xb3: {  	[sflag:s29] =	ssyncset.done $0x0  }
0xb4: {  	s16 =	sadd.s32 $0x300, s15;
	[sflag:s29] =	ssyncadd.s32 $0xFFFFFF80  }
0xb5: {  	[tilespmem:s18], [sflag:$0x1] =	stream.indirect.gather [hbm4b:s14+s24], $0x40, s16, s24, $0xb8;
	[tilespmem:$0x1FC78] =	vst v63  }
0xb6: {  	_ =	swait.ge [sflag:s20], $0x2000  }
0xb7: {  	[sflag:s20] =	ssyncset.done $0x0  }
0xb8: {  	s16 =	sadd.s32 $0x4F00, s15;
	[sflag:s20] =	ssyncadd.s32 $0xFFFFE000  }
0xb9: {  	[spmem:s1] =	stream.indirect.scatter.add.f32 [tilespmem:s25], [sflag:$0x7], $0x40, s16, s24, $0xb8;
	[tilespmem:$0x1FC78] =	vst v63  }
0xba: {  	_ =	swait.ge [sflag:s29], $0x2000  }
0xbb: {  	[sflag:s29] =	ssyncset.done $0x0  }
0xbc: {  	[sflag:s29] =	ssyncadd.s32 $0xFFFFE000  }
0xbd: {  	[spmem:s2] =	stream.indirect.scatter.add.f32 [tilespmem:s31], [sflag:$0x7], $0x1, s16, s24, $0xb8;
	[tilespmem:$0x1FC78] =	vst v63  }
0xbe: {  	_ =	swait.ge [sflag:s29], $0x80  }
0xbf: {  	[sflag:s29] =	ssyncset.done $0x0  }
0xc0: {  	s16 =	sadd.s32 $0x380, s15;
	[sflag:s29] =	ssyncadd.s32 $0xFFFFFF80  }
0xc1: {  	[tilespmem:s25], [sflag:$0x2] =	stream.indirect.gather [hbm4b:s14+s24], $0x40, s16, s24, $0xb8;
	[tilespmem:$0x1FC78] =	vst v63  }
0xc2: {  	_ =	swait.ge [sflag:s21], $0x2000  }
0xc3: {  	[sflag:s21] =	ssyncset.done $0x0  }
0xc4: {  	s16 =	sadd.s32 $0x4F80, s15;
	[sflag:s21] =	ssyncadd.s32 $0xFFFFE000  }
0xc5: {  	[spmem:s1] =	stream.indirect.scatter.add.f32 [tilespmem:s28], [sflag:$0x7], $0x40, s16, s24, $0xb8;
	[tilespmem:$0x1FC78] =	vst v63  }
0xc6: {  	_ =	swait.ge [sflag:s29], $0x2000  }
0xc7: {  	[sflag:s29] =	ssyncset.done $0x0  }
0xc8: {  	[sflag:s29] =	ssyncadd.s32 $0xFFFFE000  }
0xc9: {  	[spmem:s2] =	stream.indirect.scatter.add.f32 [tilespmem:s31], [sflag:$0x7], $0x1, s16, s24, $0xb8;
	[tilespmem:$0x1FC78] =	vst v63  }
0xca: {  	_ =	swait.ge [sflag:s29], $0x80  }
0xcb: {  	[sflag:s29] =	ssyncset.done $0x0  }
0xcc: {  	s16 =	sadd.s32 $0x400, s15;
	[sflag:s29] =	ssyncadd.s32 $0xFFFFFF80  }
0xcd: {  	[tilespmem:s28], [sflag:$0x3] =	stream.indirect.gather [hbm4b:s14+s24], $0x40, s16, s24, $0xb8;
	[tilespmem:$0x1FC78] =	vst v63  }
0xce: {  	_ =	swait.ge [sflag:s22], $0x2000  }
0xcf: {  	[sflag:s22] =	ssyncset.done $0x0  }
0xd0: {  	s16 =	sadd.s32 $0x5000, s15;
	[sflag:s22] =	ssyncadd.s32 $0xFFFFE000  }
0xd1: {  	[spmem:s1] =	stream.indirect.scatter.add.f32 [tilespmem:s30], [sflag:$0x7], $0x40, s16, s24, $0xb8;
	[tilespmem:$0x1FC78] =	vst v63  }
0xd2: {  	_ =	swait.ge [sflag:s29], $0x2000  }
0xd3: {  	[sflag:s29] =	ssyncset.done $0x0  }
0xd4: {  	[sflag:s29] =	ssyncadd.s32 $0xFFFFE000  }
0xd5: {  	[spmem:s2] =	stream.indirect.scatter.add.f32 [tilespmem:s31], [sflag:$0x7], $0x1, s16, s24, $0xb8;
	[tilespmem:$0x1FC78] =	vst v63  }
0xd6: {  	_ =	swait.ge [sflag:s29], $0x80  }
0xd7: {  	[sflag:s29] =	ssyncset.done $0x0  }
0xd8: {  	s16 =	sadd.s32 $0x480, s15;
	[sflag:s29] =	ssyncadd.s32 $0xFFFFFF80  }
0xd9: {  	[tilespmem:s30], [sflag:$0x4] =	stream.indirect.gather [hbm4b:s14+s24], $0x40, s16, s24, $0xb8;
	[tilespmem:$0x1FC78] =	vst v63  }
0xda: {  	_ =	swait.ge [sflag:s17], $0x2000  }
0xdb: {  	[sflag:s17] =	ssyncset.done $0x0  }
0xdc: {  	s16 =	sadd.s32 $0x5080, s15;
	[sflag:s17] =	ssyncadd.s32 $0xFFFFE000  }
0xdd: {  	[spmem:s1] =	stream.indirect.scatter.add.f32 [tilespmem:s0], [sflag:$0x7], $0x40, s16, s24, $0xb8;
	[tilespmem:$0x1FC78] =	vst v63  }
0xde: {  	_ =	swait.ge [sflag:s29], $0x2000  }
0xdf: {  	[sflag:s29] =	ssyncset.done $0x0  }
0xe0: {  	[sflag:s29] =	ssyncadd.s32 $0xFFFFE000  }
0xe1: {  	[spmem:s2] =	stream.indirect.scatter.add.f32 [tilespmem:s31], [sflag:$0x7], $0x1, s16, s24, $0xb8;
	[tilespmem:$0x1FC78] =	vst v63  }
0xe2: {  	_ =	swait.ge [sflag:s29], $0x80  }
0xe3: {  	[sflag:s29] =	ssyncset.done $0x0  }
0xe4: {  	s16 =	sadd.s32 $0x500, s15;
	[sflag:s29] =	ssyncadd.s32 $0xFFFFFF80  }
0xe5: {  	[tilespmem:s0], [sflag:$0x5] =	stream.indirect.gather [hbm4b:s14+s24], $0x40, s16, s24, $0xb8;
	[tilespmem:$0x1FC78] =	vst v63  }
0xe6: {  	_ =	swait.ge [sflag:s3], $0x2000  }
0xe7: {  	[sflag:s3] =	ssyncset.done $0x0  }
0xe8: {  	s16 =	sadd.s32 $0x5100, s15;
	[sflag:s3] =	ssyncadd.s32 $0xFFFFE000  }
0xe9: {  	[spmem:s1] =	stream.indirect.scatter.add.f32 [tilespmem:s26], [sflag:$0x7], $0x40, s16, s24, $0xb8;
	[tilespmem:$0x1FC78] =	vst v63  }
0xea: {  	_ =	swait.ge [sflag:s29], $0x2000  }
0xeb: {  	[sflag:s29] =	ssyncset.done $0x0  }
.Ltmp1:
0xec: {  	[sflag:s29] =	ssyncadd.s32 $0xFFFFE000;
	(pc) =	sbr.rel @p2 .LBB2_4-.Ltmp1, $4  }
0xed: {  	[spmem:s2] =	stream.indirect.scatter.add.f32 [tilespmem:s31], [sflag:$0x7], $0x1, s16, s24, $0xb8;
	[tilespmem:$0x1FC78] =	vst v63  }
0xee: {  	_ =	swait.ge [sflag:s29], $0x80  }
0xef: {  	[sflag:s29] =	ssyncset.done $0x0  }
0xf0: {  	s15 =	sadd.s32 $0x580, s15;
	[sflag:s29] =	ssyncadd.s32 $0xFFFFFF80  }
0xf1: {  	[tilespmem:s26], [sflag:$0x6] =	stream.indirect.gather [hbm4b:s14+s24], $0x40, s15, s24, $0xb8;
	[tilespmem:$0x1FC78] =	vst v63  }
0xf2: {  	_ =	swait.ge [sflag:s19], $0x2000  }
0xf3: {  	[sflag:s19] =	ssyncset.done $0x0  }
0xf4: {  	s4 =	simm.s32 $0x9980;
	[sflag:s19] =	ssyncadd.s32 $0xFFFFE000  }
0xf5: {  	[spmem:s1] =	stream.indirect.scatter.add.f32 [tilespmem:s18], [sflag:$0x7], $0x40, s4, s24, $0xb8;
	[tilespmem:$0x1FC78] =	vst v63  }
0xf6: {  	_ =	swait.ge [sflag:s29], $0x2000  }
0xf7: {  	[sflag:s29] =	ssyncset.done $0x0  }
0xf8: {  	[sflag:s29] =	ssyncadd.s32 $0xFFFFE000  }
0xf9: {  	[spmem:s2] =	stream.indirect.scatter.add.f32 [tilespmem:s31], [sflag:$0x7], $0x1, s4, s24, $0xb8;
	[tilespmem:$0x1FC78] =	vst v63  }
0xfa: {  	_ =	swait.ge [sflag:s29], $0x80  }
0xfb: {  	[sflag:s29] =	ssyncset.done $0x0  }
0xfc: {  	s13 =	simm.s32 $0x4E00;
	[sflag:s29] =	ssyncadd.s32 $0xFFFFFF80  }
0xfd: {  	[tilespmem:s18], [sflag:$0x1] =	stream.indirect.gather [hbm4b:s14+s24], $0x40, s13, s24, $0xb8;
	[tilespmem:$0x1FC78] =	vst v63  }
0xfe: {  	_ =	swait.ge [sflag:s20], $0x2000  }
0xff: {  	[sflag:s20] =	ssyncset.done $0x0  }
0x100: {  	[sflag:s20] =	ssyncadd.s32 $0xFFFFE000  }
0x101: {  	[spmem:s1] =	stream.indirect.scatter.add.f32 [tilespmem:s25], [sflag:$0x7], $0x40, s5, s24, $0xb8;
	[tilespmem:$0x1FC78] =	vst v63  }
0x102: {  	_ =	swait.ge [sflag:s29], $0x2000  }
0x103: {  	[sflag:s29] =	ssyncset.done $0x0  }
0x104: {  	[sflag:s29] =	ssyncadd.s32 $0xFFFFE000  }
0x105: {  	[spmem:s2] =	stream.indirect.scatter.add.f32 [tilespmem:s31], [sflag:$0x7], $0x1, s5, s24, $0xb8;
	[tilespmem:$0x1FC78] =	vst v63  }
0x106: {  	_ =	swait.ge [sflag:s29], $0x80  }
0x107: {  	[sflag:s29] =	ssyncset.done $0x0  }
0x108: {  	[sflag:s29] =	ssyncadd.s32 $0xFFFFFF80  }
0x109: {  	_ =	swait.ge [sflag:s21], $0x2000  }
0x10a: {  	[sflag:s21] =	ssyncset.done $0x0  }
0x10b: {  	[sflag:s21] =	ssyncadd.s32 $0xFFFFE000  }
0x10c: {  	[spmem:s1] =	stream.indirect.scatter.add.f32 [tilespmem:s28], [sflag:$0x7], $0x40, s6, s24, $0xb8;
	[tilespmem:$0x1FC78] =	vst v63  }
0x10d: {  	_ =	swait.ge [sflag:s29], $0x2000  }
0x10e: {  	[sflag:s29] =	ssyncset.done $0x0  }
0x10f: {  	[sflag:s29] =	ssyncadd.s32 $0xFFFFE000  }
0x110: {  	[spmem:s2] =	stream.indirect.scatter.add.f32 [tilespmem:s31], [sflag:$0x7], $0x1, s6, s24, $0xb8;
	[tilespmem:$0x1FC78] =	vst v63  }
0x111: {  	_ =	swait.ge [sflag:s29], $0x80  }
0x112: {  	[sflag:s29] =	ssyncset.done $0x0  }
0x113: {  	[sflag:s29] =	ssyncadd.s32 $0xFFFFFF80  }
0x114: {  	_ =	swait.ge [sflag:s22], $0x2000  }
0x115: {  	[sflag:s22] =	ssyncset.done $0x0  }
0x116: {  	[sflag:s22] =	ssyncadd.s32 $0xFFFFE000  }
0x117: {  	[spmem:s1] =	stream.indirect.scatter.add.f32 [tilespmem:s30], [sflag:$0x7], $0x40, s7, s24, $0xb8;
	[tilespmem:$0x1FC78] =	vst v63  }
0x118: {  	_ =	swait.ge [sflag:s29], $0x2000  }
0x119: {  	[sflag:s29] =	ssyncset.done $0x0  }
0x11a: {  	[sflag:s29] =	ssyncadd.s32 $0xFFFFE000  }
0x11b: {  	[spmem:s2] =	stream.indirect.scatter.add.f32 [tilespmem:s31], [sflag:$0x7], $0x1, s7, s24, $0xb8;
	[tilespmem:$0x1FC78] =	vst v63  }
0x11c: {  	_ =	swait.ge [sflag:s29], $0x80  }
0x11d: {  	[sflag:s29] =	ssyncset.done $0x0  }
0x11e: {  	[sflag:s29] =	ssyncadd.s32 $0xFFFFFF80  }
0x11f: {  	_ =	swait.ge [sflag:s17], $0x2000  }
0x120: {  	[sflag:s17] =	ssyncset.done $0x0  }
0x121: {  	[sflag:s17] =	ssyncadd.s32 $0xFFFFE000  }
0x122: {  	[spmem:s1] =	stream.indirect.scatter.add.f32 [tilespmem:s0], [sflag:$0x7], $0x40, s8, s24, $0xb8;
	[tilespmem:$0x1FC78] =	vst v63  }
0x123: {  	_ =	swait.ge [sflag:s29], $0x2000  }
0x124: {  	[sflag:s29] =	ssyncset.done $0x0  }
0x125: {  	[sflag:s29] =	ssyncadd.s32 $0xFFFFE000  }
0x126: {  	[spmem:s2] =	stream.indirect.scatter.add.f32 [tilespmem:s31], [sflag:$0x7], $0x1, s8, s24, $0xb8;
	[tilespmem:$0x1FC78] =	vst v63  }
0x127: {  	_ =	swait.ge [sflag:s29], $0x80  }
0x128: {  	[sflag:s29] =	ssyncset.done $0x0  }
0x129: {  	[sflag:s29] =	ssyncadd.s32 $0xFFFFFF80  }
0x12a: {  	_ =	swait.ge [sflag:s3], $0x2000  }
0x12b: {  	[sflag:s3] =	ssyncset.done $0x0  }
0x12c: {  	[sflag:s3] =	ssyncadd.s32 $0xFFFFE000  }
0x12d: {  	[spmem:s1] =	stream.indirect.scatter.add.f32 [tilespmem:s26], [sflag:$0x7], $0x40, s10, s24, $0xb8;
	[tilespmem:$0x1FC78] =	vst v63  }
0x12e: {  	_ =	swait.ge [sflag:s29], $0x2000  }
0x12f: {  	[sflag:s29] =	ssyncset.done $0x0  }
0x130: {  	[sflag:s29] =	ssyncadd.s32 $0xFFFFE000  }
0x131: {  	[spmem:s2] =	stream.indirect.scatter.add.f32 [tilespmem:s31], [sflag:$0x7], $0x1, s10, s24, $0xb8;
	[tilespmem:$0x1FC78] =	vst v63  }
0x132: {  	_ =	swait.ge [sflag:s29], $0x80  }
0x133: {  	[sflag:s29] =	ssyncset.done $0x0  }
0x134: {  	[sflag:s29] =	ssyncadd.s32 $0xFFFFFF80  }
0x135: {  	_ =	swait.ge [sflag:s19], $0x2000  }
0x136: {  	[sflag:s19] =	ssyncset.done $0x0  }
0x137: {  	[sflag:s19] =	ssyncadd.s32 $0xFFFFE000  }
0x138: {  	[spmem:s1] =	stream.indirect.scatter.add.f32 [tilespmem:s18], [sflag:$0x7], $0x40, s11, s24, $0xb8;
	[tilespmem:$0x1FC78] =	vst v63  }
0x139: {  	_ =	swait.ge [sflag:s29], $0x2000  }
0x13a: {  	[sflag:s29] =	ssyncset.done $0x0  }
0x13b: {  	[sflag:s29] =	ssyncadd.s32 $0xFFFFE000  }
0x13c: {  	[spmem:s2] =	stream.indirect.scatter.add.f32 [tilespmem:s31], [sflag:$0x7], $0x1, s11, s24, $0xb8;
	[tilespmem:$0x1FC78] =	vst v63  }
0x13d: {  	_ =	swait.ge [sflag:s29], $0x80  }
0x13e: {  	[sflag:s29] =	ssyncset.done $0x0  }
0x13f: {  	s15 =	stileid.u32;
	[sflag:s29] =	ssyncadd.s32 $0xFFFFFF80  }
0x140: {  	s4 =	simm.s32 $0x8;
	s13 =	sshll.u32 s15, $0x6;
	[bflag:$0x0] =	sbarrier.arrive $0xFFFF  }
0x141: {  	s15 =	sshrl.u32 s9, $0x3;
	s13 =	sor.u32 $0x1C07, s13;
	s16 =	rddreg [dreg:$0xd]  }
0x142: {  	[hbm:s16@s23], [sflag:s13] =	dma.strided [spmem:s15@s4], $0x1388, s19, $0x8   }
0x143: {  	_ =	swait.ge [sflag:s29], $0x1388  }
0x144: {  	[sflag:s29] =	ssyncset.done $0x0  }
0x145: {  	s15 =	sshrl.u32 @!p1 s2, $0x3;
	s16 =	rddreg [dreg:$0x6];
	[sflag:s29] =	ssyncadd.s32 $0xFFFFEC78  }
0x146: {  	[hbm:s16], [sflag:s13] =	dma.local @!p1 [spmem:s15], $0x4E2  }
0x147: {  	s13 =	simm.s32 @!p1 $0x7  }
0x148: {  	_ =	swait.ge @!p1 [sflag:s13], $0x4E2  }
0x149: {  	s12 =	sadd.s32 $0x1, s12;
	s16 =	rddreg [dreg:$0xe]  }
0x14a: {  	p2 =	sne.s32 s12, s16  }
.Ltmp2:
0x14b: {  	_ = 	snop;
	(pc) =	sbr.rel @p2 .LBB2_1-.Ltmp2, $3  }
0x14c: {  	_ =	sdelay $0x1  }
0x14d: {  	[sflag:s13] =	ssyncset.done @!p1 $0x0  }
0x14e: {  	[sflag:s13] =	ssyncadd.s32 @!p1 $0xFFFFFB1E  }
0x14f: {  	_ =	sfence.sel $0x180000  }
0x150: {  	[bflag:$0x0] =	sbarrier.arrive $0xFFFF  }
0x151: {  	_ =	strace $0x90000047  }
0x152: {  	[bflag:$0x2] =	sbarrier.arrive $0xFFFF  }
0x153: {  	s0 =	rddreg [dreg:$0x4]  }
0x154: {  	s0 =	sadd.s32 @!p0 $0x100000, s0  }
0x155: {  	[sflag:s0] =	ssyncadd.tile.s32 @!p0 $0x1;
	_ =	shalt  }
.Lfunc_end2:
_tile_overlayer_lowered:
.L_overlay_start_2:
0x156: {  	(tag) =	ssettag $0x2  }
0x157: {  	s0 =	rddreg [dreg:$0x0];
	s2 =	stileid.u32  }
0x158: {  	s1 =	rddreg [dreg:$0x1];
	p0 =	sne.s32 s2, $0x0  }
0x159: {  	s3 =	rddreg [dreg:$0x2];
	[bflag:$0x3] =	sbarrier.arrive $0xFFFF;
	s2 =	simm.s32 @!p0 $0x1C07  }
0x15a: {  	[timem:s3], [sflag:s2] =	dma.local @!p0 [hbm:s0], s1  }
0x15b: {  	s0 =	simm.s32 @!p0 $0x7  }
0x15c: {  	_ =	swait.ge @!p0 [sflag:s0], s1  }
0x15d: {  	s1 =	ssub.s32 @!p0 $0x0, s1;
	[sflag:s0] =	ssyncset.done @!p0 $0x0  }
0x15e: {  	[sflag:s0] =	ssyncadd.s32 @!p0 s1  }
0x15f: {  	[bflag:$0x3] =	sbarrier.arrive $0xFFFF  }
0x160: {  	_ =	shalt  }

// kernel: kernel.9.cloned.1.call-start
scs
__scs_entry_jumppad:
0x0: {  	(pc) =	sbr.rel $0x88, $3  }
0x1: {  	(tag) =	ssettag $0x0;
	lr =	simm.s32 $0x1  }
0x2: {  	[smem:$0x3F99] =	sst lr;
	_ =	strace $0xD0000000  }
0x3: {  	_ = 	snop  }
0x4: {  	_ = 	snop  }
0x5: {  	_ = 	snop  }
0x6: {  	_ = 	snop  }
0x7: {  	_ = 	snop  }
__scs_overlays_trampoline_lowered:
0x8: {  	[smem:$0x3FA8] =	sst s0  }
0x9: {  	[smem:$0x3FA9] =	sst s1  }
0xa: {  	[smem:$0x3FAA] =	sst s2  }
0xb: {  	[smem:$0x3FAB] =	sst s3  }
0xc: {  	[smem:$0x3FAC] =	sst s4  }
0xd: {  	[smem:$0x3FAD] =	sst s5  }
0xe: {  	[smem:$0x3FAE] =	sst s6  }
0xf: {  	[smem:$0x3FAF] =	sst s7  }
0x10: {  	[smem:$0x3FB0] =	sst s8  }
0x11: {  	[smem:$0x3FB1] =	sst s9;
	s0 =	simm.s32 @!p0 $0x0  }
0x12: {  	s1 =	sld [smem:$0x3F97];
	s0 =	simm.s32 @p0 $0x1  }
0x13: {  	[smem:$0x3FB2] =	sst s0;
	s0 =	simm.s32 @!p1 $0x0  }
0x14: {  	s2 =	sld [smem:$0x3F96];
	s0 =	simm.s32 @p1 $0x1  }
0x15: {  	[smem:$0x3FB3] =	sst s0;
	s0 =	simm.s32 @!p2 $0x0  }
0x16: {  	s3 =	sld [smem:$0x3FDB];
	s0 =	simm.s32 @p2 $0x1  }
0x17: {  	s4 =	simm.s32 $0x1BF5;
	[smem:$0x3FB5] =	sst s0  }
0x18: {  	s0 =	sld [smem:$0x3F98];
	_ =	swait.ge [sflag:s4], $0x0  }
0x19: {  	s7 =	sld [smem:$0x3F99]  }
0x1a: {  	s8 =	sadd.s32 $0xFFFFE003, lr  }
0x1b: {  	s9 =	sadd.s32 $0xFFFFFEF7, lr;
	s5 =	simm.s32 $0xFFFFFFFF;
	p2 =	slt.u32 s8, $0xFFFFF086  }
0x1c: {  	p1 =	slt.u32 s9, $0xF7A;
	s5 =	simm.s32 @!p2 $0x0  }
0x1d: {  	s5 =	simm.s32 @p1 $0x1;
	p0 =	seq.s32 s7, s2  }
0x1e: {  	s7 =	smul.u32 @!p0 $0xF7A, s2;
	p2 =	seq.s32 @!p0 s5, $0x0  }
0x1f: {  	s9 =	smul.u32 $0xF7A, s1;
	s8 =	simm.s32 @!p0 $0x1BF5;
	p2 =	por !p2, p0  }
0x20: {  	[sflag:s8] =	ssyncset.s32 @!p0 $0xFFFFF086;
	s6 =	sadd.s32 @!p0 s3, s7;
	s7 =	simm.s32 @!p0 $0x108  }
0x21: {  	s3 =	sadd.s32 s3, s9;
	s6 =	sadd.s32 @!p0 $0x88, s6;
	s7 =	simm.s32 @p2 $0x1082  }
0x22: {  	[simem:s7], [sflag:s8] =	dma.local @!p0 [hbm:s6], $0xF7A  }
0x23: {  	s9 =	sor.u32 $0xD0000000, s2;
	s6 =	simm.s32 $0x108;
	_ =	swait.ge @!p0 [sflag:s8], $0x0  }
0x24: {  	s3 =	sadd.s32 $0x88, s3;
	s6 =	simm.s32 @!p1 $0x1082;
	[sflag:s4] =	ssyncset.s32 $0xFFFFF086  }
0x25: {  	[simem:s6], [sflag:s4] =	dma.local [hbm:s3], $0xF7A  }
0x26: {  	[smem:$0x3F99] =	sst s1;
	(tag) =	ssettag s2;
	_ =	strace s9  }
0x27: {  	s1 =	sld [smem:$0x3FA9]  }
0x28: {  	s2 =	sld [smem:$0x3FAA]  }
0x29: {  	s4 =	sld [smem:$0x3FAC]  }
0x2a: {  	p0 =	seq.s32 s5, $0x0;
	s5 =	sld [smem:$0x3FAD]  }
0x2b: {  	s6 =	sld [smem:$0x3FAE]  }
0x2c: {  	s7 =	sld [smem:$0x3FAF]  }
0x2d: {  	s3 =	simm.s32 $0x108;
	s8 =	sld [smem:$0x3FB0]  }
0x2e: {  	s3 =	simm.s32 @!p0 $0x1082;
	s9 =	sld [smem:$0x3FB1]  }
0x2f: {  	lr =	sadd.s32 s0, s3;
	s0 =	sld [smem:$0x3FA8]  }
0x30: {  	s3 =	sld [smem:$0x3FAB]  }
0x31: {  	[smem:$0x3FB4] =	sst s10  }
0x32: {  	s10 =	sld [smem:$0x3FB2];
	_ =	sdelay $0x3  }
0x33: {  	p0 =	seq.s32 s10, $0x1;
	s10 =	sld [smem:$0x3FB4];
	_ =	sdelay $0x3  }
0x34: {  	[smem:$0x3FB4] =	sst s10  }
0x35: {  	s10 =	sld [smem:$0x3FB3];
	_ =	sdelay $0x3  }
0x36: {  	p1 =	seq.s32 s10, $0x1;
	s10 =	sld [smem:$0x3FB4];
	_ =	sdelay $0x3  }
0x37: {  	[smem:$0x3FB4] =	sst s10  }
0x38: {  	s10 =	sld [smem:$0x3FB5]  }
0x39: {  	_ = 	snop;
	(pc) =	sbr.ind lr, $3  }
0x3a: {  	_ = 	snop  }
0x3b: {  	_ = 	snop  }
0x3c: {  	p2 =	seq.s32 s10, $0x1;
	s10 =	sld [smem:$0x3FB4]  }
0x3d: {  	_ =	shalt  }
0x3e: {  	_ =	shalt  }
0x3f: {  	_ =	shalt  }
0x40: {  	_ =	shalt  }
0x41: {  	_ =	shalt  }
0x42: {  	_ =	shalt  }
0x43: {  	_ =	shalt  }
0x44: {  	_ =	shalt  }
0x45: {  	_ =	shalt  }
0x46: {  	_ =	shalt  }
0x47: {  	_ =	shalt  }
0x48: {  	_ =	shalt  }
0x49: {  	_ =	shalt  }
0x4a: {  	_ =	shalt  }
0x4b: {  	_ =	shalt  }
0x4c: {  	_ =	shalt  }
0x4d: {  	_ =	shalt  }
0x4e: {  	_ =	shalt  }
0x4f: {  	_ =	shalt  }
0x50: {  	_ =	shalt  }
0x51: {  	_ =	shalt  }
0x52: {  	_ =	shalt  }
0x53: {  	_ =	shalt  }
0x54: {  	_ =	shalt  }
0x55: {  	_ =	shalt  }
0x56: {  	_ =	shalt  }
0x57: {  	_ =	shalt  }
0x58: {  	_ =	shalt  }
0x59: {  	_ =	shalt  }
0x5a: {  	_ =	shalt  }
0x5b: {  	_ =	shalt  }
0x5c: {  	_ =	shalt  }
0x5d: {  	_ =	shalt  }
0x5e: {  	_ =	shalt  }
0x5f: {  	_ =	shalt  }
0x60: {  	_ =	shalt  }
0x61: {  	_ =	shalt  }
0x62: {  	_ =	shalt  }
0x63: {  	_ =	shalt  }
0x64: {  	_ =	shalt  }
0x65: {  	_ =	shalt  }
0x66: {  	_ =	shalt  }
0x67: {  	_ =	shalt  }
0x68: {  	_ =	shalt  }
0x69: {  	_ =	shalt  }
0x6a: {  	_ =	shalt  }
0x6b: {  	_ =	shalt  }
0x6c: {  	_ =	shalt  }
0x6d: {  	_ =	shalt  }
0x6e: {  	_ =	shalt  }
0x6f: {  	_ =	shalt  }
0x70: {  	_ =	shalt  }
0x71: {  	_ =	shalt  }
0x72: {  	_ =	shalt  }
0x73: {  	_ =	shalt  }
0x74: {  	_ =	shalt  }
0x75: {  	_ =	shalt  }
0x76: {  	_ =	shalt  }
0x77: {  	_ =	shalt  }
0x78: {  	_ =	shalt  }
0x79: {  	_ =	shalt  }
0x7a: {  	_ =	shalt  }
0x7b: {  	_ =	shalt  }
0x7c: {  	_ =	shalt  }
0x7d: {  	_ =	shalt  }
0x7e: {  	_ =	shalt  }
0x7f: {  	_ =	shalt  }
0x80: {  	_ =	shalt  }
0x81: {  	_ =	shalt  }
0x82: {  	_ =	shalt  }
0x83: {  	_ =	shalt  }
0x84: {  	_ =	shalt  }
0x85: {  	_ =	shalt  }
0x86: {  	_ =	shalt  }
0x87: {  	_ =	shalt  }
.Lfunc_end0:
.L_simem_size_0:
called_computation.1_lowered:
.L_overlay_start_0:
0x88: {  	s2 =	sld [smem:$0x3FD9]  }
0x89: {  	s3 =	sld [smem:$0x3FFE];
	_ =	sdelay $0x1  }
0x8a: {  	s1 =	srdreg.scid  }
0x8b: {  	s0 =	sand.u32 $0x1, s1  }
0x8c: {  	s17 =	sshll.u32 s0, $0xA;
	s2 =	sadd.s32 s3, s2  }
0x8d: {  	s2 =	sadd.s32 s2, s17  }
0x8e: {  	[smem:$0x3FC0] =	sst s2  }
0x8f: {  	_ = 	snop  }
0x90: {  	s2 =	sld [smem:$0x3FD0];
	(tm) =	ssettm $0x1  }
0x91: {  	s18 =	sld [smem:$0x3FFB];
	_ =	sdelay $0x3  }
0x92: {  	_ =	strace s18  }
0x93: {  	s3 =	sld [smem:$0x3FFC];
	_ =	sdelay $0x3  }
0x94: {  	_ =	strace s3  }
0x95: {  	s3 =	sld [smem:$0x3FFD];
	_ =	sdelay $0x3  }
0x96: {  	_ =	strace s3  }
0x97: {  	_ =	strace $0x8FFFFFFF  }
0x98: {  	s19 =	sld [smem:$0x3FDB];
	_ =	sdelay $0x1  }
0x99: {  	s4 =	simm.s32 $_scs_section_size  }
0x9a: {  	s5 =	simm.s32 $_size__tile_overlayer_lowered;
	s6 =	simm.s32 $_tile_overlayer_lowered  }
0x9b: {  	s22 =	simm.s32 $0x1BFF;
	s21 =	sshll.u32 s6, $0x1;
	s3 =	sadd.s32 s4, s19  }
0x9c: {  	s7 =	simm.s32 $0x0;
	s20 =	sshll.u32 s5, $0x1;
	s5 =	sadd.s32 s21, s3  }
0x9d: {  	[timem:s7], [sflag:s22] =	dma.local [hbm:s5], s20  }
0x9e: {  	_ =	swait.ge [sflag:s22], s20  }
0x9f: {  	s4 =	ssub.s32 $0x0, s20;
	[sflag:s22] =	ssyncset.done $0x0  }
0xa0: {  	[sflag:s22] =	ssyncadd.s32 s4;
	_ =	sdelay $0x1  }
0xa1: {  	s23 =	simm.s32 $0x1B8B  }
0xa2: {  	_ =	swait.ge [sflag:s23], $0x1  }
0xa3: {  	[sflag:s23] =	ssyncset.done $0x0  }
0xa4: {  	s25 =	simm.s32 $0x1B8E;
	s24 =	sld [smem:$0x3FFE];
	[sflag:s23] =	ssyncadd.s32 $0xFFFFFFFF  }
0xa5: {  	s26 =	simm.s32 $execute0_lowered;
	[smem:$0x3FD2] =	sst s25  }
0xa6: {  	s5 =	sshll.u32 s26, $0x1;
	_ =	strace $0x80000049;
	[dreg:$0x1] =	wrdreg $0xFFFFFFFF  }
0xa7: {  	s28 =	simm.s32 $_size_execute0_lowered;
	s3 =	sadd.s32 s3, s5;
	[dreg:$0x0] =	wrdreg $0x0  }
0xa8: {  	s5 =	sshll.u32 s28, $0x1;
	[dreg:$0x2] =	wrdreg s3  }
0xa9: {  	[dreg:$0x3] =	wrdreg s5  }
0xaa: {  	[dreg:$0x4] =	wrdreg $0xC0  }
0xab: {  	_ =	task [dreg:s7], $0x5FFFF  }
0xac: {  	[dreg:$0x1] =	wrdreg $0xFFFFFFFF  }
0xad: {  	[dreg:$0x0] =	wrdreg $0x60  }
0xae: {  	[dreg:$0x2] =	wrdreg s2  }
0xaf: {  	[dreg:$0x3] =	wrdreg s24  }
0xb0: {  	[dreg:$0x4] =	wrdreg $0x15D000  }
0xb1: {  	[dreg:$0x5] =	wrdreg $0x9  }
0xb2: {  	_ =	task.clear_ibuf [dreg:s7], $0x6FFFF;
	_ =	strace $0x90000049  }
0xb3: {  	s29 =	simm.s32 $0x9;
	_ =	strace $0x8000004B  }
0xb4: {  	_ =	swait.ge [sflag:s29], $0x1  }
0xb5: {  	[sflag:s29] =	ssyncadd.s32 $0xFFFFFFFF  }
0xb6: {  	_ =	strace $0x9000004B  }
0xb7: {  	_ =	sfence  }
0xb8: {  	s30 =	sld [smem:$0x0];
	_ =	sdelay $0x2  }
0xb9: {  	s31 =	sshll.u32 s1, $0xD;
	s1 =	sshrl.u32 s1, $0x2  }
0xba: {  	s3 =	sand.u32 $0x4000, s31;
	s1 =	sadd.s32 s1, s30  }
0xbb: {  	s0 =	sor.u32 s3, s0;
	s1 =	sshll.u32 s1, $0x11  }
0xbc: {  	s0 =	sor.u32 s1, s0  }
0xbd: {  	s0 =	sadd.s32 $0x8F2B, s0  }
0xbe: {  	[sflag:s0] =	ssyncadd.remote.s32 $0x1  }
0xbf: {  	_ =	sfence.sel $0xFFFF  }
0xc0: {  	[dreg:$0x0] =	wrdreg $0xFFFFFFFF;
	(pc) =	sbr.abs _section_cstart, $3  }
0xc1: {  	[dreg:$0x1] =	wrdreg $0xFFFFFFFF  }
0xc2: {  	_ =	task.clear_ibuf [dreg:s7], $0x2FFFF;
	_ =	strace $0x9FFFFFFF  }
0xc3: {  	(tm) =	ssettm $0x7FFFFFFF  }
tec
execute0_lowered:
.L_overlay_start_1:
0x0: {  	(tag) =	ssettag $0x1  }
0x1: {  	s0 =	rddreg [dreg:$0x0]  }
0x2: {  	s1 =	rddreg [dreg:$0x1]  }
0x3: {  	s2 =	rddreg [dreg:$0x2]  }
0x4: {  	s7 =	stileid.u32;
	s4 =	srdreg.scid;
	s3 =	simm.s32 $0x0  }
0x5: {  	s15 =	simm.s32 $0x9D00;
	s16 =	simm.s32 $0x1;
	s17 =	simm.s32 $0x2  }
0x6: {  	s18 =	simm.s32 $0x3;
	s19 =	simm.s32 $0x4;
	s20 =	simm.s32 $0x80  }
0x7: {  	s21 =	simm.s32 $0xBD00;
	s28 =	simm.s32 $0x11D00;
	s30 =	simm.s32 $0x13D00  }
0x8: {  	s31 =	simm.s32 $0x7;
	s14 =	simm.s32 $0x6;
	s22 =	smul.u32 $0x13880, s7  }
0x9: {  	s29 =	simm.s32 $0x8;
	s8 =	sand.u32 $0x1, s4;
	s5 =	smul.u32 $0x9D0, s7  }
0xa: {  	[smem:$0x7FF] =	sst s3;
	s23 =	smul.u32 $0x27100, s7;
	s6 =	sshll.u32 s8, $0x6  }
0xb: {  	_ =	strace $0x8000004A;
	s25 =	ssub.s32 $0x2, s8;
	s11 =	smul.u32 $0x13880, s8  }
0xc: {  	s4 =	sor.u32 s6, s22;
	s24 =	sadd.s32 s5, s1;
	s26 =	sshrl.u32 s25, $0x1  }
0xd: {  	s6 =	sshrl.u32 s23, $0x2;
	s23 =	simm.s32 $0xDD00;
	s22 =	simm.s32 $0x0  }
0xe: {  	s4 =	sshrl.u32 s4, $0x3;
	s13 =	ssub.s32 s25, s26;
	s5 =	sadd.s32 s6, s2  }
0xf: {  	s6 =	sadd.s32 $0x2E00, s24;
	s11 =	sadd.s32 s0, s11;
	s25 =	simm.s32 $0xFD00  }
0x10: {  	s0 =	simm.s32 $0x5;
	s1 =	sadd.s32 s4, s1;
	s4 =	sadd.s32 $0xCC00, s24  }
0x11: {  	s7 =	sadd.s32 $0x2000, s5;
	s8 =	sadd.s32 $0x4000, s5;
	s9 =	sadd.s32 $0x6000, s5  }
0x12: {  	v0 =	vimm.f32 $0.0e+00;
	s10 =	sadd.s32 $0x8000, s5;
	s13 =	smax.u32 s13, $0x1;
	s12 =	sadd.s32 $0x64C00, s1  }
.LBB2_1:
0x13: {  	[tilespmem:s3], [sflag:$0x1] =	stream.linear.gather [hbm4b:s4+s3], $0x4E80, $0x38;
	[tilespmem:$0x1F980] =	vst v63  }
0x14: {  	s1 =	simm.s32 $0x4E80  }
0x15: {  	[tilespmem:s1], [sflag:$0x2] =	stream.linear.gather [hbm4b:s6+s3], $0x4E80, $0x38;
	[tilespmem:$0x1F980] =	vst v63  }
0x16: {  	s24 =	simm.s32 $0x100;
	s1 =	simm.s32 $0x0  }
.LBB2_2:
0x17: {  	p0 =	sne.s32 s24, $0x7F00;
	[tilespmem:s1+$0x9D30] =	vst v0;
	s26 =	smov.u32 s24;
	s24 =	sadd.s32 $0x100, s24  }
.Ltmp0:
0x18: {  	[tilespmem:s1+$0x9D20] =	vst v0;
	(pc) =	sbr.rel @p0 .LBB2_2-.Ltmp0, $3  }
0x19: {  	[tilespmem:s1+$0x9D00] =	vst v0  }
0x1a: {  	[tilespmem:s1+$0x9D10] =	vst v0;
	_ =	sdelay $0x1  }
0x1b: {  	s1 =	sshra.s32 s26, $0x2  }
0x1c: {  	[tilespmem:s1+$0x9D30] =	vst v0  }
0x1d: {  	[tilespmem:s1+$0x9D20] =	vst v0  }
0x1e: {  	[tilespmem:s1+$0x9D00] =	vst v0  }
0x1f: {  	[tilespmem:s1+$0x9D10] =	vst v0  }
0x20: {  	[spmem:s5] =	stream.linear.scatter [tilespmem:s15], [sflag:$0x3], $0x2000, $0x38;
	[tilespmem:$0x1F980] =	vst v63  }
0x21: {  	_ = 	snop  }
0x22: {  	[spmem:s7] =	stream.linear.scatter [tilespmem:s15], [sflag:$0x3], $0x2000, $0x38;
	[tilespmem:$0x1F980] =	vst v63  }
0x23: {  	_ = 	snop  }
0x24: {  	[spmem:s8] =	stream.linear.scatter [tilespmem:s15], [sflag:$0x3], $0x2000, $0x38;
	[tilespmem:$0x1F980] =	vst v63  }
0x25: {  	_ = 	snop  }
0x26: {  	[spmem:s9] =	stream.linear.scatter [tilespmem:s15], [sflag:$0x3], $0x2000, $0x38;
	[tilespmem:$0x1F980] =	vst v63  }
0x27: {  	_ = 	snop  }
0x28: {  	[spmem:s10] =	stream.linear.scatter [tilespmem:s15], [sflag:$0x4], $0x1C40, $0x38;
	[tilespmem:$0x1F980] =	vst v63  }
0x29: {  	_ =	swait.ge [sflag:s16], $0x4E80  }
0x2a: {  	[sflag:s16] =	ssyncset.done $0x0  }
0x2b: {  	[sflag:s16] =	ssyncadd.s32 $0xFFFFB180  }
0x2c: {  	_ =	swait.ge [sflag:s17], $0x4E80  }
0x2d: {  	[sflag:s17] =	ssyncset.done $0x0  }
0x2e: {  	[sflag:s17] =	ssyncadd.s32 $0xFFFFB180  }
0x2f: {  	_ =	swait.ge [sflag:s18], $0x2000  }
0x30: {  	[sflag:s18] =	ssyncset.done $0x0  }
0x31: {  	[sflag:s18] =	ssyncadd.s32 $0xFFFFE000  }
0x32: {  	_ =	swait.ge [sflag:s18], $0x2000  }
0x33: {  	[sflag:s18] =	ssyncset.done $0x0  }
0x34: {  	[sflag:s18] =	ssyncadd.s32 $0xFFFFE000  }
0x35: {  	_ =	swait.ge [sflag:s18], $0x2000  }
0x36: {  	[sflag:s18] =	ssyncset.done $0x0  }
0x37: {  	[sflag:s18] =	ssyncadd.s32 $0xFFFFE000  }
0x38: {  	_ =	swait.ge [sflag:s18], $0x2000  }
0x39: {  	[sflag:s18] =	ssyncset.done $0x0  }
0x3a: {  	[sflag:s18] =	ssyncadd.s32 $0xFFFFE000  }
0x3b: {  	_ =	swait.ge [sflag:s19], $0x1C40  }
0x3c: {  	[sflag:s19] =	ssyncset.done $0x0  }
0x3d: {  	[sflag:s19] =	ssyncadd.s32 $0xFFFFE3C0  }
0x3e: {  	s24 =	simm.s32 $0x0;
	[bflag:$0x0] =	sbarrier.arrive $0xFFFF  }
0x3f: {  	[tilespmem:s15], [sflag:$0x1] =	stream.indirect.gather [hbm4b:s11+s20], $0x40, s24, s20, $0xb8;
	[tilespmem:$0x1F980] =	vst v63  }
0x40: {  	_ = 	snop  }
0x41: {  	[tilespmem:s21], [sflag:$0x2] =	stream.indirect.gather [hbm4b:s11+s20], $0x40, s20, s20, $0xb8;
	[tilespmem:$0x1F980] =	vst v63  }
0x42: {  	s26 =	simm.s32 $0x100  }
0x43: {  	[tilespmem:s23], [sflag:$0x3] =	stream.indirect.gather [hbm4b:s11+s20], $0x40, s26, s20, $0xb8;
	[tilespmem:$0x1F980] =	vst v63  }
0x44: {  	s24 =	simm.s32 $0x180  }
0x45: {  	[tilespmem:s25], [sflag:$0x4] =	stream.indirect.gather [hbm4b:s11+s20], $0x40, s24, s20, $0xb8;
	[tilespmem:$0x1F980] =	vst v63  }
0x46: {  	s26 =	simm.s32 $0x200  }
0x47: {  	[tilespmem:s28], [sflag:$0x5] =	stream.indirect.gather [hbm4b:s11+s20], $0x40, s26, s20, $0xb8;
	[tilespmem:$0x1F980] =	vst v63  }
0x48: {  	s24 =	simm.s32 $0x280  }
0x49: {  	[tilespmem:s30], [sflag:$0x6] =	stream.indirect.gather [hbm4b:s11+s20], $0x40, s24, s20, $0xb8;
	[tilespmem:$0x1F980] =	vst v63  }
0x4a: {  	_ =	swait.ge [sflag:s16], $0x2000  }
0x4b: {  	[sflag:s16] =	ssyncset.done $0x0  }
0x4c: {  	s26 =	simm.s32 $0x4E80;
	[sflag:s16] =	ssyncadd.s32 $0xFFFFE000  }
0x4d: {  	[spmem:s2] =	stream.indirect.scatter.add.f32 [tilespmem:s15], [sflag:$0x7], $0x40, s26, s20, $0xb8;
	[tilespmem:$0x1F980] =	vst v63  }
0x4e: {  	_ =	swait.ge [sflag:s31], $0x2000  }
0x4f: {  	[sflag:s31] =	ssyncset.done $0x0  }
0x50: {  	s24 =	simm.s32 $0x300;
	[sflag:s31] =	ssyncadd.s32 $0xFFFFE000  }
0x51: {  	[tilespmem:s15], [sflag:$0x1] =	stream.indirect.gather [hbm4b:s11+s20], $0x40, s24, s20, $0xb8;
	[tilespmem:$0x1F980] =	vst v63  }
0x52: {  	_ =	swait.ge [sflag:s17], $0x2000  }
0x53: {  	[sflag:s17] =	ssyncset.done $0x0  }
0x54: {  	s26 =	simm.s32 $0x4F00;
	[sflag:s17] =	ssyncadd.s32 $0xFFFFE000  }
0x55: {  	[spmem:s2] =	stream.indirect.scatter.add.f32 [tilespmem:s21], [sflag:$0x7], $0x40, s26, s20, $0xb8;
	[tilespmem:$0x1F980] =	vst v63  }
0x56: {  	_ =	swait.ge [sflag:s31], $0x2000  }
0x57: {  	[sflag:s31] =	ssyncset.done $0x0  }
0x58: {  	s24 =	simm.s32 $0x380;
	[sflag:s31] =	ssyncadd.s32 $0xFFFFE000  }
0x59: {  	[tilespmem:s21], [sflag:$0x2] =	stream.indirect.gather [hbm4b:s11+s20], $0x40, s24, s20, $0xb8;
	[tilespmem:$0x1F980] =	vst v63  }
0x5a: {  	_ =	swait.ge [sflag:s18], $0x2000  }
0x5b: {  	[sflag:s18] =	ssyncset.done $0x0  }
0x5c: {  	s26 =	simm.s32 $0x4F80;
	[sflag:s18] =	ssyncadd.s32 $0xFFFFE000  }
0x5d: {  	[spmem:s2] =	stream.indirect.scatter.add.f32 [tilespmem:s23], [sflag:$0x7], $0x40, s26, s20, $0xb8;
	[tilespmem:$0x1F980] =	vst v63  }
0x5e: {  	_ =	swait.ge [sflag:s31], $0x2000  }
0x5f: {  	[sflag:s31] =	ssyncset.done $0x0  }
0x60: {  	s24 =	simm.s32 $0x400;
	[sflag:s31] =	ssyncadd.s32 $0xFFFFE000  }
0x61: {  	[tilespmem:s23], [sflag:$0x3] =	stream.indirect.gather [hbm4b:s11+s20], $0x40, s24, s20, $0xb8;
	[tilespmem:$0x1F980] =	vst v63  }
0x62: {  	_ =	swait.ge [sflag:s19], $0x2000  }
0x63: {  	[sflag:s19] =	ssyncset.done $0x0  }
0x64: {  	s26 =	simm.s32 $0x5000;
	[sflag:s19] =	ssyncadd.s32 $0xFFFFE000  }
0x65: {  	[spmem:s2] =	stream.indirect.scatter.add.f32 [tilespmem:s25], [sflag:$0x7], $0x40, s26, s20, $0xb8;
	[tilespmem:$0x1F980] =	vst v63  }
0x66: {  	_ =	swait.ge [sflag:s31], $0x2000  }
0x67: {  	[sflag:s31] =	ssyncset.done $0x0  }
0x68: {  	s24 =	simm.s32 $0x480;
	[sflag:s31] =	ssyncadd.s32 $0xFFFFE000  }
0x69: {  	[tilespmem:s25], [sflag:$0x4] =	stream.indirect.gather [hbm4b:s11+s20], $0x40, s24, s20, $0xb8;
	[tilespmem:$0x1F980] =	vst v63  }
0x6a: {  	_ =	swait.ge [sflag:s0], $0x2000  }
0x6b: {  	[sflag:s0] =	ssyncset.done $0x0  }
0x6c: {  	s26 =	simm.s32 $0x5080;
	[sflag:s0] =	ssyncadd.s32 $0xFFFFE000  }
0x6d: {  	[spmem:s2] =	stream.indirect.scatter.add.f32 [tilespmem:s28], [sflag:$0x7], $0x40, s26, s20, $0xb8;
	[tilespmem:$0x1F980] =	vst v63  }
0x6e: {  	_ =	swait.ge [sflag:s31], $0x2000  }
0x6f: {  	[sflag:s31] =	ssyncset.done $0x0  }
0x70: {  	s24 =	simm.s32 $0x500;
	[sflag:s31] =	ssyncadd.s32 $0xFFFFE000  }
0x71: {  	[tilespmem:s28], [sflag:$0x5] =	stream.indirect.gather [hbm4b:s11+s20], $0x40, s24, s20, $0xb8;
	[tilespmem:$0x1F980] =	vst v63  }
0x72: {  	_ =	swait.ge [sflag:s14], $0x2000  }
0x73: {  	[sflag:s14] =	ssyncset.done $0x0  }
0x74: {  	s26 =	simm.s32 $0x5100;
	[sflag:s14] =	ssyncadd.s32 $0xFFFFE000  }
0x75: {  	[spmem:s2] =	stream.indirect.scatter.add.f32 [tilespmem:s30], [sflag:$0x7], $0x40, s26, s20, $0xb8;
	[tilespmem:$0x1F980] =	vst v63  }
0x76: {  	_ =	swait.ge [sflag:s31], $0x2000  }
0x77: {  	[sflag:s31] =	ssyncset.done $0x0  }
0x78: {  	s1 =	simm.s32 $0xC00;
	s24 =	simm.s32 $0x580;
	[sflag:s31] =	ssyncadd.s32 $0xFFFFE000  }
.LBB2_4:
0x79: {  	[tilespmem:s30], [sflag:$0x6] =	stream.indirect.gather [hbm4b:s11+s20], $0x40, s24, s20, $0xb8;
	[tilespmem:$0x1F980] =	vst v63  }
0x7a: {  	s24 =	smov.u32 s1  }
0x7b: {  	p0 =	sne.s32 s1, $0x12000;
	s1 =	sadd.s32 $0xC00, s1;
	_ =	swait.ge [sflag:s16], $0x2000  }
0x7c: {  	s24 =	sshra.s32 s24, $0x2;
	[sflag:s16] =	ssyncset.done $0x0  }
0x7d: {  	s26 =	sadd.s32 $0x4E80, s24;
	[sflag:s16] =	ssyncadd.s32 $0xFFFFE000  }
0x7e: {  	[spmem:s2] =	stream.indirect.scatter.add.f32 [tilespmem:s15], [sflag:$0x7], $0x40, s26, s20, $0xb8;
	[tilespmem:$0x1F980] =	vst v63  }
0x7f: {  	_ =	swait.ge [sflag:s31], $0x2000  }
0x80: {  	[sflag:s31] =	ssyncset.done $0x0  }
0x81: {  	s26 =	sadd.s32 $0x300, s24;
	[sflag:s31] =	ssyncadd.s32 $0xFFFFE000  }
0x82: {  	[tilespmem:s15], [sflag:$0x1] =	stream.indirect.gather [hbm4b:s11+s20], $0x40, s26, s20, $0xb8;
	[tilespmem:$0x1F980] =	vst v63  }
0x83: {  	_ =	swait.ge [sflag:s17], $0x2000  }
0x84: {  	[sflag:s17] =	ssyncset.done $0x0  }
0x85: {  	s26 =	sadd.s32 $0x4F00, s24;
	[sflag:s17] =	ssyncadd.s32 $0xFFFFE000  }
0x86: {  	[spmem:s2] =	stream.indirect.scatter.add.f32 [tilespmem:s21], [sflag:$0x7], $0x40, s26, s20, $0xb8;
	[tilespmem:$0x1F980] =	vst v63  }
0x87: {  	_ =	swait.ge [sflag:s31], $0x2000  }
0x88: {  	[sflag:s31] =	ssyncset.done $0x0  }
0x89: {  	s26 =	sadd.s32 $0x380, s24;
	[sflag:s31] =	ssyncadd.s32 $0xFFFFE000  }
0x8a: {  	[tilespmem:s21], [sflag:$0x2] =	stream.indirect.gather [hbm4b:s11+s20], $0x40, s26, s20, $0xb8;
	[tilespmem:$0x1F980] =	vst v63  }
0x8b: {  	_ =	swait.ge [sflag:s18], $0x2000  }
0x8c: {  	[sflag:s18] =	ssyncset.done $0x0  }
0x8d: {  	s26 =	sadd.s32 $0x4F80, s24;
	[sflag:s18] =	ssyncadd.s32 $0xFFFFE000  }
0x8e: {  	[spmem:s2] =	stream.indirect.scatter.add.f32 [tilespmem:s23], [sflag:$0x7], $0x40, s26, s20, $0xb8;
	[tilespmem:$0x1F980] =	vst v63  }
0x8f: {  	_ =	swait.ge [sflag:s31], $0x2000  }
0x90: {  	[sflag:s31] =	ssyncset.done $0x0  }
0x91: {  	s26 =	sadd.s32 $0x400, s24;
	[sflag:s31] =	ssyncadd.s32 $0xFFFFE000  }
0x92: {  	[tilespmem:s23], [sflag:$0x3] =	stream.indirect.gather [hbm4b:s11+s20], $0x40, s26, s20, $0xb8;
	[tilespmem:$0x1F980] =	vst v63  }
0x93: {  	_ =	swait.ge [sflag:s19], $0x2000  }
0x94: {  	[sflag:s19] =	ssyncset.done $0x0  }
0x95: {  	s26 =	sadd.s32 $0x5000, s24;
	[sflag:s19] =	ssyncadd.s32 $0xFFFFE000  }
0x96: {  	[spmem:s2] =	stream.indirect.scatter.add.f32 [tilespmem:s25], [sflag:$0x7], $0x40, s26, s20, $0xb8;
	[tilespmem:$0x1F980] =	vst v63  }
0x97: {  	_ =	swait.ge [sflag:s31], $0x2000  }
0x98: {  	[sflag:s31] =	ssyncset.done $0x0  }
0x99: {  	s26 =	sadd.s32 $0x480, s24;
	[sflag:s31] =	ssyncadd.s32 $0xFFFFE000  }
0x9a: {  	[tilespmem:s25], [sflag:$0x4] =	stream.indirect.gather [hbm4b:s11+s20], $0x40, s26, s20, $0xb8;
	[tilespmem:$0x1F980] =	vst v63  }
0x9b: {  	_ =	swait.ge [sflag:s0], $0x2000  }
0x9c: {  	[sflag:s0] =	ssyncset.done $0x0  }
0x9d: {  	s26 =	sadd.s32 $0x5080, s24;
	[sflag:s0] =	ssyncadd.s32 $0xFFFFE000  }
0x9e: {  	[spmem:s2] =	stream.indirect.scatter.add.f32 [tilespmem:s28], [sflag:$0x7], $0x40, s26, s20, $0xb8;
	[tilespmem:$0x1F980] =	vst v63  }
0x9f: {  	_ =	swait.ge [sflag:s31], $0x2000  }
0xa0: {  	[sflag:s31] =	ssyncset.done $0x0  }
0xa1: {  	s26 =	sadd.s32 $0x500, s24;
	[sflag:s31] =	ssyncadd.s32 $0xFFFFE000  }
0xa2: {  	[tilespmem:s28], [sflag:$0x5] =	stream.indirect.gather [hbm4b:s11+s20], $0x40, s26, s20, $0xb8;
	[tilespmem:$0x1F980] =	vst v63  }
0xa3: {  	_ =	swait.ge [sflag:s14], $0x2000  }
0xa4: {  	[sflag:s14] =	ssyncset.done $0x0  }
.Ltmp1:
0xa5: {  	s26 =	sadd.s32 $0x5100, s24;
	[sflag:s14] =	ssyncadd.s32 $0xFFFFE000;
	(pc) =	sbr.rel @p0 .LBB2_4-.Ltmp1, $4  }
0xa6: {  	[spmem:s2] =	stream.indirect.scatter.add.f32 [tilespmem:s30], [sflag:$0x7], $0x40, s26, s20, $0xb8;
	[tilespmem:$0x1F980] =	vst v63  }
0xa7: {  	_ =	swait.ge [sflag:s31], $0x2000  }
0xa8: {  	[sflag:s31] =	ssyncset.done $0x0  }
0xa9: {  	s24 =	sadd.s32 $0x580, s24;
	[sflag:s31] =	ssyncadd.s32 $0xFFFFE000  }
0xaa: {  	[tilespmem:s30], [sflag:$0x6] =	stream.indirect.gather [hbm4b:s11+s20], $0x40, s24, s20, $0xb8;
	[tilespmem:$0x1F980] =	vst v63  }
0xab: {  	_ =	swait.ge [sflag:s16], $0x2000  }
0xac: {  	[sflag:s16] =	ssyncset.done $0x0  }
0xad: {  	s1 =	simm.s32 $0x9980;
	[sflag:s16] =	ssyncadd.s32 $0xFFFFE000  }
0xae: {  	[spmem:s2] =	stream.indirect.scatter.add.f32 [tilespmem:s15], [sflag:$0x7], $0x40, s1, s20, $0xb8;
	[tilespmem:$0x1F980] =	vst v63  }
0xaf: {  	_ =	swait.ge [sflag:s31], $0x2000  }
0xb0: {  	[sflag:s31] =	ssyncset.done $0x0  }
0xb1: {  	s24 =	simm.s32 $0x4E00;
	[sflag:s31] =	ssyncadd.s32 $0xFFFFE000  }
0xb2: {  	[tilespmem:s15], [sflag:$0x1] =	stream.indirect.gather [hbm4b:s11+s20], $0x40, s24, s20, $0xb8;
	[tilespmem:$0x1F980] =	vst v63  }
0xb3: {  	_ =	swait.ge [sflag:s17], $0x2000  }
0xb4: {  	[sflag:s17] =	ssyncset.done $0x0  }
0xb5: {  	s26 =	simm.s32 $0x9A00;
	[sflag:s17] =	ssyncadd.s32 $0xFFFFE000  }
0xb6: {  	[spmem:s2] =	stream.indirect.scatter.add.f32 [tilespmem:s21], [sflag:$0x7], $0x40, s26, s20, $0xb8;
	[tilespmem:$0x1F980] =	vst v63  }
0xb7: {  	_ =	swait.ge [sflag:s31], $0x2000  }
0xb8: {  	[sflag:s31] =	ssyncset.done $0x0  }
0xb9: {  	[sflag:s31] =	ssyncadd.s32 $0xFFFFE000  }
0xba: {  	_ =	swait.ge [sflag:s18], $0x2000  }
0xbb: {  	[sflag:s18] =	ssyncset.done $0x0  }
0xbc: {  	s24 =	simm.s32 $0x9A80;
	[sflag:s18] =	ssyncadd.s32 $0xFFFFE000  }
0xbd: {  	[spmem:s2] =	stream.indirect.scatter.add.f32 [tilespmem:s23], [sflag:$0x7], $0x40, s24, s20, $0xb8;
	[tilespmem:$0x1F980] =	vst v63  }
0xbe: {  	_ =	swait.ge [sflag:s31], $0x2000  }
0xbf: {  	[sflag:s31] =	ssyncset.done $0x0  }
0xc0: {  	[sflag:s31] =	ssyncadd.s32 $0xFFFFE000  }
0xc1: {  	_ =	swait.ge [sflag:s19], $0x2000  }
0xc2: {  	[sflag:s19] =	ssyncset.done $0x0  }
0xc3: {  	s26 =	simm.s32 $0x9B00;
	[sflag:s19] =	ssyncadd.s32 $0xFFFFE000  }
0xc4: {  	[spmem:s2] =	stream.indirect.scatter.add.f32 [tilespmem:s25], [sflag:$0x7], $0x40, s26, s20, $0xb8;
	[tilespmem:$0x1F980] =	vst v63  }
0xc5: {  	_ =	swait.ge [sflag:s31], $0x2000  }
0xc6: {  	[sflag:s31] =	ssyncset.done $0x0  }
0xc7: {  	[sflag:s31] =	ssyncadd.s32 $0xFFFFE000  }
0xc8: {  	_ =	swait.ge [sflag:s0], $0x2000  }
0xc9: {  	[sflag:s0] =	ssyncset.done $0x0  }
0xca: {  	s24 =	simm.s32 $0x9B80;
	[sflag:s0] =	ssyncadd.s32 $0xFFFFE000  }
0xcb: {  	[spmem:s2] =	stream.indirect.scatter.add.f32 [tilespmem:s28], [sflag:$0x7], $0x40, s24, s20, $0xb8;
	[tilespmem:$0x1F980] =	vst v63  }
0xcc: {  	_ =	swait.ge [sflag:s31], $0x2000  }
0xcd: {  	[sflag:s31] =	ssyncset.done $0x0  }
0xce: {  	[sflag:s31] =	ssyncadd.s32 $0xFFFFE000  }
0xcf: {  	_ =	swait.ge [sflag:s14], $0x2000  }
0xd0: {  	[sflag:s14] =	ssyncset.done $0x0  }
0xd1: {  	s26 =	simm.s32 $0x9C00;
	[sflag:s14] =	ssyncadd.s32 $0xFFFFE000  }
0xd2: {  	[spmem:s2] =	stream.indirect.scatter.add.f32 [tilespmem:s30], [sflag:$0x7], $0x40, s26, s20, $0xb8;
	[tilespmem:$0x1F980] =	vst v63  }
0xd3: {  	_ =	swait.ge [sflag:s31], $0x2000  }
0xd4: {  	[sflag:s31] =	ssyncset.done $0x0  }
0xd5: {  	[sflag:s31] =	ssyncadd.s32 $0xFFFFE000  }
0xd6: {  	_ =	swait.ge [sflag:s16], $0x2000  }
0xd7: {  	[sflag:s16] =	ssyncset.done $0x0  }
0xd8: {  	s24 =	simm.s32 $0x9C80;
	[sflag:s16] =	ssyncadd.s32 $0xFFFFE000  }
0xd9: {  	[spmem:s2] =	stream.indirect.scatter.add.f32 [tilespmem:s15], [sflag:$0x7], $0x40, s24, s20, $0xb8;
	[tilespmem:$0x1F980] =	vst v63  }
0xda: {  	s22 =	sadd.s32 $0x1, s22;
	s26 =	stileid.u32;
	_ =	swait.ge [sflag:s31], $0x2000  }
0xdb: {  	p0 =	sne.s32 s22, s13;
	s1 =	sshll.u32 s26, $0x6;
	[sflag:s31] =	ssyncset.done $0x0  }
0xdc: {  	s26 =	simm.s32 $0x10;
	s1 =	sor.u32 $0x1C07, s1;
	[sflag:s31] =	ssyncadd.s32 $0xFFFFE000  }
.Ltmp2:
0xdd: {  	s24 =	sshrl.u32 s5, $0x3;
	[bflag:$0x0] =	sbarrier.arrive $0xFFFF;
	(pc) =	sbr.rel @p0 .LBB2_1-.Ltmp2, $4  }
0xde: {  	[hbm:s12@s26], [sflag:s1] =	dma.strided [spmem:s24@s29], $0x1388, s16, $0x8   }
0xdf: {  	_ =	swait.ge [sflag:s31], $0x1388  }
0xe0: {  	[sflag:s31] =	ssyncset.done $0x0  }
0xe1: {  	[sflag:s31] =	ssyncadd.s32 $0xFFFFEC78  }
0xe2: {  	_ =	sfence.sel $0x180000  }
0xe3: {  	[bflag:$0x0] =	sbarrier.arrive $0xFFFF  }
0xe4: {  	_ =	strace $0x9000004A  }
0xe5: {  	s0 =	stileid.u32;
	[bflag:$0x2] =	sbarrier.arrive $0xFFFF  }
0xe6: {  	p0 =	sne.s32 s0, $0x0;
	s0 =	rddreg [dreg:$0x3]  }
0xe7: {  	s0 =	sadd.s32 @!p0 $0x100000, s0  }
0xe8: {  	[sflag:s0] =	ssyncadd.tile.s32 @!p0 $0x1;
	_ =	shalt  }
.Lfunc_end2:
_tile_overlayer_lowered:
.L_overlay_start_2:
0xe9: {  	(tag) =	ssettag $0x2  }
0xea: {  	s0 =	rddreg [dreg:$0x0];
	s2 =	stileid.u32  }
0xeb: {  	s1 =	rddreg [dreg:$0x1];
	p0 =	sne.s32 s2, $0x0  }
0xec: {  	s3 =	rddreg [dreg:$0x2];
	[bflag:$0x3] =	sbarrier.arrive $0xFFFF;
	s2 =	simm.s32 @!p0 $0x1C07  }
0xed: {  	[timem:s3], [sflag:s2] =	dma.local @!p0 [hbm:s0], s1  }
0xee: {  	s0 =	simm.s32 @!p0 $0x7  }
0xef: {  	_ =	swait.ge @!p0 [sflag:s0], s1  }
0xf0: {  	s1 =	ssub.s32 @!p0 $0x0, s1;
	[sflag:s0] =	ssyncset.done @!p0 $0x0  }
0xf1: {  	[sflag:s0] =	ssyncadd.s32 @!p0 s1  }
0xf2: {  	[bflag:$0x3] =	sbarrier.arrive $0xFFFF  }
0xf3: {  	_ =	shalt  }

</sc_bundles>
